<compile_context>
chip_gen: v7x
topology: tpu7x:2x2x1
jax: 0.10.2.dev20260603
libtpu: 0.0.44.dev20260713+nightly
codegen_flags: <defaults>
</compile_context>

<pallas_src>
import functools

import jax
import jax.numpy as jnp
from jax import lax
from jax.experimental import pallas as pl
from jax.experimental.pallas import tpu as pltpu
from jax.experimental.pallas import tpu_sc as plsc

_NUM_CORES = 2
_NUM_SUBCORES = 16
_NW = _NUM_CORES * _NUM_SUBCORES
_RING = 8


def _gather_tilecols(D: int, B: int, b_per_w: int):
    mesh = plsc.VectorSubcoreMesh(core_axis_name="c", subcore_axis_name="s")

    @functools.partial(
        pl.kernel,
        mesh=mesh,
        out_type=jax.ShapeDtypeStruct((D, B), jnp.float32),
        scratch_types=[
            pltpu.VMEM((b_per_w,), jnp.int32),
            pltpu.VMEM((_RING, D, 128), jnp.float32),
            pltpu.VMEM((D, b_per_w), jnp.float32),
            [pltpu.SemaphoreType.DMA] * _RING,
        ],
        compiler_params=pltpu.CompilerParams(
            use_tc_tiling_on_sc=True, needs_layout_passes=False),
    )
    def body(idx_hbm, wt_hbm, out_hbm, idx_v, ring_v, out_v, sems):
        wid = lax.axis_index("s") * _NUM_CORES + lax.axis_index("c")
        base = wid * b_per_w
        pltpu.sync_copy(idx_hbm.at[pl.ds(base, b_per_w)], idx_v)

        rows_lo = lax.iota(jnp.int32, 16)
        rows_hi = rows_lo + 16

        def sidx(g):
            start = pl.multiple_of((g >> 4) << 4, 16)
            chunk = idx_v[pl.ds(start, 16)]
            return jnp.max(jnp.where(rows_lo == (g & 15), chunk, -1))

        def fire(g, slot):
            v = sidx(g)
            col = pl.multiple_of((v >> 7) << 7, 128)
            for t in range(D // 8):
                pltpu.async_copy(
                    wt_hbm.at[pl.ds(8 * t, 8), pl.ds(col, 128)],
                    ring_v.at[slot, pl.ds(8 * t, 8)],
                    sems[slot])

        for s in range(_RING):
            fire(s, s)

        def step(b, carry):
            for s in range(_RING):
                g = b * _RING + s
                pltpu.make_async_copy(
                    wt_hbm.at[:, pl.ds(0, 128)], ring_v.at[s], sems[s]
                ).wait()
                c = jnp.full((16,), sidx(g) & 127, jnp.int32)
                gcol = jnp.full((16,), g, jnp.int32)
                lo = plsc.load_gather(ring_v.at[s], [rows_lo, c])
                hi = plsc.load_gather(ring_v.at[s], [rows_hi, c])
                plsc.store_scatter(out_v, [rows_lo, gcol], lo)
                plsc.store_scatter(out_v, [rows_hi, gcol], hi)

                @pl.when(g + _RING < b_per_w)
                def _():
                    fire(g + _RING, s)

            return carry

        lax.fori_loop(0, b_per_w // _RING, step, 0)
        pltpu.sync_copy(out_v, out_hbm.at[:, pl.ds(base, b_per_w)])

    return body


def kernel(category, embedding_weight):
    (B,) = category.shape
    V, D = embedding_weight.shape
    b_per_w = B // _NW
    out_t = _gather_tilecols(D, B, b_per_w)(category, embedding_weight.T)
    return out_t.T

# --- scband reference (transcript-rebuilt; emitter-appended) ---
"""Pipeline reference for scband-embedding-model-9277129359575 (READ-ONLY COPY).

The authoritative reference and input builder live on the scoring server;
editing this copy changes nothing except your own understanding.
"""

import jax, jax.numpy as jnp
import numpy as np

VOCAB = 1000000
EMBED_DIM = 32
BATCH = 16384


def setup_inputs(seed: int = 0) -> dict:
    key = jax.random.key(seed)
    k_idx, k_w = jax.random.split(key)
    category = jax.random.randint(k_idx, (BATCH,), 0, VOCAB, dtype=jnp.int64 if jax.config.jax_enable_x64 else jnp.int32).astype(jnp.int32)
    # nn.Embedding default init: N(0, 1)
    embedding_weight = jax.random.normal(k_w, (VOCAB, EMBED_DIM), dtype=jnp.float32)
    return {"category": category, "embedding_weight": embedding_weight}


def reference(category, embedding_weight):
    # Faithful to nn.Embedding lookup: out[i] = weight[category[i]]
    return jnp.take(embedding_weight, category, axis=0)

if __name__ == "__main__":
    import jax
    _d = setup_inputs()
    print(jax.jit(kernel)(*tuple(_d.values())))

</pallas_src>

<mosaic_0001>
#map = affine_map<(d0, d1) -> (0)>
#map1 = affine_map<(d0, d1) -> (0, 0)>
module attributes {stable_mosaic.version = 14 : i64} {
  func.func @body(%arg0: i32, %arg1: i32, %arg2: memref<16384xi32, #tpu.memory_space<hbm>>, %arg3: memref<32x1000000xf32, #tpu.memory_space<hbm>>, %arg4: memref<32x16384xf32, #tpu.memory_space<hbm>>, %arg5: memref<512xi32, #tpu.memory_space<vmem>>, %arg6: memref<8x32x128xf32, #tpu.memory_space<vmem>>, %arg7: memref<32x512xf32, #tpu.memory_space<vmem>>, %arg8: memref<!tpu.dma_semaphore, #tpu.memory_space<semaphore_mem>>, %arg9: memref<!tpu.dma_semaphore, #tpu.memory_space<semaphore_mem>>, %arg10: memref<!tpu.dma_semaphore, #tpu.memory_space<semaphore_mem>>, %arg11: memref<!tpu.dma_semaphore, #tpu.memory_space<semaphore_mem>>, %arg12: memref<!tpu.dma_semaphore, #tpu.memory_space<semaphore_mem>>, %arg13: memref<!tpu.dma_semaphore, #tpu.memory_space<semaphore_mem>>, %arg14: memref<!tpu.dma_semaphore, #tpu.memory_space<semaphore_mem>>, %arg15: memref<!tpu.dma_semaphore, #tpu.memory_space<semaphore_mem>>) attributes {dimension_semantics = [#tpu.dimension_semantics<core_parallel>, #tpu.dimension_semantics<subcore_parallel>], iteration_bounds = array<i64: 2, 16>, scalar_prefetch = 0 : i64, scratch_operands = 11 : i64, tpu.core_type = #tpu.core_type<sc_vector_subcore>, window_params = [{transform_indices = #map}, {transform_indices = #map1}, {transform_indices = #map1}]} {
    %mul3A = arith.constant 2 : i32
    %mul3A_0 = arith.muli %arg1, %mul3A : i32
    %add3A = arith.addi %mul3A_0, %arg0 : i32
    %mul3A_1 = arith.constant 512 : i32
    %mul3A_2 = arith.muli %add3A, %mul3A_1 : i32
    "tpu.region"() ({
      %run_scoped3A = tpu.sem_alloc : memref<!tpu.dma_semaphore, #tpu.memory_space<semaphore_mem>>
      %dma_start3A_601 = tpu.memref_slice %arg2[%mul3A_2] : memref<16384xi32, #tpu.memory_space<hbm>> -> memref<512xi32, #tpu.memory_space<hbm>>
      %dma_start3A_602 = tpu.memref_slice %arg2[%mul3A_2] : memref<16384xi32, #tpu.memory_space<hbm>> -> memref<512xi32, #tpu.memory_space<hbm>>
      tpu.enqueue_dma source(%dma_start3A_602 : memref<512xi32, #tpu.memory_space<hbm>>) target(%arg5 : memref<512xi32, #tpu.memory_space<vmem>>) target_semaphore(%run_scoped3A : memref<!tpu.dma_semaphore, #tpu.memory_space<semaphore_mem>>)
      %dma_wait3A = tpu.memref_slice %arg2[%mul3A_2] : memref<16384xi32, #tpu.memory_space<hbm>> -> memref<512xi32, #tpu.memory_space<hbm>>
      %dma_wait3A_603 = tpu.memref_slice %arg2[%mul3A_2] : memref<16384xi32, #tpu.memory_space<hbm>> -> memref<512xi32, #tpu.memory_space<hbm>>
      tpu.wait_dma2 semaphore(%run_scoped3A : memref<!tpu.dma_semaphore, #tpu.memory_space<semaphore_mem>>) src(%dma_wait3A_603 : memref<512xi32, #tpu.memory_space<hbm>>) dst(%arg5 : memref<512xi32, #tpu.memory_space<vmem>>)
      tpu.yield
    }) : () -> ()
    %iota3A = tpu.iota {dimensions = array<i32: 0>} : vector<16xi32>
    %add3A_3 = arith.constant 16 : i32
    %add3A_4 = vector.broadcast %add3A_3 : i32 to vector<16xi32>
    %add3A_5 = arith.addi %iota3A, %add3A_4 : vector<16xi32>
    %multiple_of3A = arith.constant 0 : i32
    %multiple_of3A_6 = tpu.assume_multiple %multiple_of3A, 16 : i32
    %get3A = arith.index_cast %multiple_of3A_6 : i32 to index
    %get3A_7 = tpu.vector_load %arg5[%get3A] {strides = array<i32>} : memref<512xi32, #tpu.memory_space<vmem>>, vector<16xi32>,
    %eq3A = arith.constant 0 : i32
    %eq3A_8 = vector.broadcast %eq3A : i32 to vector<16xi32>
    %eq3A_9 = arith.cmpi eq, %iota3A, %eq3A_8 : vector<16xi32>
    %jit3A = arith.constant -1 : i32
    %broadcast_in_dim3A = vector.broadcast %jit3A : i32 to vector<16xi32>
    %select_n3A = arith.select %eq3A_9, %get3A_7, %broadcast_in_dim3A : vector<16xi1>, vector<16xi32>
    %reduce_max3A = arith.constant true
    %reduce_max3A_10 = vector.broadcast %reduce_max3A : i1 to vector<16xi1>
    %reduce_max3A_11 = arith.constant -2147483648 : i32
    %reduce_max3A_12 = vector.broadcast %reduce_max3A_11 : i32 to vector<16xi32>
    %reduce_max3A_13 = arith.xori %select_n3A, %reduce_max3A_12 : vector<16xi32>
    %reduce_max3A_14 = tpu.scan <max>, %reduce_max3A_13 masked %reduce_max3A_10 : vector<16xi32>, vector<16xi1> -> vector<16xi32>
    %reduce_max3A_15 = arith.xori %reduce_max3A_14, %reduce_max3A_12 : vector<16xi32>
    %reduce_max3A_16 = vector.extract %reduce_max3A_15[15] : i32 from vector<16xi32>
    %shift_right_arithmetic3A = arith.constant 7 : i32
    %shift_right_arithmetic3A_17 = arith.shrsi %reduce_max3A_16, %shift_right_arithmetic3A : i32
    %shift_left3A = arith.constant 7 : i32
    %shift_left3A_18 = arith.shli %shift_right_arithmetic3A_17, %shift_left3A : i32
    %multiple_of3A_19 = tpu.assume_multiple %shift_left3A_18, 128 : i32
    %dma_start3A = arith.constant 0 : i32
    %dma_start3A_20 = arith.constant 0 : i32
    %dma_start3A_21 = arith.constant 0 : i32
    %dma_start3A_22 = tpu.memref_slice %arg6[%dma_start3A, %dma_start3A_20, %dma_start3A_21] : memref<8x32x128xf32, #tpu.memory_space<vmem>> -> memref<1x8x128xf32, #tpu.memory_space<vmem>>
    %dma_start3A_23 = tpu.memref_squeeze %dma_start3A_22 : memref<1x8x128xf32, #tpu.memory_space<vmem>> -> memref<8x128xf32, #tpu.memory_space<vmem>>
    %dma_start3A_24 = arith.constant 0 : i32
    %dma_start3A_25 = tpu.memref_slice %arg3[%dma_start3A_24, %multiple_of3A_19] : memref<32x1000000xf32, #tpu.memory_space<hbm>> -> memref<8x128xf32, #tpu.memory_space<hbm>>
    %dma_start3A_26 = arith.constant 0 : i32
    %dma_start3A_27 = arith.constant 0 : i32
    %dma_start3A_28 = tpu.memref_slice %arg6[%dma_start3A, %dma_start3A_26, %dma_start3A_27] : memref<8x32x128xf32, #tpu.memory_space<vmem>> -> memref<1x8x128xf32, #tpu.memory_space<vmem>>
    %dma_start3A_29 = tpu.memref_squeeze %dma_start3A_28 : memref<1x8x128xf32, #tpu.memory_space<vmem>> -> memref<8x128xf32, #tpu.memory_space<vmem>>
    %dma_start3A_30 = arith.constant 0 : i32
    %dma_start3A_31 = tpu.memref_slice %arg3[%dma_start3A_30, %multiple_of3A_19] : memref<32x1000000xf32, #tpu.memory_space<hbm>> -> memref<8x128xf32, #tpu.memory_space<hbm>>
    tpu.enqueue_dma source(%dma_start3A_31 : memref<8x128xf32, #tpu.memory_space<hbm>>) target(%dma_start3A_29 : memref<8x128xf32, #tpu.memory_space<vmem>>) target_semaphore(%arg8 : memref<!tpu.dma_semaphore, #tpu.memory_space<semaphore_mem>>)
    %dma_start3A_32 = arith.constant 0 : i32
    %dma_start3A_33 = arith.constant 8 : i32
    %dma_start3A_34 = arith.constant 0 : i32
    %dma_start3A_35 = tpu.memref_slice %arg6[%dma_start3A_32, %dma_start3A_33, %dma_start3A_34] : memref<8x32x128xf32, #tpu.memory_space<vmem>> -> memref<1x8x128xf32, #tpu.memory_space<vmem>>
    %dma_start3A_36 = tpu.memref_squeeze %dma_start3A_35 : memref<1x8x128xf32, #tpu.memory_space<vmem>> -> memref<8x128xf32, #tpu.memory_space<vmem>>
    %dma_start3A_37 = arith.constant 8 : i32
    %dma_start3A_38 = tpu.memref_slice %arg3[%dma_start3A_37, %multiple_of3A_19] : memref<32x1000000xf32, #tpu.memory_space<hbm>> -> memref<8x128xf32, #tpu.memory_space<hbm>>
    %dma_start3A_39 = arith.constant 8 : i32
    %dma_start3A_40 = arith.constant 0 : i32
    %dma_start3A_41 = tpu.memref_slice %arg6[%dma_start3A_32, %dma_start3A_39, %dma_start3A_40] : memref<8x32x128xf32, #tpu.memory_space<vmem>> -> memref<1x8x128xf32, #tpu.memory_space<vmem>>
    %dma_start3A_42 = tpu.memref_squeeze %dma_start3A_41 : memref<1x8x128xf32, #tpu.memory_space<vmem>> -> memref<8x128xf32, #tpu.memory_space<vmem>>
    %dma_start3A_43 = arith.constant 8 : i32
    %dma_start3A_44 = tpu.memref_slice %arg3[%dma_start3A_43, %multiple_of3A_19] : memref<32x1000000xf32, #tpu.memory_space<hbm>> -> memref<8x128xf32, #tpu.memory_space<hbm>>
    tpu.enqueue_dma source(%dma_start3A_44 : memref<8x128xf32, #tpu.memory_space<hbm>>) target(%dma_start3A_42 : memref<8x128xf32, #tpu.memory_space<vmem>>) target_semaphore(%arg8 : memref<!tpu.dma_semaphore, #tpu.memory_space<semaphore_mem>>)
    %dma_start3A_45 = arith.constant 0 : i32
    %dma_start3A_46 = arith.constant 16 : i32
    %dma_start3A_47 = arith.constant 0 : i32
    %dma_start3A_48 = tpu.memref_slice %arg6[%dma_start3A_45, %dma_start3A_46, %dma_start3A_47] : memref<8x32x128xf32, #tpu.memory_space<vmem>> -> memref<1x8x128xf32, #tpu.memory_space<vmem>>
    %dma_start3A_49 = tpu.memref_squeeze %dma_start3A_48 : memref<1x8x128xf32, #tpu.memory_space<vmem>> -> memref<8x128xf32, #tpu.memory_space<vmem>>
    %dma_start3A_50 = arith.constant 16 : i32
    %dma_start3A_51 = tpu.memref_slice %arg3[%dma_start3A_50, %multiple_of3A_19] : memref<32x1000000xf32, #tpu.memory_space<hbm>> -> memref<8x128xf32, #tpu.memory_space<hbm>>
    %dma_start3A_52 = arith.constant 16 : i32
    %dma_start3A_53 = arith.constant 0 : i32
    %dma_start3A_54 = tpu.memref_slice %arg6[%dma_start3A_45, %dma_start3A_52, %dma_start3A_53] : memref<8x32x128xf32, #tpu.memory_space<vmem>> -> memref<1x8x128xf32, #tpu.memory_space<vmem>>
    %dma_start3A_55 = tpu.memref_squeeze %dma_start3A_54 : memref<1x8x128xf32, #tpu.memory_space<vmem>> -> memref<8x128xf32, #tpu.memory_space<vmem>>
    %dma_start3A_56 = arith.constant 16 : i32
    %dma_start3A_57 = tpu.memref_slice %arg3[%dma_start3A_56, %multiple_of3A_19] : memref<32x1000000xf32, #tpu.memory_space<hbm>> -> memref<8x128xf32, #tpu.memory_space<hbm>>
    tpu.enqueue_dma source(%dma_start3A_57 : memref<8x128xf32, #tpu.memory_space<hbm>>) target(%dma_start3A_55 : memref<8x128xf32, #tpu.memory_space<vmem>>) target_semaphore(%arg8 : memref<!tpu.dma_semaphore, #tpu.memory_space<semaphore_mem>>)
    %dma_start3A_58 = arith.constant 0 : i32
    %dma_start3A_59 = arith.constant 24 : i32
    %dma_start3A_60 = arith.constant 0 : i32
    %dma_start3A_61 = tpu.memref_slice %arg6[%dma_start3A_58, %dma_start3A_59, %dma_start3A_60] : memref<8x32x128xf32, #tpu.memory_space<vmem>> -> memref<1x8x128xf32, #tpu.memory_space<vmem>>
    %dma_start3A_62 = tpu.memref_squeeze %dma_start3A_61 : memref<1x8x128xf32, #tpu.memory_space<vmem>> -> memref<8x128xf32, #tpu.memory_space<vmem>>
    %dma_start3A_63 = arith.constant 24 : i32
    %dma_start3A_64 = tpu.memref_slice %arg3[%dma_start3A_63, %multiple_of3A_19] : memref<32x1000000xf32, #tpu.memory_space<hbm>> -> memref<8x128xf32, #tpu.memory_space<hbm>>
    %dma_start3A_65 = arith.constant 24 : i32
    %dma_start3A_66 = arith.constant 0 : i32
    %dma_start3A_67 = tpu.memref_slice %arg6[%dma_start3A_58, %dma_start3A_65, %dma_start3A_66] : memref<8x32x128xf32, #tpu.memory_space<vmem>> -> memref<1x8x128xf32, #tpu.memory_space<vmem>>
    %dma_start3A_68 = tpu.memref_squeeze %dma_start3A_67 : memref<1x8x128xf32, #tpu.memory_space<vmem>> -> memref<8x128xf32, #tpu.memory_space<vmem>>
    %dma_start3A_69 = arith.constant 24 : i32
    %dma_start3A_70 = tpu.memref_slice %arg3[%dma_start3A_69, %multiple_of3A_19] : memref<32x1000000xf32, #tpu.memory_space<hbm>> -> memref<8x128xf32, #tpu.memory_space<hbm>>
    tpu.enqueue_dma source(%dma_start3A_70 : memref<8x128xf32, #tpu.memory_space<hbm>>) target(%dma_start3A_68 : memref<8x128xf32, #tpu.memory_space<vmem>>) target_semaphore(%arg8 : memref<!tpu.dma_semaphore, #tpu.memory_space<semaphore_mem>>)
    %multiple_of3A_71 = arith.constant 0 : i32
    %multiple_of3A_72 = tpu.assume_multiple %multiple_of3A_71, 16 : i32
    %get3A_73 = arith.index_cast %multiple_of3A_72 : i32 to index
    %get3A_74 = tpu.vector_load %arg5[%get3A_73] {strides = array<i32>} : memref<512xi32, #tpu.memory_space<vmem>>, vector<16xi32>,
    %eq3A_75 = arith.constant 1 : i32
    %eq3A_76 = vector.broadcast %eq3A_75 : i32 to vector<16xi32>
    %eq3A_77 = arith.cmpi eq, %iota3A, %eq3A_76 : vector<16xi32>
    %jit3A_78 = arith.constant -1 : i32
    %broadcast_in_dim3A_79 = vector.broadcast %jit3A_78 : i32 to vector<16xi32>
    %select_n3A_80 = arith.select %eq3A_77, %get3A_74, %broadcast_in_dim3A_79 : vector<16xi1>, vector<16xi32>
    %reduce_max3A_81 = arith.constant true
    %reduce_max3A_82 = vector.broadcast %reduce_max3A_81 : i1 to vector<16xi1>
    %reduce_max3A_83 = arith.constant -2147483648 : i32
    %reduce_max3A_84 = vector.broadcast %reduce_max3A_83 : i32 to vector<16xi32>
    %reduce_max3A_85 = arith.xori %select_n3A_80, %reduce_max3A_84 : vector<16xi32>
    %reduce_max3A_86 = tpu.scan <max>, %reduce_max3A_85 masked %reduce_max3A_82 : vector<16xi32>, vector<16xi1> -> vector<16xi32>
    %reduce_max3A_87 = arith.xori %reduce_max3A_86, %reduce_max3A_84 : vector<16xi32>
    %reduce_max3A_88 = vector.extract %reduce_max3A_87[15] : i32 from vector<16xi32>
    %shift_right_arithmetic3A_89 = arith.constant 7 : i32
    %shift_right_arithmetic3A_90 = arith.shrsi %reduce_max3A_88, %shift_right_arithmetic3A_89 : i32
    %shift_left3A_91 = arith.constant 7 : i32
    %shift_left3A_92 = arith.shli %shift_right_arithmetic3A_90, %shift_left3A_91 : i32
    %multiple_of3A_93 = tpu.assume_multiple %shift_left3A_92, 128 : i32
    %dma_start3A_94 = arith.constant 1 : i32
    %dma_start3A_95 = arith.constant 0 : i32
    %dma_start3A_96 = arith.constant 0 : i32
    %dma_start3A_97 = tpu.memref_slice %arg6[%dma_start3A_94, %dma_start3A_95, %dma_start3A_96] : memref<8x32x128xf32, #tpu.memory_space<vmem>> -> memref<1x8x128xf32, #tpu.memory_space<vmem>>
    %dma_start3A_98 = tpu.memref_squeeze %dma_start3A_97 : memref<1x8x128xf32, #tpu.memory_space<vmem>> -> memref<8x128xf32, #tpu.memory_space<vmem>>
    %dma_start3A_99 = arith.constant 0 : i32
    %dma_start3A_100 = tpu.memref_slice %arg3[%dma_start3A_99, %multiple_of3A_93] : memref<32x1000000xf32, #tpu.memory_space<hbm>> -> memref<8x128xf32, #tpu.memory_space<hbm>>
    %dma_start3A_101 = arith.constant 0 : i32
    %dma_start3A_102 = arith.constant 0 : i32
    %dma_start3A_103 = tpu.memref_slice %arg6[%dma_start3A_94, %dma_start3A_101, %dma_start3A_102] : memref<8x32x128xf32, #tpu.memory_space<vmem>> -> memref<1x8x128xf32, #tpu.memory_space<vmem>>
    %dma_start3A_104 = tpu.memref_squeeze %dma_start3A_103 : memref<1x8x128xf32, #tpu.memory_space<vmem>> -> memref<8x128xf32, #tpu.memory_space<vmem>>
    %dma_start3A_105 = arith.constant 0 : i32
    %dma_start3A_106 = tpu.memref_slice %arg3[%dma_start3A_105, %multiple_of3A_93] : memref<32x1000000xf32, #tpu.memory_space<hbm>> -> memref<8x128xf32, #tpu.memory_space<hbm>>
    tpu.enqueue_dma source(%dma_start3A_106 : memref<8x128xf32, #tpu.memory_space<hbm>>) target(%dma_start3A_104 : memref<8x128xf32, #tpu.memory_space<vmem>>) target_semaphore(%arg9 : memref<!tpu.dma_semaphore, #tpu.memory_space<semaphore_mem>>)
    %dma_start3A_107 = arith.constant 1 : i32
    %dma_start3A_108 = arith.constant 8 : i32
    %dma_start3A_109 = arith.constant 0 : i32
    %dma_start3A_110 = tpu.memref_slice %arg6[%dma_start3A_107, %dma_start3A_108, %dma_start3A_109] : memref<8x32x128xf32, #tpu.memory_space<vmem>> -> memref<1x8x128xf32, #tpu.memory_space<vmem>>
    %dma_start3A_111 = tpu.memref_squeeze %dma_start3A_110 : memref<1x8x128xf32, #tpu.memory_space<vmem>> -> memref<8x128xf32, #tpu.memory_space<vmem>>
    %dma_start3A_112 = arith.constant 8 : i32
    %dma_start3A_113 = tpu.memref_slice %arg3[%dma_start3A_112, %multiple_of3A_93] : memref<32x1000000xf32, #tpu.memory_space<hbm>> -> memref<8x128xf32, #tpu.memory_space<hbm>>
    %dma_start3A_114 = arith.constant 8 : i32
    %dma_start3A_115 = arith.constant 0 : i32
    %dma_start3A_116 = tpu.memref_slice %arg6[%dma_start3A_107, %dma_start3A_114, %dma_start3A_115] : memref<8x32x128xf32, #tpu.memory_space<vmem>> -> memref<1x8x128xf32, #tpu.memory_space<vmem>>
    %dma_start3A_117 = tpu.memref_squeeze %dma_start3A_116 : memref<1x8x128xf32, #tpu.memory_space<vmem>> -> memref<8x128xf32, #tpu.memory_space<vmem>>
    %dma_start3A_118 = arith.constant 8 : i32
    %dma_start3A_119 = tpu.memref_slice %arg3[%dma_start3A_118, %multiple_of3A_93] : memref<32x1000000xf32, #tpu.memory_space<hbm>> -> memref<8x128xf32, #tpu.memory_space<hbm>>
    tpu.enqueue_dma source(%dma_start3A_119 : memref<8x128xf32, #tpu.memory_space<hbm>>) target(%dma_start3A_117 : memref<8x128xf32, #tpu.memory_space<vmem>>) target_semaphore(%arg9 : memref<!tpu.dma_semaphore, #tpu.memory_space<semaphore_mem>>)
    %dma_start3A_120 = arith.constant 1 : i32
    %dma_start3A_121 = arith.constant 16 : i32
    %dma_start3A_122 = arith.constant 0 : i32
    %dma_start3A_123 = tpu.memref_slice %arg6[%dma_start3A_120, %dma_start3A_121, %dma_start3A_122] : memref<8x32x128xf32, #tpu.memory_space<vmem>> -> memref<1x8x128xf32, #tpu.memory_space<vmem>>
    %dma_start3A_124 = tpu.memref_squeeze %dma_start3A_123 : memref<1x8x128xf32, #tpu.memory_space<vmem>> -> memref<8x128xf32, #tpu.memory_space<vmem>>
    %dma_start3A_125 = arith.constant 16 : i32
    %dma_start3A_126 = tpu.memref_slice %arg3[%dma_start3A_125, %multiple_of3A_93] : memref<32x1000000xf32, #tpu.memory_space<hbm>> -> memref<8x128xf32, #tpu.memory_space<hbm>>
    %dma_start3A_127 = arith.constant 16 : i32
    %dma_start3A_128 = arith.constant 0 : i32
    %dma_start3A_129 = tpu.memref_slice %arg6[%dma_start3A_120, %dma_start3A_127, %dma_start3A_128] : memref<8x32x128xf32, #tpu.memory_space<vmem>> -> memref<1x8x128xf32, #tpu.memory_space<vmem>>
    %dma_start3A_130 = tpu.memref_squeeze %dma_start3A_129 : memref<1x8x128xf32, #tpu.memory_space<vmem>> -> memref<8x128xf32, #tpu.memory_space<vmem>>
    %dma_start3A_131 = arith.constant 16 : i32
    %dma_start3A_132 = tpu.memref_slice %arg3[%dma_start3A_131, %multiple_of3A_93] : memref<32x1000000xf32, #tpu.memory_space<hbm>> -> memref<8x128xf32, #tpu.memory_space<hbm>>
    tpu.enqueue_dma source(%dma_start3A_132 : memref<8x128xf32, #tpu.memory_space<hbm>>) target(%dma_start3A_130 : memref<8x128xf32, #tpu.memory_space<vmem>>) target_semaphore(%arg9 : memref<!tpu.dma_semaphore, #tpu.memory_space<semaphore_mem>>)
    %dma_start3A_133 = arith.constant 1 : i32
    %dma_start3A_134 = arith.constant 24 : i32
    %dma_start3A_135 = arith.constant 0 : i32
    %dma_start3A_136 = tpu.memref_slice %arg6[%dma_start3A_133, %dma_start3A_134, %dma_start3A_135] : memref<8x32x128xf32, #tpu.memory_space<vmem>> -> memref<1x8x128xf32, #tpu.memory_space<vmem>>
    %dma_start3A_137 = tpu.memref_squeeze %dma_start3A_136 : memref<1x8x128xf32, #tpu.memory_space<vmem>> -> memref<8x128xf32, #tpu.memory_space<vmem>>
    %dma_start3A_138 = arith.constant 24 : i32
    %dma_start3A_139 = tpu.memref_slice %arg3[%dma_start3A_138, %multiple_of3A_93] : memref<32x1000000xf32, #tpu.memory_space<hbm>> -> memref<8x128xf32, #tpu.memory_space<hbm>>
    %dma_start3A_140 = arith.constant 24 : i32
    %dma_start3A_141 = arith.constant 0 : i32
    %dma_start3A_142 = tpu.memref_slice %arg6[%dma_start3A_133, %dma_start3A_140, %dma_start3A_141] : memref<8x32x128xf32, #tpu.memory_space<vmem>> -> memref<1x8x128xf32, #tpu.memory_space<vmem>>
    %dma_start3A_143 = tpu.memref_squeeze %dma_start3A_142 : memref<1x8x128xf32, #tpu.memory_space<vmem>> -> memref<8x128xf32, #tpu.memory_space<vmem>>
    %dma_start3A_144 = arith.constant 24 : i32
    %dma_start3A_145 = tpu.memref_slice %arg3[%dma_start3A_144, %multiple_of3A_93] : memref<32x1000000xf32, #tpu.memory_space<hbm>> -> memref<8x128xf32, #tpu.memory_space<hbm>>
    tpu.enqueue_dma source(%dma_start3A_145 : memref<8x128xf32, #tpu.memory_space<hbm>>) target(%dma_start3A_143 : memref<8x128xf32, #tpu.memory_space<vmem>>) target_semaphore(%arg9 : memref<!tpu.dma_semaphore, #tpu.memory_space<semaphore_mem>>)
    %multiple_of3A_146 = arith.constant 0 : i32
    %multiple_of3A_147 = tpu.assume_multiple %multiple_of3A_146, 16 : i32
    %get3A_148 = arith.index_cast %multiple_of3A_147 : i32 to index
    %get3A_149 = tpu.vector_load %arg5[%get3A_148] {strides = array<i32>} : memref<512xi32, #tpu.memory_space<vmem>>, vector<16xi32>,
    %eq3A_150 = arith.constant 2 : i32
    %eq3A_151 = vector.broadcast %eq3A_150 : i32 to vector<16xi32>
    %eq3A_152 = arith.cmpi eq, %iota3A, %eq3A_151 : vector<16xi32>
    %jit3A_153 = arith.constant -1 : i32
    %broadcast_in_dim3A_154 = vector.broadcast %jit3A_153 : i32 to vector<16xi32>
    %select_n3A_155 = arith.select %eq3A_152, %get3A_149, %broadcast_in_dim3A_154 : vector<16xi1>, vector<16xi32>
    %reduce_max3A_156 = arith.constant true
    %reduce_max3A_157 = vector.broadcast %reduce_max3A_156 : i1 to vector<16xi1>
    %reduce_max3A_158 = arith.constant -2147483648 : i32
    %reduce_max3A_159 = vector.broadcast %reduce_max3A_158 : i32 to vector<16xi32>
    %reduce_max3A_160 = arith.xori %select_n3A_155, %reduce_max3A_159 : vector<16xi32>
    %reduce_max3A_161 = tpu.scan <max>, %reduce_max3A_160 masked %reduce_max3A_157 : vector<16xi32>, vector<16xi1> -> vector<16xi32>
    %reduce_max3A_162 = arith.xori %reduce_max3A_161, %reduce_max3A_159 : vector<16xi32>
    %reduce_max3A_163 = vector.extract %reduce_max3A_162[15] : i32 from vector<16xi32>
    %shift_right_arithmetic3A_164 = arith.constant 7 : i32
    %shift_right_arithmetic3A_165 = arith.shrsi %reduce_max3A_163, %shift_right_arithmetic3A_164 : i32
    %shift_left3A_166 = arith.constant 7 : i32
    %shift_left3A_167 = arith.shli %shift_right_arithmetic3A_165, %shift_left3A_166 : i32
    %multiple_of3A_168 = tpu.assume_multiple %shift_left3A_167, 128 : i32
    %dma_start3A_169 = arith.constant 2 : i32
    %dma_start3A_170 = arith.constant 0 : i32
    %dma_start3A_171 = arith.constant 0 : i32
    %dma_start3A_172 = tpu.memref_slice %arg6[%dma_start3A_169, %dma_start3A_170, %dma_start3A_171] : memref<8x32x128xf32, #tpu.memory_space<vmem>> -> memref<1x8x128xf32, #tpu.memory_space<vmem>>
    %dma_start3A_173 = tpu.memref_squeeze %dma_start3A_172 : memref<1x8x128xf32, #tpu.memory_space<vmem>> -> memref<8x128xf32, #tpu.memory_space<vmem>>
    %dma_start3A_174 = arith.constant 0 : i32
    %dma_start3A_175 = tpu.memref_slice %arg3[%dma_start3A_174, %multiple_of3A_168] : memref<32x1000000xf32, #tpu.memory_space<hbm>> -> memref<8x128xf32, #tpu.memory_space<hbm>>
    %dma_start3A_176 = arith.constant 0 : i32
    %dma_start3A_177 = arith.constant 0 : i32
    %dma_start3A_178 = tpu.memref_slice %arg6[%dma_start3A_169, %dma_start3A_176, %dma_start3A_177] : memref<8x32x128xf32, #tpu.memory_space<vmem>> -> memref<1x8x128xf32, #tpu.memory_space<vmem>>
    %dma_start3A_179 = tpu.memref_squeeze %dma_start3A_178 : memref<1x8x128xf32, #tpu.memory_space<vmem>> -> memref<8x128xf32, #tpu.memory_space<vmem>>
    %dma_start3A_180 = arith.constant 0 : i32
    %dma_start3A_181 = tpu.memref_slice %arg3[%dma_start3A_180, %multiple_of3A_168] : memref<32x1000000xf32, #tpu.memory_space<hbm>> -> memref<8x128xf32, #tpu.memory_space<hbm>>
    tpu.enqueue_dma source(%dma_start3A_181 : memref<8x128xf32, #tpu.memory_space<hbm>>) target(%dma_start3A_179 : memref<8x128xf32, #tpu.memory_space<vmem>>) target_semaphore(%arg10 : memref<!tpu.dma_semaphore, #tpu.memory_space<semaphore_mem>>)
    %dma_start3A_182 = arith.constant 2 : i32
    %dma_start3A_183 = arith.constant 8 : i32
    %dma_start3A_184 = arith.constant 0 : i32
    %dma_start3A_185 = tpu.memref_slice %arg6[%dma_start3A_182, %dma_start3A_183, %dma_start3A_184] : memref<8x32x128xf32, #tpu.memory_space<vmem>> -> memref<1x8x128xf32, #tpu.memory_space<vmem>>
    %dma_start3A_186 = tpu.memref_squeeze %dma_start3A_185 : memref<1x8x128xf32, #tpu.memory_space<vmem>> -> memref<8x128xf32, #tpu.memory_space<vmem>>
    %dma_start3A_187 = arith.constant 8 : i32
    %dma_start3A_188 = tpu.memref_slice %arg3[%dma_start3A_187, %multiple_of3A_168] : memref<32x1000000xf32, #tpu.memory_space<hbm>> -> memref<8x128xf32, #tpu.memory_space<hbm>>
    %dma_start3A_189 = arith.constant 8 : i32
    %dma_start3A_190 = arith.constant 0 : i32
    %dma_start3A_191 = tpu.memref_slice %arg6[%dma_start3A_182, %dma_start3A_189, %dma_start3A_190] : memref<8x32x128xf32, #tpu.memory_space<vmem>> -> memref<1x8x128xf32, #tpu.memory_space<vmem>>
    %dma_start3A_192 = tpu.memref_squeeze %dma_start3A_191 : memref<1x8x128xf32, #tpu.memory_space<vmem>> -> memref<8x128xf32, #tpu.memory_space<vmem>>
    %dma_start3A_193 = arith.constant 8 : i32
    %dma_start3A_194 = tpu.memref_slice %arg3[%dma_start3A_193, %multiple_of3A_168] : memref<32x1000000xf32, #tpu.memory_space<hbm>> -> memref<8x128xf32, #tpu.memory_space<hbm>>
    tpu.enqueue_dma source(%dma_start3A_194 : memref<8x128xf32, #tpu.memory_space<hbm>>) target(%dma_start3A_192 : memref<8x128xf32, #tpu.memory_space<vmem>>) target_semaphore(%arg10 : memref<!tpu.dma_semaphore, #tpu.memory_space<semaphore_mem>>)
    %dma_start3A_195 = arith.constant 2 : i32
    %dma_start3A_196 = arith.constant 16 : i32
    %dma_start3A_197 = arith.constant 0 : i32
    %dma_start3A_198 = tpu.memref_slice %arg6[%dma_start3A_195, %dma_start3A_196, %dma_start3A_197] : memref<8x32x128xf32, #tpu.memory_space<vmem>> -> memref<1x8x128xf32, #tpu.memory_space<vmem>>
    %dma_start3A_199 = tpu.memref_squeeze %dma_start3A_198 : memref<1x8x128xf32, #tpu.memory_space<vmem>> -> memref<8x128xf32, #tpu.memory_space<vmem>>
    %dma_start3A_200 = arith.constant 16 : i32
    %dma_start3A_201 = tpu.memref_slice %arg3[%dma_start3A_200, %multiple_of3A_168] : memref<32x1000000xf32, #tpu.memory_space<hbm>> -> memref<8x128xf32, #tpu.memory_space<hbm>>
    %dma_start3A_202 = arith.constant 16 : i32
    %dma_start3A_203 = arith.constant 0 : i32
    %dma_start3A_204 = tpu.memref_slice %arg6[%dma_start3A_195, %dma_start3A_202, %dma_start3A_203] : memref<8x32x128xf32, #tpu.memory_space<vmem>> -> memref<1x8x128xf32, #tpu.memory_space<vmem>>
    %dma_start3A_205 = tpu.memref_squeeze %dma_start3A_204 : memref<1x8x128xf32, #tpu.memory_space<vmem>> -> memref<8x128xf32, #tpu.memory_space<vmem>>
    %dma_start3A_206 = arith.constant 16 : i32
    %dma_start3A_207 = tpu.memref_slice %arg3[%dma_start3A_206, %multiple_of3A_168] : memref<32x1000000xf32, #tpu.memory_space<hbm>> -> memref<8x128xf32, #tpu.memory_space<hbm>>
    tpu.enqueue_dma source(%dma_start3A_207 : memref<8x128xf32, #tpu.memory_space<hbm>>) target(%dma_start3A_205 : memref<8x128xf32, #tpu.memory_space<vmem>>) target_semaphore(%arg10 : memref<!tpu.dma_semaphore, #tpu.memory_space<semaphore_mem>>)
    %dma_start3A_208 = arith.constant 2 : i32
    %dma_start3A_209 = arith.constant 24 : i32
    %dma_start3A_210 = arith.constant 0 : i32
    %dma_start3A_211 = tpu.memref_slice %arg6[%dma_start3A_208, %dma_start3A_209, %dma_start3A_210] : memref<8x32x128xf32, #tpu.memory_space<vmem>> -> memref<1x8x128xf32, #tpu.memory_space<vmem>>
    %dma_start3A_212 = tpu.memref_squeeze %dma_start3A_211 : memref<1x8x128xf32, #tpu.memory_space<vmem>> -> memref<8x128xf32, #tpu.memory_space<vmem>>
    %dma_start3A_213 = arith.constant 24 : i32
    %dma_start3A_214 = tpu.memref_slice %arg3[%dma_start3A_213, %multiple_of3A_168] : memref<32x1000000xf32, #tpu.memory_space<hbm>> -> memref<8x128xf32, #tpu.memory_space<hbm>>
    %dma_start3A_215 = arith.constant 24 : i32
    %dma_start3A_216 = arith.constant 0 : i32
    %dma_start3A_217 = tpu.memref_slice %arg6[%dma_start3A_208, %dma_start3A_215, %dma_start3A_216] : memref<8x32x128xf32, #tpu.memory_space<vmem>> -> memref<1x8x128xf32, #tpu.memory_space<vmem>>
    %dma_start3A_218 = tpu.memref_squeeze %dma_start3A_217 : memref<1x8x128xf32, #tpu.memory_space<vmem>> -> memref<8x128xf32, #tpu.memory_space<vmem>>
    %dma_start3A_219 = arith.constant 24 : i32
    %dma_start3A_220 = tpu.memref_slice %arg3[%dma_start3A_219, %multiple_of3A_168] : memref<32x1000000xf32, #tpu.memory_space<hbm>> -> memref<8x128xf32, #tpu.memory_space<hbm>>
    tpu.enqueue_dma source(%dma_start3A_220 : memref<8x128xf32, #tpu.memory_space<hbm>>) target(%dma_start3A_218 : memref<8x128xf32, #tpu.memory_space<vmem>>) target_semaphore(%arg10 : memref<!tpu.dma_semaphore, #tpu.memory_space<semaphore_mem>>)
    %multiple_of3A_221 = arith.constant 0 : i32
    %multiple_of3A_222 = tpu.assume_multiple %multiple_of3A_221, 16 : i32
    %get3A_223 = arith.index_cast %multiple_of3A_222 : i32 to index
    %get3A_224 = tpu.vector_load %arg5[%get3A_223] {strides = array<i32>} : memref<512xi32, #tpu.memory_space<vmem>>, vector<16xi32>,
    %eq3A_225 = arith.constant 3 : i32
    %eq3A_226 = vector.broadcast %eq3A_225 : i32 to vector<16xi32>
    %eq3A_227 = arith.cmpi eq, %iota3A, %eq3A_226 : vector<16xi32>
    %jit3A_228 = arith.constant -1 : i32
    %broadcast_in_dim3A_229 = vector.broadcast %jit3A_228 : i32 to vector<16xi32>
    %select_n3A_230 = arith.select %eq3A_227, %get3A_224, %broadcast_in_dim3A_229 : vector<16xi1>, vector<16xi32>
    %reduce_max3A_231 = arith.constant true
    %reduce_max3A_232 = vector.broadcast %reduce_max3A_231 : i1 to vector<16xi1>
    %reduce_max3A_233 = arith.constant -2147483648 : i32
    %reduce_max3A_234 = vector.broadcast %reduce_max3A_233 : i32 to vector<16xi32>
    %reduce_max3A_235 = arith.xori %select_n3A_230, %reduce_max3A_234 : vector<16xi32>
    %reduce_max3A_236 = tpu.scan <max>, %reduce_max3A_235 masked %reduce_max3A_232 : vector<16xi32>, vector<16xi1> -> vector<16xi32>
    %reduce_max3A_237 = arith.xori %reduce_max3A_236, %reduce_max3A_234 : vector<16xi32>
    %reduce_max3A_238 = vector.extract %reduce_max3A_237[15] : i32 from vector<16xi32>
    %shift_right_arithmetic3A_239 = arith.constant 7 : i32
    %shift_right_arithmetic3A_240 = arith.shrsi %reduce_max3A_238, %shift_right_arithmetic3A_239 : i32
    %shift_left3A_241 = arith.constant 7 : i32
    %shift_left3A_242 = arith.shli %shift_right_arithmetic3A_240, %shift_left3A_241 : i32
    %multiple_of3A_243 = tpu.assume_multiple %shift_left3A_242, 128 : i32
    %dma_start3A_244 = arith.constant 3 : i32
    %dma_start3A_245 = arith.constant 0 : i32
    %dma_start3A_246 = arith.constant 0 : i32
    %dma_start3A_247 = tpu.memref_slice %arg6[%dma_start3A_244, %dma_start3A_245, %dma_start3A_246] : memref<8x32x128xf32, #tpu.memory_space<vmem>> -> memref<1x8x128xf32, #tpu.memory_space<vmem>>
    %dma_start3A_248 = tpu.memref_squeeze %dma_start3A_247 : memref<1x8x128xf32, #tpu.memory_space<vmem>> -> memref<8x128xf32, #tpu.memory_space<vmem>>
    %dma_start3A_249 = arith.constant 0 : i32
    %dma_start3A_250 = tpu.memref_slice %arg3[%dma_start3A_249, %multiple_of3A_243] : memref<32x1000000xf32, #tpu.memory_space<hbm>> -> memref<8x128xf32, #tpu.memory_space<hbm>>
    %dma_start3A_251 = arith.constant 0 : i32
    %dma_start3A_252 = arith.constant 0 : i32
    %dma_start3A_253 = tpu.memref_slice %arg6[%dma_start3A_244, %dma_start3A_251, %dma_start3A_252] : memref<8x32x128xf32, #tpu.memory_space<vmem>> -> memref<1x8x128xf32, #tpu.memory_space<vmem>>
    %dma_start3A_254 = tpu.memref_squeeze %dma_start3A_253 : memref<1x8x128xf32, #tpu.memory_space<vmem>> -> memref<8x128xf32, #tpu.memory_space<vmem>>
    %dma_start3A_255 = arith.constant 0 : i32
    %dma_start3A_256 = tpu.memref_slice %arg3[%dma_start3A_255, %multiple_of3A_243] : memref<32x1000000xf32, #tpu.memory_space<hbm>> -> memref<8x128xf32, #tpu.memory_space<hbm>>
    tpu.enqueue_dma source(%dma_start3A_256 : memref<8x128xf32, #tpu.memory_space<hbm>>) target(%dma_start3A_254 : memref<8x128xf32, #tpu.memory_space<vmem>>) target_semaphore(%arg11 : memref<!tpu.dma_semaphore, #tpu.memory_space<semaphore_mem>>)
    %dma_start3A_257 = arith.constant 3 : i32
    %dma_start3A_258 = arith.constant 8 : i32
    %dma_start3A_259 = arith.constant 0 : i32
    %dma_start3A_260 = tpu.memref_slice %arg6[%dma_start3A_257, %dma_start3A_258, %dma_start3A_259] : memref<8x32x128xf32, #tpu.memory_space<vmem>> -> memref<1x8x128xf32, #tpu.memory_space<vmem>>
    %dma_start3A_261 = tpu.memref_squeeze %dma_start3A_260 : memref<1x8x128xf32, #tpu.memory_space<vmem>> -> memref<8x128xf32, #tpu.memory_space<vmem>>
    %dma_start3A_262 = arith.constant 8 : i32
    %dma_start3A_263 = tpu.memref_slice %arg3[%dma_start3A_262, %multiple_of3A_243] : memref<32x1000000xf32, #tpu.memory_space<hbm>> -> memref<8x128xf32, #tpu.memory_space<hbm>>
    %dma_start3A_264 = arith.constant 8 : i32
    %dma_start3A_265 = arith.constant 0 : i32
    %dma_start3A_266 = tpu.memref_slice %arg6[%dma_start3A_257, %dma_start3A_264, %dma_start3A_265] : memref<8x32x128xf32, #tpu.memory_space<vmem>> -> memref<1x8x128xf32, #tpu.memory_space<vmem>>
    %dma_start3A_267 = tpu.memref_squeeze %dma_start3A_266 : memref<1x8x128xf32, #tpu.memory_space<vmem>> -> memref<8x128xf32, #tpu.memory_space<vmem>>
    %dma_start3A_268 = arith.constant 8 : i32
    %dma_start3A_269 = tpu.memref_slice %arg3[%dma_start3A_268, %multiple_of3A_243] : memref<32x1000000xf32, #tpu.memory_space<hbm>> -> memref<8x128xf32, #tpu.memory_space<hbm>>
    tpu.enqueue_dma source(%dma_start3A_269 : memref<8x128xf32, #tpu.memory_space<hbm>>) target(%dma_start3A_267 : memref<8x128xf32, #tpu.memory_space<vmem>>) target_semaphore(%arg11 : memref<!tpu.dma_semaphore, #tpu.memory_space<semaphore_mem>>)
    %dma_start3A_270 = arith.constant 3 : i32
    %dma_start3A_271 = arith.constant 16 : i32
    %dma_start3A_272 = arith.constant 0 : i32
    %dma_start3A_273 = tpu.memref_slice %arg6[%dma_start3A_270, %dma_start3A_271, %dma_start3A_272] : memref<8x32x128xf32, #tpu.memory_space<vmem>> -> memref<1x8x128xf32, #tpu.memory_space<vmem>>
    %dma_start3A_274 = tpu.memref_squeeze %dma_start3A_273 : memref<1x8x128xf32, #tpu.memory_space<vmem>> -> memref<8x128xf32, #tpu.memory_space<vmem>>
    %dma_start3A_275 = arith.constant 16 : i32
    %dma_start3A_276 = tpu.memref_slice %arg3[%dma_start3A_275, %multiple_of3A_243] : memref<32x1000000xf32, #tpu.memory_space<hbm>> -> memref<8x128xf32, #tpu.memory_space<hbm>>
    %dma_start3A_277 = arith.constant 16 : i32
    %dma_start3A_278 = arith.constant 0 : i32
    %dma_start3A_279 = tpu.memref_slice %arg6[%dma_start3A_270, %dma_start3A_277, %dma_start3A_278] : memref<8x32x128xf32, #tpu.memory_space<vmem>> -> memref<1x8x128xf32, #tpu.memory_space<vmem>>
    %dma_start3A_280 = tpu.memref_squeeze %dma_start3A_279 : memref<1x8x128xf32, #tpu.memory_space<vmem>> -> memref<8x128xf32, #tpu.memory_space<vmem>>
    %dma_start3A_281 = arith.constant 16 : i32
    %dma_start3A_282 = tpu.memref_slice %arg3[%dma_start3A_281, %multiple_of3A_243] : memref<32x1000000xf32, #tpu.memory_space<hbm>> -> memref<8x128xf32, #tpu.memory_space<hbm>>
    tpu.enqueue_dma source(%dma_start3A_282 : memref<8x128xf32, #tpu.memory_space<hbm>>) target(%dma_start3A_280 : memref<8x128xf32, #tpu.memory_space<vmem>>) target_semaphore(%arg11 : memref<!tpu.dma_semaphore, #tpu.memory_space<semaphore_mem>>)
    %dma_start3A_283 = arith.constant 3 : i32
    %dma_start3A_284 = arith.constant 24 : i32
    %dma_start3A_285 = arith.constant 0 : i32
    %dma_start3A_286 = tpu.memref_slice %arg6[%dma_start3A_283, %dma_start3A_284, %dma_start3A_285] : memref<8x32x128xf32, #tpu.memory_space<vmem>> -> memref<1x8x128xf32, #tpu.memory_space<vmem>>
    %dma_start3A_287 = tpu.memref_squeeze %dma_start3A_286 : memref<1x8x128xf32, #tpu.memory_space<vmem>> -> memref<8x128xf32, #tpu.memory_space<vmem>>
    %dma_start3A_288 = arith.constant 24 : i32
    %dma_start3A_289 = tpu.memref_slice %arg3[%dma_start3A_288, %multiple_of3A_243] : memref<32x1000000xf32, #tpu.memory_space<hbm>> -> memref<8x128xf32, #tpu.memory_space<hbm>>
    %dma_start3A_290 = arith.constant 24 : i32
    %dma_start3A_291 = arith.constant 0 : i32
    %dma_start3A_292 = tpu.memref_slice %arg6[%dma_start3A_283, %dma_start3A_290, %dma_start3A_291] : memref<8x32x128xf32, #tpu.memory_space<vmem>> -> memref<1x8x128xf32, #tpu.memory_space<vmem>>
    %dma_start3A_293 = tpu.memref_squeeze %dma_start3A_292 : memref<1x8x128xf32, #tpu.memory_space<vmem>> -> memref<8x128xf32, #tpu.memory_space<vmem>>
    %dma_start3A_294 = arith.constant 24 : i32
    %dma_start3A_295 = tpu.memref_slice %arg3[%dma_start3A_294, %multiple_of3A_243] : memref<32x1000000xf32, #tpu.memory_space<hbm>> -> memref<8x128xf32, #tpu.memory_space<hbm>>
    tpu.enqueue_dma source(%dma_start3A_295 : memref<8x128xf32, #tpu.memory_space<hbm>>) target(%dma_start3A_293 : memref<8x128xf32, #tpu.memory_space<vmem>>) target_semaphore(%arg11 : memref<!tpu.dma_semaphore, #tpu.memory_space<semaphore_mem>>)
    %multiple_of3A_296 = arith.constant 0 : i32
    %multiple_of3A_297 = tpu.assume_multiple %multiple_of3A_296, 16 : i32
    %get3A_298 = arith.index_cast %multiple_of3A_297 : i32 to index
    %get3A_299 = tpu.vector_load %arg5[%get3A_298] {strides = array<i32>} : memref<512xi32, #tpu.memory_space<vmem>>, vector<16xi32>,
    %eq3A_300 = arith.constant 4 : i32
    %eq3A_301 = vector.broadcast %eq3A_300 : i32 to vector<16xi32>
    %eq3A_302 = arith.cmpi eq, %iota3A, %eq3A_301 : vector<16xi32>
    %jit3A_303 = arith.constant -1 : i32
    %broadcast_in_dim3A_304 = vector.broadcast %jit3A_303 : i32 to vector<16xi32>
    %select_n3A_305 = arith.select %eq3A_302, %get3A_299, %broadcast_in_dim3A_304 : vector<16xi1>, vector<16xi32>
    %reduce_max3A_306 = arith.constant true
    %reduce_max3A_307 = vector.broadcast %reduce_max3A_306 : i1 to vector<16xi1>
    %reduce_max3A_308 = arith.constant -2147483648 : i32
    %reduce_max3A_309 = vector.broadcast %reduce_max3A_308 : i32 to vector<16xi32>
    %reduce_max3A_310 = arith.xori %select_n3A_305, %reduce_max3A_309 : vector<16xi32>
    %reduce_max3A_311 = tpu.scan <max>, %reduce_max3A_310 masked %reduce_max3A_307 : vector<16xi32>, vector<16xi1> -> vector<16xi32>
    %reduce_max3A_312 = arith.xori %reduce_max3A_311, %reduce_max3A_309 : vector<16xi32>
    %reduce_max3A_313 = vector.extract %reduce_max3A_312[15] : i32 from vector<16xi32>
    %shift_right_arithmetic3A_314 = arith.constant 7 : i32
    %shift_right_arithmetic3A_315 = arith.shrsi %reduce_max3A_313, %shift_right_arithmetic3A_314 : i32
    %shift_left3A_316 = arith.constant 7 : i32
    %shift_left3A_317 = arith.shli %shift_right_arithmetic3A_315, %shift_left3A_316 : i32
    %multiple_of3A_318 = tpu.assume_multiple %shift_left3A_317, 128 : i32
    %dma_start3A_319 = arith.constant 4 : i32
    %dma_start3A_320 = arith.constant 0 : i32
    %dma_start3A_321 = arith.constant 0 : i32
    %dma_start3A_322 = tpu.memref_slice %arg6[%dma_start3A_319, %dma_start3A_320, %dma_start3A_321] : memref<8x32x128xf32, #tpu.memory_space<vmem>> -> memref<1x8x128xf32, #tpu.memory_space<vmem>>
    %dma_start3A_323 = tpu.memref_squeeze %dma_start3A_322 : memref<1x8x128xf32, #tpu.memory_space<vmem>> -> memref<8x128xf32, #tpu.memory_space<vmem>>
    %dma_start3A_324 = arith.constant 0 : i32
    %dma_start3A_325 = tpu.memref_slice %arg3[%dma_start3A_324, %multiple_of3A_318] : memref<32x1000000xf32, #tpu.memory_space<hbm>> -> memref<8x128xf32, #tpu.memory_space<hbm>>
    %dma_start3A_326 = arith.constant 0 : i32
    %dma_start3A_327 = arith.constant 0 : i32
    %dma_start3A_328 = tpu.memref_slice %arg6[%dma_start3A_319, %dma_start3A_326, %dma_start3A_327] : memref<8x32x128xf32, #tpu.memory_space<vmem>> -> memref<1x8x128xf32, #tpu.memory_space<vmem>>
    %dma_start3A_329 = tpu.memref_squeeze %dma_start3A_328 : memref<1x8x128xf32, #tpu.memory_space<vmem>> -> memref<8x128xf32, #tpu.memory_space<vmem>>
    %dma_start3A_330 = arith.constant 0 : i32
    %dma_start3A_331 = tpu.memref_slice %arg3[%dma_start3A_330, %multiple_of3A_318] : memref<32x1000000xf32, #tpu.memory_space<hbm>> -> memref<8x128xf32, #tpu.memory_space<hbm>>
    tpu.enqueue_dma source(%dma_start3A_331 : memref<8x128xf32, #tpu.memory_space<hbm>>) target(%dma_start3A_329 : memref<8x128xf32, #tpu.memory_space<vmem>>) target_semaphore(%arg12 : memref<!tpu.dma_semaphore, #tpu.memory_space<semaphore_mem>>)
    %dma_start3A_332 = arith.constant 4 : i32
    %dma_start3A_333 = arith.constant 8 : i32
    %dma_start3A_334 = arith.constant 0 : i32
    %dma_start3A_335 = tpu.memref_slice %arg6[%dma_start3A_332, %dma_start3A_333, %dma_start3A_334] : memref<8x32x128xf32, #tpu.memory_space<vmem>> -> memref<1x8x128xf32, #tpu.memory_space<vmem>>
    %dma_start3A_336 = tpu.memref_squeeze %dma_start3A_335 : memref<1x8x128xf32, #tpu.memory_space<vmem>> -> memref<8x128xf32, #tpu.memory_space<vmem>>
    %dma_start3A_337 = arith.constant 8 : i32
    %dma_start3A_338 = tpu.memref_slice %arg3[%dma_start3A_337, %multiple_of3A_318] : memref<32x1000000xf32, #tpu.memory_space<hbm>> -> memref<8x128xf32, #tpu.memory_space<hbm>>
    %dma_start3A_339 = arith.constant 8 : i32
    %dma_start3A_340 = arith.constant 0 : i32
    %dma_start3A_341 = tpu.memref_slice %arg6[%dma_start3A_332, %dma_start3A_339, %dma_start3A_340] : memref<8x32x128xf32, #tpu.memory_space<vmem>> -> memref<1x8x128xf32, #tpu.memory_space<vmem>>
    %dma_start3A_342 = tpu.memref_squeeze %dma_start3A_341 : memref<1x8x128xf32, #tpu.memory_space<vmem>> -> memref<8x128xf32, #tpu.memory_space<vmem>>
    %dma_start3A_343 = arith.constant 8 : i32
    %dma_start3A_344 = tpu.memref_slice %arg3[%dma_start3A_343, %multiple_of3A_318] : memref<32x1000000xf32, #tpu.memory_space<hbm>> -> memref<8x128xf32, #tpu.memory_space<hbm>>
    tpu.enqueue_dma source(%dma_start3A_344 : memref<8x128xf32, #tpu.memory_space<hbm>>) target(%dma_start3A_342 : memref<8x128xf32, #tpu.memory_space<vmem>>) target_semaphore(%arg12 : memref<!tpu.dma_semaphore, #tpu.memory_space<semaphore_mem>>)
    %dma_start3A_345 = arith.constant 4 : i32
    %dma_start3A_346 = arith.constant 16 : i32
    %dma_start3A_347 = arith.constant 0 : i32
    %dma_start3A_348 = tpu.memref_slice %arg6[%dma_start3A_345, %dma_start3A_346, %dma_start3A_347] : memref<8x32x128xf32, #tpu.memory_space<vmem>> -> memref<1x8x128xf32, #tpu.memory_space<vmem>>
    %dma_start3A_349 = tpu.memref_squeeze %dma_start3A_348 : memref<1x8x128xf32, #tpu.memory_space<vmem>> -> memref<8x128xf32, #tpu.memory_space<vmem>>
    %dma_start3A_350 = arith.constant 16 : i32
    %dma_start3A_351 = tpu.memref_slice %arg3[%dma_start3A_350, %multiple_of3A_318] : memref<32x1000000xf32, #tpu.memory_space<hbm>> -> memref<8x128xf32, #tpu.memory_space<hbm>>
    %dma_start3A_352 = arith.constant 16 : i32
    %dma_start3A_353 = arith.constant 0 : i32
    %dma_start3A_354 = tpu.memref_slice %arg6[%dma_start3A_345, %dma_start3A_352, %dma_start3A_353] : memref<8x32x128xf32, #tpu.memory_space<vmem>> -> memref<1x8x128xf32, #tpu.memory_space<vmem>>
    %dma_start3A_355 = tpu.memref_squeeze %dma_start3A_354 : memref<1x8x128xf32, #tpu.memory_space<vmem>> -> memref<8x128xf32, #tpu.memory_space<vmem>>
    %dma_start3A_356 = arith.constant 16 : i32
    %dma_start3A_357 = tpu.memref_slice %arg3[%dma_start3A_356, %multiple_of3A_318] : memref<32x1000000xf32, #tpu.memory_space<hbm>> -> memref<8x128xf32, #tpu.memory_space<hbm>>
    tpu.enqueue_dma source(%dma_start3A_357 : memref<8x128xf32, #tpu.memory_space<hbm>>) target(%dma_start3A_355 : memref<8x128xf32, #tpu.memory_space<vmem>>) target_semaphore(%arg12 : memref<!tpu.dma_semaphore, #tpu.memory_space<semaphore_mem>>)
    %dma_start3A_358 = arith.constant 4 : i32
    %dma_start3A_359 = arith.constant 24 : i32
    %dma_start3A_360 = arith.constant 0 : i32
    %dma_start3A_361 = tpu.memref_slice %arg6[%dma_start3A_358, %dma_start3A_359, %dma_start3A_360] : memref<8x32x128xf32, #tpu.memory_space<vmem>> -> memref<1x8x128xf32, #tpu.memory_space<vmem>>
    %dma_start3A_362 = tpu.memref_squeeze %dma_start3A_361 : memref<1x8x128xf32, #tpu.memory_space<vmem>> -> memref<8x128xf32, #tpu.memory_space<vmem>>
    %dma_start3A_363 = arith.constant 24 : i32
    %dma_start3A_364 = tpu.memref_slice %arg3[%dma_start3A_363, %multiple_of3A_318] : memref<32x1000000xf32, #tpu.memory_space<hbm>> -> memref<8x128xf32, #tpu.memory_space<hbm>>
    %dma_start3A_365 = arith.constant 24 : i32
    %dma_start3A_366 = arith.constant 0 : i32
    %dma_start3A_367 = tpu.memref_slice %arg6[%dma_start3A_358, %dma_start3A_365, %dma_start3A_366] : memref<8x32x128xf32, #tpu.memory_space<vmem>> -> memref<1x8x128xf32, #tpu.memory_space<vmem>>
    %dma_start3A_368 = tpu.memref_squeeze %dma_start3A_367 : memref<1x8x128xf32, #tpu.memory_space<vmem>> -> memref<8x128xf32, #tpu.memory_space<vmem>>
    %dma_start3A_369 = arith.constant 24 : i32
    %dma_start3A_370 = tpu.memref_slice %arg3[%dma_start3A_369, %multiple_of3A_318] : memref<32x1000000xf32, #tpu.memory_space<hbm>> -> memref<8x128xf32, #tpu.memory_space<hbm>>
    tpu.enqueue_dma source(%dma_start3A_370 : memref<8x128xf32, #tpu.memory_space<hbm>>) target(%dma_start3A_368 : memref<8x128xf32, #tpu.memory_space<vmem>>) target_semaphore(%arg12 : memref<!tpu.dma_semaphore, #tpu.memory_space<semaphore_mem>>)
    %multiple_of3A_371 = arith.constant 0 : i32
    %multiple_of3A_372 = tpu.assume_multiple %multiple_of3A_371, 16 : i32
    %get3A_373 = arith.index_cast %multiple_of3A_372 : i32 to index
    %get3A_374 = tpu.vector_load %arg5[%get3A_373] {strides = array<i32>} : memref<512xi32, #tpu.memory_space<vmem>>, vector<16xi32>,
    %eq3A_375 = arith.constant 5 : i32
    %eq3A_376 = vector.broadcast %eq3A_375 : i32 to vector<16xi32>
    %eq3A_377 = arith.cmpi eq, %iota3A, %eq3A_376 : vector<16xi32>
    %jit3A_378 = arith.constant -1 : i32
    %broadcast_in_dim3A_379 = vector.broadcast %jit3A_378 : i32 to vector<16xi32>
    %select_n3A_380 = arith.select %eq3A_377, %get3A_374, %broadcast_in_dim3A_379 : vector<16xi1>, vector<16xi32>
    %reduce_max3A_381 = arith.constant true
    %reduce_max3A_382 = vector.broadcast %reduce_max3A_381 : i1 to vector<16xi1>
    %reduce_max3A_383 = arith.constant -2147483648 : i32
    %reduce_max3A_384 = vector.broadcast %reduce_max3A_383 : i32 to vector<16xi32>
    %reduce_max3A_385 = arith.xori %select_n3A_380, %reduce_max3A_384 : vector<16xi32>
    %reduce_max3A_386 = tpu.scan <max>, %reduce_max3A_385 masked %reduce_max3A_382 : vector<16xi32>, vector<16xi1> -> vector<16xi32>
    %reduce_max3A_387 = arith.xori %reduce_max3A_386, %reduce_max3A_384 : vector<16xi32>
    %reduce_max3A_388 = vector.extract %reduce_max3A_387[15] : i32 from vector<16xi32>
    %shift_right_arithmetic3A_389 = arith.constant 7 : i32
    %shift_right_arithmetic3A_390 = arith.shrsi %reduce_max3A_388, %shift_right_arithmetic3A_389 : i32
    %shift_left3A_391 = arith.constant 7 : i32
    %shift_left3A_392 = arith.shli %shift_right_arithmetic3A_390, %shift_left3A_391 : i32
    %multiple_of3A_393 = tpu.assume_multiple %shift_left3A_392, 128 : i32
    %dma_start3A_394 = arith.constant 5 : i32
    %dma_start3A_395 = arith.constant 0 : i32
    %dma_start3A_396 = arith.constant 0 : i32
    %dma_start3A_397 = tpu.memref_slice %arg6[%dma_start3A_394, %dma_start3A_395, %dma_start3A_396] : memref<8x32x128xf32, #tpu.memory_space<vmem>> -> memref<1x8x128xf32, #tpu.memory_space<vmem>>
    %dma_start3A_398 = tpu.memref_squeeze %dma_start3A_397 : memref<1x8x128xf32, #tpu.memory_space<vmem>> -> memref<8x128xf32, #tpu.memory_space<vmem>>
    %dma_start3A_399 = arith.constant 0 : i32
    %dma_start3A_400 = tpu.memref_slice %arg3[%dma_start3A_399, %multiple_of3A_393] : memref<32x1000000xf32, #tpu.memory_space<hbm>> -> memref<8x128xf32, #tpu.memory_space<hbm>>
    %dma_start3A_401 = arith.constant 0 : i32
    %dma_start3A_402 = arith.constant 0 : i32
    %dma_start3A_403 = tpu.memref_slice %arg6[%dma_start3A_394, %dma_start3A_401, %dma_start3A_402] : memref<8x32x128xf32, #tpu.memory_space<vmem>> -> memref<1x8x128xf32, #tpu.memory_space<vmem>>
    %dma_start3A_404 = tpu.memref_squeeze %dma_start3A_403 : memref<1x8x128xf32, #tpu.memory_space<vmem>> -> memref<8x128xf32, #tpu.memory_space<vmem>>
    %dma_start3A_405 = arith.constant 0 : i32
    %dma_start3A_406 = tpu.memref_slice %arg3[%dma_start3A_405, %multiple_of3A_393] : memref<32x1000000xf32, #tpu.memory_space<hbm>> -> memref<8x128xf32, #tpu.memory_space<hbm>>
    tpu.enqueue_dma source(%dma_start3A_406 : memref<8x128xf32, #tpu.memory_space<hbm>>) target(%dma_start3A_404 : memref<8x128xf32, #tpu.memory_space<vmem>>) target_semaphore(%arg13 : memref<!tpu.dma_semaphore, #tpu.memory_space<semaphore_mem>>)
    %dma_start3A_407 = arith.constant 5 : i32
    %dma_start3A_408 = arith.constant 8 : i32
    %dma_start3A_409 = arith.constant 0 : i32
    %dma_start3A_410 = tpu.memref_slice %arg6[%dma_start3A_407, %dma_start3A_408, %dma_start3A_409] : memref<8x32x128xf32, #tpu.memory_space<vmem>> -> memref<1x8x128xf32, #tpu.memory_space<vmem>>
    %dma_start3A_411 = tpu.memref_squeeze %dma_start3A_410 : memref<1x8x128xf32, #tpu.memory_space<vmem>> -> memref<8x128xf32, #tpu.memory_space<vmem>>
    %dma_start3A_412 = arith.constant 8 : i32
    %dma_start3A_413 = tpu.memref_slice %arg3[%dma_start3A_412, %multiple_of3A_393] : memref<32x1000000xf32, #tpu.memory_space<hbm>> -> memref<8x128xf32, #tpu.memory_space<hbm>>
    %dma_start3A_414 = arith.constant 8 : i32
    %dma_start3A_415 = arith.constant 0 : i32
    %dma_start3A_416 = tpu.memref_slice %arg6[%dma_start3A_407, %dma_start3A_414, %dma_start3A_415] : memref<8x32x128xf32, #tpu.memory_space<vmem>> -> memref<1x8x128xf32, #tpu.memory_space<vmem>>
    %dma_start3A_417 = tpu.memref_squeeze %dma_start3A_416 : memref<1x8x128xf32, #tpu.memory_space<vmem>> -> memref<8x128xf32, #tpu.memory_space<vmem>>
    %dma_start3A_418 = arith.constant 8 : i32
    %dma_start3A_419 = tpu.memref_slice %arg3[%dma_start3A_418, %multiple_of3A_393] : memref<32x1000000xf32, #tpu.memory_space<hbm>> -> memref<8x128xf32, #tpu.memory_space<hbm>>
    tpu.enqueue_dma source(%dma_start3A_419 : memref<8x128xf32, #tpu.memory_space<hbm>>) target(%dma_start3A_417 : memref<8x128xf32, #tpu.memory_space<vmem>>) target_semaphore(%arg13 : memref<!tpu.dma_semaphore, #tpu.memory_space<semaphore_mem>>)
    %dma_start3A_420 = arith.constant 5 : i32
    %dma_start3A_421 = arith.constant 16 : i32
    %dma_start3A_422 = arith.constant 0 : i32
    %dma_start3A_423 = tpu.memref_slice %arg6[%dma_start3A_420, %dma_start3A_421, %dma_start3A_422] : memref<8x32x128xf32, #tpu.memory_space<vmem>> -> memref<1x8x128xf32, #tpu.memory_space<vmem>>
    %dma_start3A_424 = tpu.memref_squeeze %dma_start3A_423 : memref<1x8x128xf32, #tpu.memory_space<vmem>> -> memref<8x128xf32, #tpu.memory_space<vmem>>
    %dma_start3A_425 = arith.constant 16 : i32
    %dma_start3A_426 = tpu.memref_slice %arg3[%dma_start3A_425, %multiple_of3A_393] : memref<32x1000000xf32, #tpu.memory_space<hbm>> -> memref<8x128xf32, #tpu.memory_space<hbm>>
    %dma_start3A_427 = arith.constant 16 : i32
    %dma_start3A_428 = arith.constant 0 : i32
    %dma_start3A_429 = tpu.memref_slice %arg6[%dma_start3A_420, %dma_start3A_427, %dma_start3A_428] : memref<8x32x128xf32, #tpu.memory_space<vmem>> -> memref<1x8x128xf32, #tpu.memory_space<vmem>>
    %dma_start3A_430 = tpu.memref_squeeze %dma_start3A_429 : memref<1x8x128xf32, #tpu.memory_space<vmem>> -> memref<8x128xf32, #tpu.memory_space<vmem>>
    %dma_start3A_431 = arith.constant 16 : i32
    %dma_start3A_432 = tpu.memref_slice %arg3[%dma_start3A_431, %multiple_of3A_393] : memref<32x1000000xf32, #tpu.memory_space<hbm>> -> memref<8x128xf32, #tpu.memory_space<hbm>>
    tpu.enqueue_dma source(%dma_start3A_432 : memref<8x128xf32, #tpu.memory_space<hbm>>) target(%dma_start3A_430 : memref<8x128xf32, #tpu.memory_space<vmem>>) target_semaphore(%arg13 : memref<!tpu.dma_semaphore, #tpu.memory_space<semaphore_mem>>)
    %dma_start3A_433 = arith.constant 5 : i32
    %dma_start3A_434 = arith.constant 24 : i32
    %dma_start3A_435 = arith.constant 0 : i32
    %dma_start3A_436 = tpu.memref_slice %arg6[%dma_start3A_433, %dma_start3A_434, %dma_start3A_435] : memref<8x32x128xf32, #tpu.memory_space<vmem>> -> memref<1x8x128xf32, #tpu.memory_space<vmem>>
    %dma_start3A_437 = tpu.memref_squeeze %dma_start3A_436 : memref<1x8x128xf32, #tpu.memory_space<vmem>> -> memref<8x128xf32, #tpu.memory_space<vmem>>
    %dma_start3A_438 = arith.constant 24 : i32
    %dma_start3A_439 = tpu.memref_slice %arg3[%dma_start3A_438, %multiple_of3A_393] : memref<32x1000000xf32, #tpu.memory_space<hbm>> -> memref<8x128xf32, #tpu.memory_space<hbm>>
    %dma_start3A_440 = arith.constant 24 : i32
    %dma_start3A_441 = arith.constant 0 : i32
    %dma_start3A_442 = tpu.memref_slice %arg6[%dma_start3A_433, %dma_start3A_440, %dma_start3A_441] : memref<8x32x128xf32, #tpu.memory_space<vmem>> -> memref<1x8x128xf32, #tpu.memory_space<vmem>>
    %dma_start3A_443 = tpu.memref_squeeze %dma_start3A_442 : memref<1x8x128xf32, #tpu.memory_space<vmem>> -> memref<8x128xf32, #tpu.memory_space<vmem>>
    %dma_start3A_444 = arith.constant 24 : i32
    %dma_start3A_445 = tpu.memref_slice %arg3[%dma_start3A_444, %multiple_of3A_393] : memref<32x1000000xf32, #tpu.memory_space<hbm>> -> memref<8x128xf32, #tpu.memory_space<hbm>>
    tpu.enqueue_dma source(%dma_start3A_445 : memref<8x128xf32, #tpu.memory_space<hbm>>) target(%dma_start3A_443 : memref<8x128xf32, #tpu.memory_space<vmem>>) target_semaphore(%arg13 : memref<!tpu.dma_semaphore, #tpu.memory_space<semaphore_mem>>)
    %multiple_of3A_446 = arith.constant 0 : i32
    %multiple_of3A_447 = tpu.assume_multiple %multiple_of3A_446, 16 : i32
    %get3A_448 = arith.index_cast %multiple_of3A_447 : i32 to index
    %get3A_449 = tpu.vector_load %arg5[%get3A_448] {strides = array<i32>} : memref<512xi32, #tpu.memory_space<vmem>>, vector<16xi32>,
    %eq3A_450 = arith.constant 6 : i32
    %eq3A_451 = vector.broadcast %eq3A_450 : i32 to vector<16xi32>
    %eq3A_452 = arith.cmpi eq, %iota3A, %eq3A_451 : vector<16xi32>
    %jit3A_453 = arith.constant -1 : i32
    %broadcast_in_dim3A_454 = vector.broadcast %jit3A_453 : i32 to vector<16xi32>
    %select_n3A_455 = arith.select %eq3A_452, %get3A_449, %broadcast_in_dim3A_454 : vector<16xi1>, vector<16xi32>
    %reduce_max3A_456 = arith.constant true
    %reduce_max3A_457 = vector.broadcast %reduce_max3A_456 : i1 to vector<16xi1>
    %reduce_max3A_458 = arith.constant -2147483648 : i32
    %reduce_max3A_459 = vector.broadcast %reduce_max3A_458 : i32 to vector<16xi32>
    %reduce_max3A_460 = arith.xori %select_n3A_455, %reduce_max3A_459 : vector<16xi32>
    %reduce_max3A_461 = tpu.scan <max>, %reduce_max3A_460 masked %reduce_max3A_457 : vector<16xi32>, vector<16xi1> -> vector<16xi32>
    %reduce_max3A_462 = arith.xori %reduce_max3A_461, %reduce_max3A_459 : vector<16xi32>
    %reduce_max3A_463 = vector.extract %reduce_max3A_462[15] : i32 from vector<16xi32>
    %shift_right_arithmetic3A_464 = arith.constant 7 : i32
    %shift_right_arithmetic3A_465 = arith.shrsi %reduce_max3A_463, %shift_right_arithmetic3A_464 : i32
    %shift_left3A_466 = arith.constant 7 : i32
    %shift_left3A_467 = arith.shli %shift_right_arithmetic3A_465, %shift_left3A_466 : i32
    %multiple_of3A_468 = tpu.assume_multiple %shift_left3A_467, 128 : i32
    %dma_start3A_469 = arith.constant 6 : i32
    %dma_start3A_470 = arith.constant 0 : i32
    %dma_start3A_471 = arith.constant 0 : i32
    %dma_start3A_472 = tpu.memref_slice %arg6[%dma_start3A_469, %dma_start3A_470, %dma_start3A_471] : memref<8x32x128xf32, #tpu.memory_space<vmem>> -> memref<1x8x128xf32, #tpu.memory_space<vmem>>
    %dma_start3A_473 = tpu.memref_squeeze %dma_start3A_472 : memref<1x8x128xf32, #tpu.memory_space<vmem>> -> memref<8x128xf32, #tpu.memory_space<vmem>>
    %dma_start3A_474 = arith.constant 0 : i32
    %dma_start3A_475 = tpu.memref_slice %arg3[%dma_start3A_474, %multiple_of3A_468] : memref<32x1000000xf32, #tpu.memory_space<hbm>> -> memref<8x128xf32, #tpu.memory_space<hbm>>
    %dma_start3A_476 = arith.constant 0 : i32
    %dma_start3A_477 = arith.constant 0 : i32
    %dma_start3A_478 = tpu.memref_slice %arg6[%dma_start3A_469, %dma_start3A_476, %dma_start3A_477] : memref<8x32x128xf32, #tpu.memory_space<vmem>> -> memref<1x8x128xf32, #tpu.memory_space<vmem>>
    %dma_start3A_479 = tpu.memref_squeeze %dma_start3A_478 : memref<1x8x128xf32, #tpu.memory_space<vmem>> -> memref<8x128xf32, #tpu.memory_space<vmem>>
    %dma_start3A_480 = arith.constant 0 : i32
    %dma_start3A_481 = tpu.memref_slice %arg3[%dma_start3A_480, %multiple_of3A_468] : memref<32x1000000xf32, #tpu.memory_space<hbm>> -> memref<8x128xf32, #tpu.memory_space<hbm>>
    tpu.enqueue_dma source(%dma_start3A_481 : memref<8x128xf32, #tpu.memory_space<hbm>>) target(%dma_start3A_479 : memref<8x128xf32, #tpu.memory_space<vmem>>) target_semaphore(%arg14 : memref<!tpu.dma_semaphore, #tpu.memory_space<semaphore_mem>>)
    %dma_start3A_482 = arith.constant 6 : i32
    %dma_start3A_483 = arith.constant 8 : i32
    %dma_start3A_484 = arith.constant 0 : i32
    %dma_start3A_485 = tpu.memref_slice %arg6[%dma_start3A_482, %dma_start3A_483, %dma_start3A_484] : memref<8x32x128xf32, #tpu.memory_space<vmem>> -> memref<1x8x128xf32, #tpu.memory_space<vmem>>
    %dma_start3A_486 = tpu.memref_squeeze %dma_start3A_485 : memref<1x8x128xf32, #tpu.memory_space<vmem>> -> memref<8x128xf32, #tpu.memory_space<vmem>>
    %dma_start3A_487 = arith.constant 8 : i32
    %dma_start3A_488 = tpu.memref_slice %arg3[%dma_start3A_487, %multiple_of3A_468] : memref<32x1000000xf32, #tpu.memory_space<hbm>> -> memref<8x128xf32, #tpu.memory_space<hbm>>
    %dma_start3A_489 = arith.constant 8 : i32
    %dma_start3A_490 = arith.constant 0 : i32
    %dma_start3A_491 = tpu.memref_slice %arg6[%dma_start3A_482, %dma_start3A_489, %dma_start3A_490] : memref<8x32x128xf32, #tpu.memory_space<vmem>> -> memref<1x8x128xf32, #tpu.memory_space<vmem>>
    %dma_start3A_492 = tpu.memref_squeeze %dma_start3A_491 : memref<1x8x128xf32, #tpu.memory_space<vmem>> -> memref<8x128xf32, #tpu.memory_space<vmem>>
    %dma_start3A_493 = arith.constant 8 : i32
    %dma_start3A_494 = tpu.memref_slice %arg3[%dma_start3A_493, %multiple_of3A_468] : memref<32x1000000xf32, #tpu.memory_space<hbm>> -> memref<8x128xf32, #tpu.memory_space<hbm>>
    tpu.enqueue_dma source(%dma_start3A_494 : memref<8x128xf32, #tpu.memory_space<hbm>>) target(%dma_start3A_492 : memref<8x128xf32, #tpu.memory_space<vmem>>) target_semaphore(%arg14 : memref<!tpu.dma_semaphore, #tpu.memory_space<semaphore_mem>>)
    %dma_start3A_495 = arith.constant 6 : i32
    %dma_start3A_496 = arith.constant 16 : i32
    %dma_start3A_497 = arith.constant 0 : i32
    %dma_start3A_498 = tpu.memref_slice %arg6[%dma_start3A_495, %dma_start3A_496, %dma_start3A_497] : memref<8x32x128xf32, #tpu.memory_space<vmem>> -> memref<1x8x128xf32, #tpu.memory_space<vmem>>
    %dma_start3A_499 = tpu.memref_squeeze %dma_start3A_498 : memref<1x8x128xf32, #tpu.memory_space<vmem>> -> memref<8x128xf32, #tpu.memory_space<vmem>>
    %dma_start3A_500 = arith.constant 16 : i32
    %dma_start3A_501 = tpu.memref_slice %arg3[%dma_start3A_500, %multiple_of3A_468] : memref<32x1000000xf32, #tpu.memory_space<hbm>> -> memref<8x128xf32, #tpu.memory_space<hbm>>
    %dma_start3A_502 = arith.constant 16 : i32
    %dma_start3A_503 = arith.constant 0 : i32
    %dma_start3A_504 = tpu.memref_slice %arg6[%dma_start3A_495, %dma_start3A_502, %dma_start3A_503] : memref<8x32x128xf32, #tpu.memory_space<vmem>> -> memref<1x8x128xf32, #tpu.memory_space<vmem>>
    %dma_start3A_505 = tpu.memref_squeeze %dma_start3A_504 : memref<1x8x128xf32, #tpu.memory_space<vmem>> -> memref<8x128xf32, #tpu.memory_space<vmem>>
    %dma_start3A_506 = arith.constant 16 : i32
    %dma_start3A_507 = tpu.memref_slice %arg3[%dma_start3A_506, %multiple_of3A_468] : memref<32x1000000xf32, #tpu.memory_space<hbm>> -> memref<8x128xf32, #tpu.memory_space<hbm>>
    tpu.enqueue_dma source(%dma_start3A_507 : memref<8x128xf32, #tpu.memory_space<hbm>>) target(%dma_start3A_505 : memref<8x128xf32, #tpu.memory_space<vmem>>) target_semaphore(%arg14 : memref<!tpu.dma_semaphore, #tpu.memory_space<semaphore_mem>>)
    %dma_start3A_508 = arith.constant 6 : i32
    %dma_start3A_509 = arith.constant 24 : i32
    %dma_start3A_510 = arith.constant 0 : i32
    %dma_start3A_511 = tpu.memref_slice %arg6[%dma_start3A_508, %dma_start3A_509, %dma_start3A_510] : memref<8x32x128xf32, #tpu.memory_space<vmem>> -> memref<1x8x128xf32, #tpu.memory_space<vmem>>
    %dma_start3A_512 = tpu.memref_squeeze %dma_start3A_511 : memref<1x8x128xf32, #tpu.memory_space<vmem>> -> memref<8x128xf32, #tpu.memory_space<vmem>>
    %dma_start3A_513 = arith.constant 24 : i32
    %dma_start3A_514 = tpu.memref_slice %arg3[%dma_start3A_513, %multiple_of3A_468] : memref<32x1000000xf32, #tpu.memory_space<hbm>> -> memref<8x128xf32, #tpu.memory_space<hbm>>
    %dma_start3A_515 = arith.constant 24 : i32
    %dma_start3A_516 = arith.constant 0 : i32
    %dma_start3A_517 = tpu.memref_slice %arg6[%dma_start3A_508, %dma_start3A_515, %dma_start3A_516] : memref<8x32x128xf32, #tpu.memory_space<vmem>> -> memref<1x8x128xf32, #tpu.memory_space<vmem>>
    %dma_start3A_518 = tpu.memref_squeeze %dma_start3A_517 : memref<1x8x128xf32, #tpu.memory_space<vmem>> -> memref<8x128xf32, #tpu.memory_space<vmem>>
    %dma_start3A_519 = arith.constant 24 : i32
    %dma_start3A_520 = tpu.memref_slice %arg3[%dma_start3A_519, %multiple_of3A_468] : memref<32x1000000xf32, #tpu.memory_space<hbm>> -> memref<8x128xf32, #tpu.memory_space<hbm>>
    tpu.enqueue_dma source(%dma_start3A_520 : memref<8x128xf32, #tpu.memory_space<hbm>>) target(%dma_start3A_518 : memref<8x128xf32, #tpu.memory_space<vmem>>) target_semaphore(%arg14 : memref<!tpu.dma_semaphore, #tpu.memory_space<semaphore_mem>>)
    %multiple_of3A_521 = arith.constant 0 : i32
    %multiple_of3A_522 = tpu.assume_multiple %multiple_of3A_521, 16 : i32
    %get3A_523 = arith.index_cast %multiple_of3A_522 : i32 to index
    %get3A_524 = tpu.vector_load %arg5[%get3A_523] {strides = array<i32>} : memref<512xi32, #tpu.memory_space<vmem>>, vector<16xi32>,
    %eq3A_525 = arith.constant 7 : i32
    %eq3A_526 = vector.broadcast %eq3A_525 : i32 to vector<16xi32>
    %eq3A_527 = arith.cmpi eq, %iota3A, %eq3A_526 : vector<16xi32>
    %jit3A_528 = arith.constant -1 : i32
    %broadcast_in_dim3A_529 = vector.broadcast %jit3A_528 : i32 to vector<16xi32>
    %select_n3A_530 = arith.select %eq3A_527, %get3A_524, %broadcast_in_dim3A_529 : vector<16xi1>, vector<16xi32>
    %reduce_max3A_531 = arith.constant true
    %reduce_max3A_532 = vector.broadcast %reduce_max3A_531 : i1 to vector<16xi1>
    %reduce_max3A_533 = arith.constant -2147483648 : i32
    %reduce_max3A_534 = vector.broadcast %reduce_max3A_533 : i32 to vector<16xi32>
    %reduce_max3A_535 = arith.xori %select_n3A_530, %reduce_max3A_534 : vector<16xi32>
    %reduce_max3A_536 = tpu.scan <max>, %reduce_max3A_535 masked %reduce_max3A_532 : vector<16xi32>, vector<16xi1> -> vector<16xi32>
    %reduce_max3A_537 = arith.xori %reduce_max3A_536, %reduce_max3A_534 : vector<16xi32>
    %reduce_max3A_538 = vector.extract %reduce_max3A_537[15] : i32 from vector<16xi32>
    %shift_right_arithmetic3A_539 = arith.constant 7 : i32
    %shift_right_arithmetic3A_540 = arith.shrsi %reduce_max3A_538, %shift_right_arithmetic3A_539 : i32
    %shift_left3A_541 = arith.constant 7 : i32
    %shift_left3A_542 = arith.shli %shift_right_arithmetic3A_540, %shift_left3A_541 : i32
    %multiple_of3A_543 = tpu.assume_multiple %shift_left3A_542, 128 : i32
    %dma_start3A_544 = arith.constant 7 : i32
    %dma_start3A_545 = arith.constant 0 : i32
    %dma_start3A_546 = arith.constant 0 : i32
    %dma_start3A_547 = tpu.memref_slice %arg6[%dma_start3A_544, %dma_start3A_545, %dma_start3A_546] : memref<8x32x128xf32, #tpu.memory_space<vmem>> -> memref<1x8x128xf32, #tpu.memory_space<vmem>>
    %dma_start3A_548 = tpu.memref_squeeze %dma_start3A_547 : memref<1x8x128xf32, #tpu.memory_space<vmem>> -> memref<8x128xf32, #tpu.memory_space<vmem>>
    %dma_start3A_549 = arith.constant 0 : i32
    %dma_start3A_550 = tpu.memref_slice %arg3[%dma_start3A_549, %multiple_of3A_543] : memref<32x1000000xf32, #tpu.memory_space<hbm>> -> memref<8x128xf32, #tpu.memory_space<hbm>>
    %dma_start3A_551 = arith.constant 0 : i32
    %dma_start3A_552 = arith.constant 0 : i32
    %dma_start3A_553 = tpu.memref_slice %arg6[%dma_start3A_544, %dma_start3A_551, %dma_start3A_552] : memref<8x32x128xf32, #tpu.memory_space<vmem>> -> memref<1x8x128xf32, #tpu.memory_space<vmem>>
    %dma_start3A_554 = tpu.memref_squeeze %dma_start3A_553 : memref<1x8x128xf32, #tpu.memory_space<vmem>> -> memref<8x128xf32, #tpu.memory_space<vmem>>
    %dma_start3A_555 = arith.constant 0 : i32
    %dma_start3A_556 = tpu.memref_slice %arg3[%dma_start3A_555, %multiple_of3A_543] : memref<32x1000000xf32, #tpu.memory_space<hbm>> -> memref<8x128xf32, #tpu.memory_space<hbm>>
    tpu.enqueue_dma source(%dma_start3A_556 : memref<8x128xf32, #tpu.memory_space<hbm>>) target(%dma_start3A_554 : memref<8x128xf32, #tpu.memory_space<vmem>>) target_semaphore(%arg15 : memref<!tpu.dma_semaphore, #tpu.memory_space<semaphore_mem>>)
    %dma_start3A_557 = arith.constant 7 : i32
    %dma_start3A_558 = arith.constant 8 : i32
    %dma_start3A_559 = arith.constant 0 : i32
    %dma_start3A_560 = tpu.memref_slice %arg6[%dma_start3A_557, %dma_start3A_558, %dma_start3A_559] : memref<8x32x128xf32, #tpu.memory_space<vmem>> -> memref<1x8x128xf32, #tpu.memory_space<vmem>>
    %dma_start3A_561 = tpu.memref_squeeze %dma_start3A_560 : memref<1x8x128xf32, #tpu.memory_space<vmem>> -> memref<8x128xf32, #tpu.memory_space<vmem>>
    %dma_start3A_562 = arith.constant 8 : i32
    %dma_start3A_563 = tpu.memref_slice %arg3[%dma_start3A_562, %multiple_of3A_543] : memref<32x1000000xf32, #tpu.memory_space<hbm>> -> memref<8x128xf32, #tpu.memory_space<hbm>>
    %dma_start3A_564 = arith.constant 8 : i32
    %dma_start3A_565 = arith.constant 0 : i32
    %dma_start3A_566 = tpu.memref_slice %arg6[%dma_start3A_557, %dma_start3A_564, %dma_start3A_565] : memref<8x32x128xf32, #tpu.memory_space<vmem>> -> memref<1x8x128xf32, #tpu.memory_space<vmem>>
    %dma_start3A_567 = tpu.memref_squeeze %dma_start3A_566 : memref<1x8x128xf32, #tpu.memory_space<vmem>> -> memref<8x128xf32, #tpu.memory_space<vmem>>
    %dma_start3A_568 = arith.constant 8 : i32
    %dma_start3A_569 = tpu.memref_slice %arg3[%dma_start3A_568, %multiple_of3A_543] : memref<32x1000000xf32, #tpu.memory_space<hbm>> -> memref<8x128xf32, #tpu.memory_space<hbm>>
    tpu.enqueue_dma source(%dma_start3A_569 : memref<8x128xf32, #tpu.memory_space<hbm>>) target(%dma_start3A_567 : memref<8x128xf32, #tpu.memory_space<vmem>>) target_semaphore(%arg15 : memref<!tpu.dma_semaphore, #tpu.memory_space<semaphore_mem>>)
    %dma_start3A_570 = arith.constant 7 : i32
    %dma_start3A_571 = arith.constant 16 : i32
    %dma_start3A_572 = arith.constant 0 : i32
    %dma_start3A_573 = tpu.memref_slice %arg6[%dma_start3A_570, %dma_start3A_571, %dma_start3A_572] : memref<8x32x128xf32, #tpu.memory_space<vmem>> -> memref<1x8x128xf32, #tpu.memory_space<vmem>>
    %dma_start3A_574 = tpu.memref_squeeze %dma_start3A_573 : memref<1x8x128xf32, #tpu.memory_space<vmem>> -> memref<8x128xf32, #tpu.memory_space<vmem>>
    %dma_start3A_575 = arith.constant 16 : i32
    %dma_start3A_576 = tpu.memref_slice %arg3[%dma_start3A_575, %multiple_of3A_543] : memref<32x1000000xf32, #tpu.memory_space<hbm>> -> memref<8x128xf32, #tpu.memory_space<hbm>>
    %dma_start3A_577 = arith.constant 16 : i32
    %dma_start3A_578 = arith.constant 0 : i32
    %dma_start3A_579 = tpu.memref_slice %arg6[%dma_start3A_570, %dma_start3A_577, %dma_start3A_578] : memref<8x32x128xf32, #tpu.memory_space<vmem>> -> memref<1x8x128xf32, #tpu.memory_space<vmem>>
    %dma_start3A_580 = tpu.memref_squeeze %dma_start3A_579 : memref<1x8x128xf32, #tpu.memory_space<vmem>> -> memref<8x128xf32, #tpu.memory_space<vmem>>
    %dma_start3A_581 = arith.constant 16 : i32
    %dma_start3A_582 = tpu.memref_slice %arg3[%dma_start3A_581, %multiple_of3A_543] : memref<32x1000000xf32, #tpu.memory_space<hbm>> -> memref<8x128xf32, #tpu.memory_space<hbm>>
    tpu.enqueue_dma source(%dma_start3A_582 : memref<8x128xf32, #tpu.memory_space<hbm>>) target(%dma_start3A_580 : memref<8x128xf32, #tpu.memory_space<vmem>>) target_semaphore(%arg15 : memref<!tpu.dma_semaphore, #tpu.memory_space<semaphore_mem>>)
    %dma_start3A_583 = arith.constant 7 : i32
    %dma_start3A_584 = arith.constant 24 : i32
    %dma_start3A_585 = arith.constant 0 : i32
    %dma_start3A_586 = tpu.memref_slice %arg6[%dma_start3A_583, %dma_start3A_584, %dma_start3A_585] : memref<8x32x128xf32, #tpu.memory_space<vmem>> -> memref<1x8x128xf32, #tpu.memory_space<vmem>>
    %dma_start3A_587 = tpu.memref_squeeze %dma_start3A_586 : memref<1x8x128xf32, #tpu.memory_space<vmem>> -> memref<8x128xf32, #tpu.memory_space<vmem>>
    %dma_start3A_588 = arith.constant 24 : i32
    %dma_start3A_589 = tpu.memref_slice %arg3[%dma_start3A_588, %multiple_of3A_543] : memref<32x1000000xf32, #tpu.memory_space<hbm>> -> memref<8x128xf32, #tpu.memory_space<hbm>>
    %dma_start3A_590 = arith.constant 24 : i32
    %dma_start3A_591 = arith.constant 0 : i32
    %dma_start3A_592 = tpu.memref_slice %arg6[%dma_start3A_583, %dma_start3A_590, %dma_start3A_591] : memref<8x32x128xf32, #tpu.memory_space<vmem>> -> memref<1x8x128xf32, #tpu.memory_space<vmem>>
    %dma_start3A_593 = tpu.memref_squeeze %dma_start3A_592 : memref<1x8x128xf32, #tpu.memory_space<vmem>> -> memref<8x128xf32, #tpu.memory_space<vmem>>
    %dma_start3A_594 = arith.constant 24 : i32
    %dma_start3A_595 = tpu.memref_slice %arg3[%dma_start3A_594, %multiple_of3A_543] : memref<32x1000000xf32, #tpu.memory_space<hbm>> -> memref<8x128xf32, #tpu.memory_space<hbm>>
    tpu.enqueue_dma source(%dma_start3A_595 : memref<8x128xf32, #tpu.memory_space<hbm>>) target(%dma_start3A_593 : memref<8x128xf32, #tpu.memory_space<vmem>>) target_semaphore(%arg15 : memref<!tpu.dma_semaphore, #tpu.memory_space<semaphore_mem>>)
    %scan3A = arith.constant 0 : i32
    %scan3A_596 = arith.constant 0 : i32
    %scan3A_597 = arith.constant 64 : i32
    %scan3A_598 = arith.addi %scan3A_596, %scan3A_597 : i32
    %scan3A_599 = arith.constant 1 : i32
    scf.for %scan3A_601 = %scan3A_596 to %scan3A_598 step %scan3A_599  : i32 {
      %mul3A_602 = arith.constant 8 : i32
      %mul3A_603 = arith.muli %scan3A_601, %mul3A_602 : i32
      %add3A_604 = arith.constant 0 : i32
      %add3A_605 = arith.addi %mul3A_603, %add3A_604 : i32
      %dma_wait3A = arith.constant 0 : i32
      %dma_wait3A_606 = arith.constant 0 : i32
      %dma_wait3A_607 = arith.constant 0 : i32
      %dma_wait3A_608 = tpu.memref_slice %arg6[%dma_wait3A, %dma_wait3A_606, %dma_wait3A_607] : memref<8x32x128xf32, #tpu.memory_space<vmem>> -> memref<1x32x128xf32, #tpu.memory_space<vmem>>
      %dma_wait3A_609 = tpu.memref_squeeze %dma_wait3A_608 : memref<1x32x128xf32, #tpu.memory_space<vmem>> -> memref<32x128xf32, #tpu.memory_space<vmem>>
      %dma_wait3A_610 = arith.constant 0 : i32
      %dma_wait3A_611 = arith.constant 0 : i32
      %dma_wait3A_612 = tpu.memref_slice %arg3[%dma_wait3A_610, %dma_wait3A_611] : memref<32x1000000xf32, #tpu.memory_space<hbm>> -> memref<32x128xf32, #tpu.memory_space<hbm>>
      %dma_wait3A_613 = arith.constant 0 : i32
      %dma_wait3A_614 = arith.constant 0 : i32
      %dma_wait3A_615 = tpu.memref_slice %arg6[%dma_wait3A, %dma_wait3A_613, %dma_wait3A_614] : memref<8x32x128xf32, #tpu.memory_space<vmem>> -> memref<1x32x128xf32, #tpu.memory_space<vmem>>
      %dma_wait3A_616 = tpu.memref_squeeze %dma_wait3A_615 : memref<1x32x128xf32, #tpu.memory_space<vmem>> -> memref<32x128xf32, #tpu.memory_space<vmem>>
      %dma_wait3A_617 = arith.constant 0 : i32
      %dma_wait3A_618 = arith.constant 0 : i32
      %dma_wait3A_619 = tpu.memref_slice %arg3[%dma_wait3A_617, %dma_wait3A_618] : memref<32x1000000xf32, #tpu.memory_space<hbm>> -> memref<32x128xf32, #tpu.memory_space<hbm>>
      tpu.wait_dma2 semaphore(%arg8 : memref<!tpu.dma_semaphore, #tpu.memory_space<semaphore_mem>>) src(%dma_wait3A_619 : memref<32x128xf32, #tpu.memory_space<hbm>>) dst(%dma_wait3A_616 : memref<32x128xf32, #tpu.memory_space<vmem>>)
      %shift_right_arithmetic3A_620 = arith.constant 4 : i32
      %shift_right_arithmetic3A_621 = arith.shrsi %add3A_605, %shift_right_arithmetic3A_620 : i32
      %shift_left3A_622 = arith.constant 4 : i32
      %shift_left3A_623 = arith.shli %shift_right_arithmetic3A_621, %shift_left3A_622 : i32
      %multiple_of3A_624 = tpu.assume_multiple %shift_left3A_623, 16 : i32
      %get3A_625 = arith.index_cast %multiple_of3A_624 : i32 to index
      %get3A_626 = tpu.vector_load %arg5[%get3A_625] {strides = array<i32>} : memref<512xi32, #tpu.memory_space<vmem>>, vector<16xi32>,
      %and3A = arith.constant 15 : i32
      %and3A_627 = arith.andi %add3A_605, %and3A : i32
      %eq3A_628 = vector.broadcast %and3A_627 : i32 to vector<16xi32>
      %eq3A_629 = arith.cmpi eq, %iota3A, %eq3A_628 : vector<16xi32>
      %jit3A_630 = arith.constant -1 : i32
      %broadcast_in_dim3A_631 = vector.broadcast %jit3A_630 : i32 to vector<16xi32>
      %select_n3A_632 = arith.select %eq3A_629, %get3A_626, %broadcast_in_dim3A_631 : vector<16xi1>, vector<16xi32>
      %reduce_max3A_633 = arith.constant true
      %reduce_max3A_634 = vector.broadcast %reduce_max3A_633 : i1 to vector<16xi1>
      %reduce_max3A_635 = arith.constant -2147483648 : i32
      %reduce_max3A_636 = vector.broadcast %reduce_max3A_635 : i32 to vector<16xi32>
      %reduce_max3A_637 = arith.xori %select_n3A_632, %reduce_max3A_636 : vector<16xi32>
      %reduce_max3A_638 = tpu.scan <max>, %reduce_max3A_637 masked %reduce_max3A_634 : vector<16xi32>, vector<16xi1> -> vector<16xi32>
      %reduce_max3A_639 = arith.xori %reduce_max3A_638, %reduce_max3A_636 : vector<16xi32>
      %reduce_max3A_640 = vector.extract %reduce_max3A_639[15] : i32 from vector<16xi32>
      %and3A_641 = arith.constant 127 : i32
      %and3A_642 = arith.andi %reduce_max3A_640, %and3A_641 : i32
      %broadcast_in_dim3A_643 = vector.broadcast %and3A_642 : i32 to vector<16xi32>
      %broadcast_in_dim3A_644 = vector.broadcast %add3A_605 : i32 to vector<16xi32>
      %gather3A = arith.constant 0 : i32
      %gather3A_645 = arith.constant 0 : i32
      %gather3A_646 = arith.constant 0 : i32
      %gather3A_647 = tpu.memref_slice %arg6[%gather3A, %gather3A_645, %gather3A_646] : memref<8x32x128xf32, #tpu.memory_space<vmem>> -> memref<1x32x128xf32, #tpu.memory_space<vmem>>
      %gather3A_648 = tpu.memref_squeeze %gather3A_647 : memref<1x32x128xf32, #tpu.memory_space<vmem>> -> memref<32x128xf32, #tpu.memory_space<vmem>>
      %gather3A_649 = tpu.vector_load_idx %gather3A_648[%iota3A, %broadcast_in_dim3A_643] : memref<32x128xf32, #tpu.memory_space<vmem>>[vector<16xi32>, vector<16xi32>], vector<16xf32>,
      %gather3A_650 = arith.constant 0 : i32
      %gather3A_651 = arith.constant 0 : i32
      %gather3A_652 = arith.constant 0 : i32
      %gather3A_653 = tpu.memref_slice %arg6[%gather3A_650, %gather3A_651, %gather3A_652] : memref<8x32x128xf32, #tpu.memory_space<vmem>> -> memref<1x32x128xf32, #tpu.memory_space<vmem>>
      %gather3A_654 = tpu.memref_squeeze %gather3A_653 : memref<1x32x128xf32, #tpu.memory_space<vmem>> -> memref<32x128xf32, #tpu.memory_space<vmem>>
      %gather3A_655 = tpu.vector_load_idx %gather3A_654[%add3A_5, %broadcast_in_dim3A_643] : memref<32x128xf32, #tpu.memory_space<vmem>>[vector<16xi32>, vector<16xi32>], vector<16xf32>,
      tpu.vector_store_idx %arg7[%iota3A, %broadcast_in_dim3A_644], %gather3A_649 : memref<32x512xf32, #tpu.memory_space<vmem>>[vector<16xi32>, vector<16xi32>], vector<16xf32>,
      tpu.vector_store_idx %arg7[%add3A_5, %broadcast_in_dim3A_644], %gather3A_655 : memref<32x512xf32, #tpu.memory_space<vmem>>[vector<16xi32>, vector<16xi32>], vector<16xf32>,
      %add3A_656 = arith.constant 8 : i32
      %add3A_657 = arith.addi %add3A_605, %add3A_656 : i32
      %lt3A = arith.constant 512 : i32
      %lt3A_658 = arith.cmpi slt, %add3A_657, %lt3A : i32
      %convert_element_type3A = arith.extui %lt3A_658 : i1 to i32
      %cond3A = arith.constant 0 : i32
      %cond3A_659 = arith.cmpi ne, %convert_element_type3A, %cond3A : i32
      scf.if %cond3A_659 {
        %add3A_1108 = arith.constant 8 : i32
        %add3A_1109 = arith.addi %add3A_605, %add3A_1108 : i32
        %shift_right_arithmetic3A_1110 = arith.constant 4 : i32
        %shift_right_arithmetic3A_1111 = arith.shrsi %add3A_1109, %shift_right_arithmetic3A_1110 : i32
        %shift_left3A_1112 = arith.constant 4 : i32
        %shift_left3A_1113 = arith.shli %shift_right_arithmetic3A_1111, %shift_left3A_1112 : i32
        %multiple_of3A_1114 = tpu.assume_multiple %shift_left3A_1113, 16 : i32
        %get3A_1115 = arith.index_cast %multiple_of3A_1114 : i32 to index
        %get3A_1116 = tpu.vector_load %arg5[%get3A_1115] {strides = array<i32>} : memref<512xi32, #tpu.memory_space<vmem>>, vector<16xi32>,
        %and3A_1117 = arith.constant 15 : i32
        %and3A_1118 = arith.andi %add3A_1109, %and3A_1117 : i32
        %eq3A_1119 = vector.broadcast %and3A_1118 : i32 to vector<16xi32>
        %eq3A_1120 = arith.cmpi eq, %iota3A, %eq3A_1119 : vector<16xi32>
        %jit3A_1121 = arith.constant -1 : i32
        %broadcast_in_dim3A_1122 = vector.broadcast %jit3A_1121 : i32 to vector<16xi32>
        %select_n3A_1123 = arith.select %eq3A_1120, %get3A_1116, %broadcast_in_dim3A_1122 : vector<16xi1>, vector<16xi32>
        %reduce_max3A_1124 = arith.constant true
        %reduce_max3A_1125 = vector.broadcast %reduce_max3A_1124 : i1 to vector<16xi1>
        %reduce_max3A_1126 = arith.constant -2147483648 : i32
        %reduce_max3A_1127 = vector.broadcast %reduce_max3A_1126 : i32 to vector<16xi32>
        %reduce_max3A_1128 = arith.xori %select_n3A_1123, %reduce_max3A_1127 : vector<16xi32>
        %reduce_max3A_1129 = tpu.scan <max>, %reduce_max3A_1128 masked %reduce_max3A_1125 : vector<16xi32>, vector<16xi1> -> vector<16xi32>
        %reduce_max3A_1130 = arith.xori %reduce_max3A_1129, %reduce_max3A_1127 : vector<16xi32>
        %reduce_max3A_1131 = vector.extract %reduce_max3A_1130[15] : i32 from vector<16xi32>
        %shift_right_arithmetic3A_1132 = arith.constant 7 : i32
        %shift_right_arithmetic3A_1133 = arith.shrsi %reduce_max3A_1131, %shift_right_arithmetic3A_1132 : i32
        %shift_left3A_1134 = arith.constant 7 : i32
        %shift_left3A_1135 = arith.shli %shift_right_arithmetic3A_1133, %shift_left3A_1134 : i32
        %multiple_of3A_1136 = tpu.assume_multiple %shift_left3A_1135, 128 : i32
        %dma_start3A_1137 = arith.constant 0 : i32
        %dma_start3A_1138 = arith.constant 0 : i32
        %dma_start3A_1139 = arith.constant 0 : i32
        %dma_start3A_1140 = tpu.memref_slice %arg6[%dma_start3A_1137, %dma_start3A_1138, %dma_start3A_1139] : memref<8x32x128xf32, #tpu.memory_space<vmem>> -> memref<1x8x128xf32, #tpu.memory_space<vmem>>
        %dma_start3A_1141 = tpu.memref_squeeze %dma_start3A_1140 : memref<1x8x128xf32, #tpu.memory_space<vmem>> -> memref<8x128xf32, #tpu.memory_space<vmem>>
        %dma_start3A_1142 = arith.constant 0 : i32
        %dma_start3A_1143 = tpu.memref_slice %arg3[%dma_start3A_1142, %multiple_of3A_1136] : memref<32x1000000xf32, #tpu.memory_space<hbm>> -> memref<8x128xf32, #tpu.memory_space<hbm>>
        %dma_start3A_1144 = arith.constant 0 : i32
        %dma_start3A_1145 = arith.constant 0 : i32
        %dma_start3A_1146 = tpu.memref_slice %arg6[%dma_start3A_1137, %dma_start3A_1144, %dma_start3A_1145] : memref<8x32x128xf32, #tpu.memory_space<vmem>> -> memref<1x8x128xf32, #tpu.memory_space<vmem>>
        %dma_start3A_1147 = tpu.memref_squeeze %dma_start3A_1146 : memref<1x8x128xf32, #tpu.memory_space<vmem>> -> memref<8x128xf32, #tpu.memory_space<vmem>>
        %dma_start3A_1148 = arith.constant 0 : i32
        %dma_start3A_1149 = tpu.memref_slice %arg3[%dma_start3A_1148, %multiple_of3A_1136] : memref<32x1000000xf32, #tpu.memory_space<hbm>> -> memref<8x128xf32, #tpu.memory_space<hbm>>
        tpu.enqueue_dma source(%dma_start3A_1149 : memref<8x128xf32, #tpu.memory_space<hbm>>) target(%dma_start3A_1147 : memref<8x128xf32, #tpu.memory_space<vmem>>) target_semaphore(%arg8 : memref<!tpu.dma_semaphore, #tpu.memory_space<semaphore_mem>>)
        %dma_start3A_1150 = arith.constant 0 : i32
        %dma_start3A_1151 = arith.constant 8 : i32
        %dma_start3A_1152 = arith.constant 0 : i32
        %dma_start3A_1153 = tpu.memref_slice %arg6[%dma_start3A_1150, %dma_start3A_1151, %dma_start3A_1152] : memref<8x32x128xf32, #tpu.memory_space<vmem>> -> memref<1x8x128xf32, #tpu.memory_space<vmem>>
        %dma_start3A_1154 = tpu.memref_squeeze %dma_start3A_1153 : memref<1x8x128xf32, #tpu.memory_space<vmem>> -> memref<8x128xf32, #tpu.memory_space<vmem>>
        %dma_start3A_1155 = arith.constant 8 : i32
        %dma_start3A_1156 = tpu.memref_slice %arg3[%dma_start3A_1155, %multiple_of3A_1136] : memref<32x1000000xf32, #tpu.memory_space<hbm>> -> memref<8x128xf32, #tpu.memory_space<hbm>>
        %dma_start3A_1157 = arith.constant 8 : i32
        %dma_start3A_1158 = arith.constant 0 : i32
        %dma_start3A_1159 = tpu.memref_slice %arg6[%dma_start3A_1150, %dma_start3A_1157, %dma_start3A_1158] : memref<8x32x128xf32, #tpu.memory_space<vmem>> -> memref<1x8x128xf32, #tpu.memory_space<vmem>>
        %dma_start3A_1160 = tpu.memref_squeeze %dma_start3A_1159 : memref<1x8x128xf32, #tpu.memory_space<vmem>> -> memref<8x128xf32, #tpu.memory_space<vmem>>
        %dma_start3A_1161 = arith.constant 8 : i32
        %dma_start3A_1162 = tpu.memref_slice %arg3[%dma_start3A_1161, %multiple_of3A_1136] : memref<32x1000000xf32, #tpu.memory_space<hbm>> -> memref<8x128xf32, #tpu.memory_space<hbm>>
        tpu.enqueue_dma source(%dma_start3A_1162 : memref<8x128xf32, #tpu.memory_space<hbm>>) target(%dma_start3A_1160 : memref<8x128xf32, #tpu.memory_space<vmem>>) target_semaphore(%arg8 : memref<!tpu.dma_semaphore, #tpu.memory_space<semaphore_mem>>)
        %dma_start3A_1163 = arith.constant 0 : i32
        %dma_start3A_1164 = arith.constant 16 : i32
        %dma_start3A_1165 = arith.constant 0 : i32
        %dma_start3A_1166 = tpu.memref_slice %arg6[%dma_start3A_1163, %dma_start3A_1164, %dma_start3A_1165] : memref<8x32x128xf32, #tpu.memory_space<vmem>> -> memref<1x8x128xf32, #tpu.memory_space<vmem>>
        %dma_start3A_1167 = tpu.memref_squeeze %dma_start3A_1166 : memref<1x8x128xf32, #tpu.memory_space<vmem>> -> memref<8x128xf32, #tpu.memory_space<vmem>>
        %dma_start3A_1168 = arith.constant 16 : i32
        %dma_start3A_1169 = tpu.memref_slice %arg3[%dma_start3A_1168, %multiple_of3A_1136] : memref<32x1000000xf32, #tpu.memory_space<hbm>> -> memref<8x128xf32, #tpu.memory_space<hbm>>
        %dma_start3A_1170 = arith.constant 16 : i32
        %dma_start3A_1171 = arith.constant 0 : i32
        %dma_start3A_1172 = tpu.memref_slice %arg6[%dma_start3A_1163, %dma_start3A_1170, %dma_start3A_1171] : memref<8x32x128xf32, #tpu.memory_space<vmem>> -> memref<1x8x128xf32, #tpu.memory_space<vmem>>
        %dma_start3A_1173 = tpu.memref_squeeze %dma_start3A_1172 : memref<1x8x128xf32, #tpu.memory_space<vmem>> -> memref<8x128xf32, #tpu.memory_space<vmem>>
        %dma_start3A_1174 = arith.constant 16 : i32
        %dma_start3A_1175 = tpu.memref_slice %arg3[%dma_start3A_1174, %multiple_of3A_1136] : memref<32x1000000xf32, #tpu.memory_space<hbm>> -> memref<8x128xf32, #tpu.memory_space<hbm>>
        tpu.enqueue_dma source(%dma_start3A_1175 : memref<8x128xf32, #tpu.memory_space<hbm>>) target(%dma_start3A_1173 : memref<8x128xf32, #tpu.memory_space<vmem>>) target_semaphore(%arg8 : memref<!tpu.dma_semaphore, #tpu.memory_space<semaphore_mem>>)
        %dma_start3A_1176 = arith.constant 0 : i32
        %dma_start3A_1177 = arith.constant 24 : i32
        %dma_start3A_1178 = arith.constant 0 : i32
        %dma_start3A_1179 = tpu.memref_slice %arg6[%dma_start3A_1176, %dma_start3A_1177, %dma_start3A_1178] : memref<8x32x128xf32, #tpu.memory_space<vmem>> -> memref<1x8x128xf32, #tpu.memory_space<vmem>>
        %dma_start3A_1180 = tpu.memref_squeeze %dma_start3A_1179 : memref<1x8x128xf32, #tpu.memory_space<vmem>> -> memref<8x128xf32, #tpu.memory_space<vmem>>
        %dma_start3A_1181 = arith.constant 24 : i32
        %dma_start3A_1182 = tpu.memref_slice %arg3[%dma_start3A_1181, %multiple_of3A_1136] : memref<32x1000000xf32, #tpu.memory_space<hbm>> -> memref<8x128xf32, #tpu.memory_space<hbm>>
        %dma_start3A_1183 = arith.constant 24 : i32
        %dma_start3A_1184 = arith.constant 0 : i32
        %dma_start3A_1185 = tpu.memref_slice %arg6[%dma_start3A_1176, %dma_start3A_1183, %dma_start3A_1184] : memref<8x32x128xf32, #tpu.memory_space<vmem>> -> memref<1x8x128xf32, #tpu.memory_space<vmem>>
        %dma_start3A_1186 = tpu.memref_squeeze %dma_start3A_1185 : memref<1x8x128xf32, #tpu.memory_space<vmem>> -> memref<8x128xf32, #tpu.memory_space<vmem>>
        %dma_start3A_1187 = arith.constant 24 : i32
        %dma_start3A_1188 = tpu.memref_slice %arg3[%dma_start3A_1187, %multiple_of3A_1136] : memref<32x1000000xf32, #tpu.memory_space<hbm>> -> memref<8x128xf32, #tpu.memory_space<hbm>>
        tpu.enqueue_dma source(%dma_start3A_1188 : memref<8x128xf32, #tpu.memory_space<hbm>>) target(%dma_start3A_1186 : memref<8x128xf32, #tpu.memory_space<vmem>>) target_semaphore(%arg8 : memref<!tpu.dma_semaphore, #tpu.memory_space<semaphore_mem>>)
      } else {
      }
      %mul3A_660 = arith.constant 8 : i32
      %mul3A_661 = arith.muli %scan3A_601, %mul3A_660 : i32
      %add3A_662 = arith.constant 1 : i32
      %add3A_663 = arith.addi %mul3A_661, %add3A_662 : i32
      %dma_wait3A_664 = arith.constant 1 : i32
      %dma_wait3A_665 = arith.constant 0 : i32
      %dma_wait3A_666 = arith.constant 0 : i32
      %dma_wait3A_667 = tpu.memref_slice %arg6[%dma_wait3A_664, %dma_wait3A_665, %dma_wait3A_666] : memref<8x32x128xf32, #tpu.memory_space<vmem>> -> memref<1x32x128xf32, #tpu.memory_space<vmem>>
      %dma_wait3A_668 = tpu.memref_squeeze %dma_wait3A_667 : memref<1x32x128xf32, #tpu.memory_space<vmem>> -> memref<32x128xf32, #tpu.memory_space<vmem>>
      %dma_wait3A_669 = arith.constant 0 : i32
      %dma_wait3A_670 = arith.constant 0 : i32
      %dma_wait3A_671 = tpu.memref_slice %arg3[%dma_wait3A_669, %dma_wait3A_670] : memref<32x1000000xf32, #tpu.memory_space<hbm>> -> memref<32x128xf32, #tpu.memory_space<hbm>>
      %dma_wait3A_672 = arith.constant 0 : i32
      %dma_wait3A_673 = arith.constant 0 : i32
      %dma_wait3A_674 = tpu.memref_slice %arg6[%dma_wait3A_664, %dma_wait3A_672, %dma_wait3A_673] : memref<8x32x128xf32, #tpu.memory_space<vmem>> -> memref<1x32x128xf32, #tpu.memory_space<vmem>>
      %dma_wait3A_675 = tpu.memref_squeeze %dma_wait3A_674 : memref<1x32x128xf32, #tpu.memory_space<vmem>> -> memref<32x128xf32, #tpu.memory_space<vmem>>
      %dma_wait3A_676 = arith.constant 0 : i32
      %dma_wait3A_677 = arith.constant 0 : i32
      %dma_wait3A_678 = tpu.memref_slice %arg3[%dma_wait3A_676, %dma_wait3A_677] : memref<32x1000000xf32, #tpu.memory_space<hbm>> -> memref<32x128xf32, #tpu.memory_space<hbm>>
      tpu.wait_dma2 semaphore(%arg9 : memref<!tpu.dma_semaphore, #tpu.memory_space<semaphore_mem>>) src(%dma_wait3A_678 : memref<32x128xf32, #tpu.memory_space<hbm>>) dst(%dma_wait3A_675 : memref<32x128xf32, #tpu.memory_space<vmem>>)
      %shift_right_arithmetic3A_679 = arith.constant 4 : i32
      %shift_right_arithmetic3A_680 = arith.shrsi %add3A_663, %shift_right_arithmetic3A_679 : i32
      %shift_left3A_681 = arith.constant 4 : i32
      %shift_left3A_682 = arith.shli %shift_right_arithmetic3A_680, %shift_left3A_681 : i32
      %multiple_of3A_683 = tpu.assume_multiple %shift_left3A_682, 16 : i32
      %get3A_684 = arith.index_cast %multiple_of3A_683 : i32 to index
      %get3A_685 = tpu.vector_load %arg5[%get3A_684] {strides = array<i32>} : memref<512xi32, #tpu.memory_space<vmem>>, vector<16xi32>,
      %and3A_686 = arith.constant 15 : i32
      %and3A_687 = arith.andi %add3A_663, %and3A_686 : i32
      %eq3A_688 = vector.broadcast %and3A_687 : i32 to vector<16xi32>
      %eq3A_689 = arith.cmpi eq, %iota3A, %eq3A_688 : vector<16xi32>
      %jit3A_690 = arith.constant -1 : i32
      %broadcast_in_dim3A_691 = vector.broadcast %jit3A_690 : i32 to vector<16xi32>
      %select_n3A_692 = arith.select %eq3A_689, %get3A_685, %broadcast_in_dim3A_691 : vector<16xi1>, vector<16xi32>
      %reduce_max3A_693 = arith.constant true
      %reduce_max3A_694 = vector.broadcast %reduce_max3A_693 : i1 to vector<16xi1>
      %reduce_max3A_695 = arith.constant -2147483648 : i32
      %reduce_max3A_696 = vector.broadcast %reduce_max3A_695 : i32 to vector<16xi32>
      %reduce_max3A_697 = arith.xori %select_n3A_692, %reduce_max3A_696 : vector<16xi32>
      %reduce_max3A_698 = tpu.scan <max>, %reduce_max3A_697 masked %reduce_max3A_694 : vector<16xi32>, vector<16xi1> -> vector<16xi32>
      %reduce_max3A_699 = arith.xori %reduce_max3A_698, %reduce_max3A_696 : vector<16xi32>
      %reduce_max3A_700 = vector.extract %reduce_max3A_699[15] : i32 from vector<16xi32>
      %and3A_701 = arith.constant 127 : i32
      %and3A_702 = arith.andi %reduce_max3A_700, %and3A_701 : i32
      %broadcast_in_dim3A_703 = vector.broadcast %and3A_702 : i32 to vector<16xi32>
      %broadcast_in_dim3A_704 = vector.broadcast %add3A_663 : i32 to vector<16xi32>
      %gather3A_705 = arith.constant 1 : i32
      %gather3A_706 = arith.constant 0 : i32
      %gather3A_707 = arith.constant 0 : i32
      %gather3A_708 = tpu.memref_slice %arg6[%gather3A_705, %gather3A_706, %gather3A_707] : memref<8x32x128xf32, #tpu.memory_space<vmem>> -> memref<1x32x128xf32, #tpu.memory_space<vmem>>
      %gather3A_709 = tpu.memref_squeeze %gather3A_708 : memref<1x32x128xf32, #tpu.memory_space<vmem>> -> memref<32x128xf32, #tpu.memory_space<vmem>>
      %gather3A_710 = tpu.vector_load_idx %gather3A_709[%iota3A, %broadcast_in_dim3A_703] : memref<32x128xf32, #tpu.memory_space<vmem>>[vector<16xi32>, vector<16xi32>], vector<16xf32>,
      %gather3A_711 = arith.constant 1 : i32
      %gather3A_712 = arith.constant 0 : i32
      %gather3A_713 = arith.constant 0 : i32
      %gather3A_714 = tpu.memref_slice %arg6[%gather3A_711, %gather3A_712, %gather3A_713] : memref<8x32x128xf32, #tpu.memory_space<vmem>> -> memref<1x32x128xf32, #tpu.memory_space<vmem>>
      %gather3A_715 = tpu.memref_squeeze %gather3A_714 : memref<1x32x128xf32, #tpu.memory_space<vmem>> -> memref<32x128xf32, #tpu.memory_space<vmem>>
      %gather3A_716 = tpu.vector_load_idx %gather3A_715[%add3A_5, %broadcast_in_dim3A_703] : memref<32x128xf32, #tpu.memory_space<vmem>>[vector<16xi32>, vector<16xi32>], vector<16xf32>,
      tpu.vector_store_idx %arg7[%iota3A, %broadcast_in_dim3A_704], %gather3A_710 : memref<32x512xf32, #tpu.memory_space<vmem>>[vector<16xi32>, vector<16xi32>], vector<16xf32>,
      tpu.vector_store_idx %arg7[%add3A_5, %broadcast_in_dim3A_704], %gather3A_716 : memref<32x512xf32, #tpu.memory_space<vmem>>[vector<16xi32>, vector<16xi32>], vector<16xf32>,
      %add3A_717 = arith.constant 8 : i32
      %add3A_718 = arith.addi %add3A_663, %add3A_717 : i32
      %lt3A_719 = arith.constant 512 : i32
      %lt3A_720 = arith.cmpi slt, %add3A_718, %lt3A_719 : i32
      %convert_element_type3A_721 = arith.extui %lt3A_720 : i1 to i32
      %cond3A_722 = arith.constant 0 : i32
      %cond3A_723 = arith.cmpi ne, %convert_element_type3A_721, %cond3A_722 : i32
      scf.if %cond3A_723 {
        %add3A_1108 = arith.constant 8 : i32
        %add3A_1109 = arith.addi %add3A_663, %add3A_1108 : i32
        %shift_right_arithmetic3A_1110 = arith.constant 4 : i32
        %shift_right_arithmetic3A_1111 = arith.shrsi %add3A_1109, %shift_right_arithmetic3A_1110 : i32
        %shift_left3A_1112 = arith.constant 4 : i32
        %shift_left3A_1113 = arith.shli %shift_right_arithmetic3A_1111, %shift_left3A_1112 : i32
        %multiple_of3A_1114 = tpu.assume_multiple %shift_left3A_1113, 16 : i32
        %get3A_1115 = arith.index_cast %multiple_of3A_1114 : i32 to index
        %get3A_1116 = tpu.vector_load %arg5[%get3A_1115] {strides = array<i32>} : memref<512xi32, #tpu.memory_space<vmem>>, vector<16xi32>,
        %and3A_1117 = arith.constant 15 : i32
        %and3A_1118 = arith.andi %add3A_1109, %and3A_1117 : i32
        %eq3A_1119 = vector.broadcast %and3A_1118 : i32 to vector<16xi32>
        %eq3A_1120 = arith.cmpi eq, %iota3A, %eq3A_1119 : vector<16xi32>
        %jit3A_1121 = arith.constant -1 : i32
        %broadcast_in_dim3A_1122 = vector.broadcast %jit3A_1121 : i32 to vector<16xi32>
        %select_n3A_1123 = arith.select %eq3A_1120, %get3A_1116, %broadcast_in_dim3A_1122 : vector<16xi1>, vector<16xi32>
        %reduce_max3A_1124 = arith.constant true
        %reduce_max3A_1125 = vector.broadcast %reduce_max3A_1124 : i1 to vector<16xi1>
        %reduce_max3A_1126 = arith.constant -2147483648 : i32
        %reduce_max3A_1127 = vector.broadcast %reduce_max3A_1126 : i32 to vector<16xi32>
        %reduce_max3A_1128 = arith.xori %select_n3A_1123, %reduce_max3A_1127 : vector<16xi32>
        %reduce_max3A_1129 = tpu.scan <max>, %reduce_max3A_1128 masked %reduce_max3A_1125 : vector<16xi32>, vector<16xi1> -> vector<16xi32>
        %reduce_max3A_1130 = arith.xori %reduce_max3A_1129, %reduce_max3A_1127 : vector<16xi32>
        %reduce_max3A_1131 = vector.extract %reduce_max3A_1130[15] : i32 from vector<16xi32>
        %shift_right_arithmetic3A_1132 = arith.constant 7 : i32
        %shift_right_arithmetic3A_1133 = arith.shrsi %reduce_max3A_1131, %shift_right_arithmetic3A_1132 : i32
        %shift_left3A_1134 = arith.constant 7 : i32
        %shift_left3A_1135 = arith.shli %shift_right_arithmetic3A_1133, %shift_left3A_1134 : i32
        %multiple_of3A_1136 = tpu.assume_multiple %shift_left3A_1135, 128 : i32
        %dma_start3A_1137 = arith.constant 1 : i32
        %dma_start3A_1138 = arith.constant 0 : i32
        %dma_start3A_1139 = arith.constant 0 : i32
        %dma_start3A_1140 = tpu.memref_slice %arg6[%dma_start3A_1137, %dma_start3A_1138, %dma_start3A_1139] : memref<8x32x128xf32, #tpu.memory_space<vmem>> -> memref<1x8x128xf32, #tpu.memory_space<vmem>>
        %dma_start3A_1141 = tpu.memref_squeeze %dma_start3A_1140 : memref<1x8x128xf32, #tpu.memory_space<vmem>> -> memref<8x128xf32, #tpu.memory_space<vmem>>
        %dma_start3A_1142 = arith.constant 0 : i32
        %dma_start3A_1143 = tpu.memref_slice %arg3[%dma_start3A_1142, %multiple_of3A_1136] : memref<32x1000000xf32, #tpu.memory_space<hbm>> -> memref<8x128xf32, #tpu.memory_space<hbm>>
        %dma_start3A_1144 = arith.constant 0 : i32
        %dma_start3A_1145 = arith.constant 0 : i32
        %dma_start3A_1146 = tpu.memref_slice %arg6[%dma_start3A_1137, %dma_start3A_1144, %dma_start3A_1145] : memref<8x32x128xf32, #tpu.memory_space<vmem>> -> memref<1x8x128xf32, #tpu.memory_space<vmem>>
        %dma_start3A_1147 = tpu.memref_squeeze %dma_start3A_1146 : memref<1x8x128xf32, #tpu.memory_space<vmem>> -> memref<8x128xf32, #tpu.memory_space<vmem>>
        %dma_start3A_1148 = arith.constant 0 : i32
        %dma_start3A_1149 = tpu.memref_slice %arg3[%dma_start3A_1148, %multiple_of3A_1136] : memref<32x1000000xf32, #tpu.memory_space<hbm>> -> memref<8x128xf32, #tpu.memory_space<hbm>>
        tpu.enqueue_dma source(%dma_start3A_1149 : memref<8x128xf32, #tpu.memory_space<hbm>>) target(%dma_start3A_1147 : memref<8x128xf32, #tpu.memory_space<vmem>>) target_semaphore(%arg9 : memref<!tpu.dma_semaphore, #tpu.memory_space<semaphore_mem>>)
        %dma_start3A_1150 = arith.constant 1 : i32
        %dma_start3A_1151 = arith.constant 8 : i32
        %dma_start3A_1152 = arith.constant 0 : i32
        %dma_start3A_1153 = tpu.memref_slice %arg6[%dma_start3A_1150, %dma_start3A_1151, %dma_start3A_1152] : memref<8x32x128xf32, #tpu.memory_space<vmem>> -> memref<1x8x128xf32, #tpu.memory_space<vmem>>
        %dma_start3A_1154 = tpu.memref_squeeze %dma_start3A_1153 : memref<1x8x128xf32, #tpu.memory_space<vmem>> -> memref<8x128xf32, #tpu.memory_space<vmem>>
        %dma_start3A_1155 = arith.constant 8 : i32
        %dma_start3A_1156 = tpu.memref_slice %arg3[%dma_start3A_1155, %multiple_of3A_1136] : memref<32x1000000xf32, #tpu.memory_space<hbm>> -> memref<8x128xf32, #tpu.memory_space<hbm>>
        %dma_start3A_1157 = arith.constant 8 : i32
        %dma_start3A_1158 = arith.constant 0 : i32
        %dma_start3A_1159 = tpu.memref_slice %arg6[%dma_start3A_1150, %dma_start3A_1157, %dma_start3A_1158] : memref<8x32x128xf32, #tpu.memory_space<vmem>> -> memref<1x8x128xf32, #tpu.memory_space<vmem>>
        %dma_start3A_1160 = tpu.memref_squeeze %dma_start3A_1159 : memref<1x8x128xf32, #tpu.memory_space<vmem>> -> memref<8x128xf32, #tpu.memory_space<vmem>>
        %dma_start3A_1161 = arith.constant 8 : i32
        %dma_start3A_1162 = tpu.memref_slice %arg3[%dma_start3A_1161, %multiple_of3A_1136] : memref<32x1000000xf32, #tpu.memory_space<hbm>> -> memref<8x128xf32, #tpu.memory_space<hbm>>
        tpu.enqueue_dma source(%dma_start3A_1162 : memref<8x128xf32, #tpu.memory_space<hbm>>) target(%dma_start3A_1160 : memref<8x128xf32, #tpu.memory_space<vmem>>) target_semaphore(%arg9 : memref<!tpu.dma_semaphore, #tpu.memory_space<semaphore_mem>>)
        %dma_start3A_1163 = arith.constant 1 : i32
        %dma_start3A_1164 = arith.constant 16 : i32
        %dma_start3A_1165 = arith.constant 0 : i32
        %dma_start3A_1166 = tpu.memref_slice %arg6[%dma_start3A_1163, %dma_start3A_1164, %dma_start3A_1165] : memref<8x32x128xf32, #tpu.memory_space<vmem>> -> memref<1x8x128xf32, #tpu.memory_space<vmem>>
        %dma_start3A_1167 = tpu.memref_squeeze %dma_start3A_1166 : memref<1x8x128xf32, #tpu.memory_space<vmem>> -> memref<8x128xf32, #tpu.memory_space<vmem>>
        %dma_start3A_1168 = arith.constant 16 : i32
        %dma_start3A_1169 = tpu.memref_slice %arg3[%dma_start3A_1168, %multiple_of3A_1136] : memref<32x1000000xf32, #tpu.memory_space<hbm>> -> memref<8x128xf32, #tpu.memory_space<hbm>>
        %dma_start3A_1170 = arith.constant 16 : i32
        %dma_start3A_1171 = arith.constant 0 : i32
        %dma_start3A_1172 = tpu.memref_slice %arg6[%dma_start3A_1163, %dma_start3A_1170, %dma_start3A_1171] : memref<8x32x128xf32, #tpu.memory_space<vmem>> -> memref<1x8x128xf32, #tpu.memory_space<vmem>>
        %dma_start3A_1173 = tpu.memref_squeeze %dma_start3A_1172 : memref<1x8x128xf32, #tpu.memory_space<vmem>> -> memref<8x128xf32, #tpu.memory_space<vmem>>
        %dma_start3A_1174 = arith.constant 16 : i32
        %dma_start3A_1175 = tpu.memref_slice %arg3[%dma_start3A_1174, %multiple_of3A_1136] : memref<32x1000000xf32, #tpu.memory_space<hbm>> -> memref<8x128xf32, #tpu.memory_space<hbm>>
        tpu.enqueue_dma source(%dma_start3A_1175 : memref<8x128xf32, #tpu.memory_space<hbm>>) target(%dma_start3A_1173 : memref<8x128xf32, #tpu.memory_space<vmem>>) target_semaphore(%arg9 : memref<!tpu.dma_semaphore, #tpu.memory_space<semaphore_mem>>)
        %dma_start3A_1176 = arith.constant 1 : i32
        %dma_start3A_1177 = arith.constant 24 : i32
        %dma_start3A_1178 = arith.constant 0 : i32
        %dma_start3A_1179 = tpu.memref_slice %arg6[%dma_start3A_1176, %dma_start3A_1177, %dma_start3A_1178] : memref<8x32x128xf32, #tpu.memory_space<vmem>> -> memref<1x8x128xf32, #tpu.memory_space<vmem>>
        %dma_start3A_1180 = tpu.memref_squeeze %dma_start3A_1179 : memref<1x8x128xf32, #tpu.memory_space<vmem>> -> memref<8x128xf32, #tpu.memory_space<vmem>>
        %dma_start3A_1181 = arith.constant 24 : i32
        %dma_start3A_1182 = tpu.memref_slice %arg3[%dma_start3A_1181, %multiple_of3A_1136] : memref<32x1000000xf32, #tpu.memory_space<hbm>> -> memref<8x128xf32, #tpu.memory_space<hbm>>
        %dma_start3A_1183 = arith.constant 24 : i32
        %dma_start3A_1184 = arith.constant 0 : i32
        %dma_start3A_1185 = tpu.memref_slice %arg6[%dma_start3A_1176, %dma_start3A_1183, %dma_start3A_1184] : memref<8x32x128xf32, #tpu.memory_space<vmem>> -> memref<1x8x128xf32, #tpu.memory_space<vmem>>
        %dma_start3A_1186 = tpu.memref_squeeze %dma_start3A_1185 : memref<1x8x128xf32, #tpu.memory_space<vmem>> -> memref<8x128xf32, #tpu.memory_space<vmem>>
        %dma_start3A_1187 = arith.constant 24 : i32
        %dma_start3A_1188 = tpu.memref_slice %arg3[%dma_start3A_1187, %multiple_of3A_1136] : memref<32x1000000xf32, #tpu.memory_space<hbm>> -> memref<8x128xf32, #tpu.memory_space<hbm>>
        tpu.enqueue_dma source(%dma_start3A_1188 : memref<8x128xf32, #tpu.memory_space<hbm>>) target(%dma_start3A_1186 : memref<8x128xf32, #tpu.memory_space<vmem>>) target_semaphore(%arg9 : memref<!tpu.dma_semaphore, #tpu.memory_space<semaphore_mem>>)
      } else {
      }
      %mul3A_724 = arith.constant 8 : i32
      %mul3A_725 = arith.muli %scan3A_601, %mul3A_724 : i32
      %add3A_726 = arith.constant 2 : i32
      %add3A_727 = arith.addi %mul3A_725, %add3A_726 : i32
      %dma_wait3A_728 = arith.constant 2 : i32
      %dma_wait3A_729 = arith.constant 0 : i32
      %dma_wait3A_730 = arith.constant 0 : i32
      %dma_wait3A_731 = tpu.memref_slice %arg6[%dma_wait3A_728, %dma_wait3A_729, %dma_wait3A_730] : memref<8x32x128xf32, #tpu.memory_space<vmem>> -> memref<1x32x128xf32, #tpu.memory_space<vmem>>
      %dma_wait3A_732 = tpu.memref_squeeze %dma_wait3A_731 : memref<1x32x128xf32, #tpu.memory_space<vmem>> -> memref<32x128xf32, #tpu.memory_space<vmem>>
      %dma_wait3A_733 = arith.constant 0 : i32
      %dma_wait3A_734 = arith.constant 0 : i32
      %dma_wait3A_735 = tpu.memref_slice %arg3[%dma_wait3A_733, %dma_wait3A_734] : memref<32x1000000xf32, #tpu.memory_space<hbm>> -> memref<32x128xf32, #tpu.memory_space<hbm>>
      %dma_wait3A_736 = arith.constant 0 : i32
      %dma_wait3A_737 = arith.constant 0 : i32
      %dma_wait3A_738 = tpu.memref_slice %arg6[%dma_wait3A_728, %dma_wait3A_736, %dma_wait3A_737] : memref<8x32x128xf32, #tpu.memory_space<vmem>> -> memref<1x32x128xf32, #tpu.memory_space<vmem>>
      %dma_wait3A_739 = tpu.memref_squeeze %dma_wait3A_738 : memref<1x32x128xf32, #tpu.memory_space<vmem>> -> memref<32x128xf32, #tpu.memory_space<vmem>>
      %dma_wait3A_740 = arith.constant 0 : i32
      %dma_wait3A_741 = arith.constant 0 : i32
      %dma_wait3A_742 = tpu.memref_slice %arg3[%dma_wait3A_740, %dma_wait3A_741] : memref<32x1000000xf32, #tpu.memory_space<hbm>> -> memref<32x128xf32, #tpu.memory_space<hbm>>
      tpu.wait_dma2 semaphore(%arg10 : memref<!tpu.dma_semaphore, #tpu.memory_space<semaphore_mem>>) src(%dma_wait3A_742 : memref<32x128xf32, #tpu.memory_space<hbm>>) dst(%dma_wait3A_739 : memref<32x128xf32, #tpu.memory_space<vmem>>)
      %shift_right_arithmetic3A_743 = arith.constant 4 : i32
      %shift_right_arithmetic3A_744 = arith.shrsi %add3A_727, %shift_right_arithmetic3A_743 : i32
      %shift_left3A_745 = arith.constant 4 : i32
      %shift_left3A_746 = arith.shli %shift_right_arithmetic3A_744, %shift_left3A_745 : i32
      %multiple_of3A_747 = tpu.assume_multiple %shift_left3A_746, 16 : i32
      %get3A_748 = arith.index_cast %multiple_of3A_747 : i32 to index
      %get3A_749 = tpu.vector_load %arg5[%get3A_748] {strides = array<i32>} : memref<512xi32, #tpu.memory_space<vmem>>, vector<16xi32>,
      %and3A_750 = arith.constant 15 : i32
      %and3A_751 = arith.andi %add3A_727, %and3A_750 : i32
      %eq3A_752 = vector.broadcast %and3A_751 : i32 to vector<16xi32>
      %eq3A_753 = arith.cmpi eq, %iota3A, %eq3A_752 : vector<16xi32>
      %jit3A_754 = arith.constant -1 : i32
      %broadcast_in_dim3A_755 = vector.broadcast %jit3A_754 : i32 to vector<16xi32>
      %select_n3A_756 = arith.select %eq3A_753, %get3A_749, %broadcast_in_dim3A_755 : vector<16xi1>, vector<16xi32>
      %reduce_max3A_757 = arith.constant true
      %reduce_max3A_758 = vector.broadcast %reduce_max3A_757 : i1 to vector<16xi1>
      %reduce_max3A_759 = arith.constant -2147483648 : i32
      %reduce_max3A_760 = vector.broadcast %reduce_max3A_759 : i32 to vector<16xi32>
      %reduce_max3A_761 = arith.xori %select_n3A_756, %reduce_max3A_760 : vector<16xi32>
      %reduce_max3A_762 = tpu.scan <max>, %reduce_max3A_761 masked %reduce_max3A_758 : vector<16xi32>, vector<16xi1> -> vector<16xi32>
      %reduce_max3A_763 = arith.xori %reduce_max3A_762, %reduce_max3A_760 : vector<16xi32>
      %reduce_max3A_764 = vector.extract %reduce_max3A_763[15] : i32 from vector<16xi32>
      %and3A_765 = arith.constant 127 : i32
      %and3A_766 = arith.andi %reduce_max3A_764, %and3A_765 : i32
      %broadcast_in_dim3A_767 = vector.broadcast %and3A_766 : i32 to vector<16xi32>
      %broadcast_in_dim3A_768 = vector.broadcast %add3A_727 : i32 to vector<16xi32>
      %gather3A_769 = arith.constant 2 : i32
      %gather3A_770 = arith.constant 0 : i32
      %gather3A_771 = arith.constant 0 : i32
      %gather3A_772 = tpu.memref_slice %arg6[%gather3A_769, %gather3A_770, %gather3A_771] : memref<8x32x128xf32, #tpu.memory_space<vmem>> -> memref<1x32x128xf32, #tpu.memory_space<vmem>>
      %gather3A_773 = tpu.memref_squeeze %gather3A_772 : memref<1x32x128xf32, #tpu.memory_space<vmem>> -> memref<32x128xf32, #tpu.memory_space<vmem>>
      %gather3A_774 = tpu.vector_load_idx %gather3A_773[%iota3A, %broadcast_in_dim3A_767] : memref<32x128xf32, #tpu.memory_space<vmem>>[vector<16xi32>, vector<16xi32>], vector<16xf32>,
      %gather3A_775 = arith.constant 2 : i32
      %gather3A_776 = arith.constant 0 : i32
      %gather3A_777 = arith.constant 0 : i32
      %gather3A_778 = tpu.memref_slice %arg6[%gather3A_775, %gather3A_776, %gather3A_777] : memref<8x32x128xf32, #tpu.memory_space<vmem>> -> memref<1x32x128xf32, #tpu.memory_space<vmem>>
      %gather3A_779 = tpu.memref_squeeze %gather3A_778 : memref<1x32x128xf32, #tpu.memory_space<vmem>> -> memref<32x128xf32, #tpu.memory_space<vmem>>
      %gather3A_780 = tpu.vector_load_idx %gather3A_779[%add3A_5, %broadcast_in_dim3A_767] : memref<32x128xf32, #tpu.memory_space<vmem>>[vector<16xi32>, vector<16xi32>], vector<16xf32>,
      tpu.vector_store_idx %arg7[%iota3A, %broadcast_in_dim3A_768], %gather3A_774 : memref<32x512xf32, #tpu.memory_space<vmem>>[vector<16xi32>, vector<16xi32>], vector<16xf32>,
      tpu.vector_store_idx %arg7[%add3A_5, %broadcast_in_dim3A_768], %gather3A_780 : memref<32x512xf32, #tpu.memory_space<vmem>>[vector<16xi32>, vector<16xi32>], vector<16xf32>,
      %add3A_781 = arith.constant 8 : i32
      %add3A_782 = arith.addi %add3A_727, %add3A_781 : i32
      %lt3A_783 = arith.constant 512 : i32
      %lt3A_784 = arith.cmpi slt, %add3A_782, %lt3A_783 : i32
      %convert_element_type3A_785 = arith.extui %lt3A_784 : i1 to i32
      %cond3A_786 = arith.constant 0 : i32
      %cond3A_787 = arith.cmpi ne, %convert_element_type3A_785, %cond3A_786 : i32
      scf.if %cond3A_787 {
        %add3A_1108 = arith.constant 8 : i32
        %add3A_1109 = arith.addi %add3A_727, %add3A_1108 : i32
        %shift_right_arithmetic3A_1110 = arith.constant 4 : i32
        %shift_right_arithmetic3A_1111 = arith.shrsi %add3A_1109, %shift_right_arithmetic3A_1110 : i32
        %shift_left3A_1112 = arith.constant 4 : i32
        %shift_left3A_1113 = arith.shli %shift_right_arithmetic3A_1111, %shift_left3A_1112 : i32
        %multiple_of3A_1114 = tpu.assume_multiple %shift_left3A_1113, 16 : i32
        %get3A_1115 = arith.index_cast %multiple_of3A_1114 : i32 to index
        %get3A_1116 = tpu.vector_load %arg5[%get3A_1115] {strides = array<i32>} : memref<512xi32, #tpu.memory_space<vmem>>, vector<16xi32>,
        %and3A_1117 = arith.constant 15 : i32
        %and3A_1118 = arith.andi %add3A_1109, %and3A_1117 : i32
        %eq3A_1119 = vector.broadcast %and3A_1118 : i32 to vector<16xi32>
        %eq3A_1120 = arith.cmpi eq, %iota3A, %eq3A_1119 : vector<16xi32>
        %jit3A_1121 = arith.constant -1 : i32
        %broadcast_in_dim3A_1122 = vector.broadcast %jit3A_1121 : i32 to vector<16xi32>
        %select_n3A_1123 = arith.select %eq3A_1120, %get3A_1116, %broadcast_in_dim3A_1122 : vector<16xi1>, vector<16xi32>
        %reduce_max3A_1124 = arith.constant true
        %reduce_max3A_1125 = vector.broadcast %reduce_max3A_1124 : i1 to vector<16xi1>
        %reduce_max3A_1126 = arith.constant -2147483648 : i32
        %reduce_max3A_1127 = vector.broadcast %reduce_max3A_1126 : i32 to vector<16xi32>
        %reduce_max3A_1128 = arith.xori %select_n3A_1123, %reduce_max3A_1127 : vector<16xi32>
        %reduce_max3A_1129 = tpu.scan <max>, %reduce_max3A_1128 masked %reduce_max3A_1125 : vector<16xi32>, vector<16xi1> -> vector<16xi32>
        %reduce_max3A_1130 = arith.xori %reduce_max3A_1129, %reduce_max3A_1127 : vector<16xi32>
        %reduce_max3A_1131 = vector.extract %reduce_max3A_1130[15] : i32 from vector<16xi32>
        %shift_right_arithmetic3A_1132 = arith.constant 7 : i32
        %shift_right_arithmetic3A_1133 = arith.shrsi %reduce_max3A_1131, %shift_right_arithmetic3A_1132 : i32
        %shift_left3A_1134 = arith.constant 7 : i32
        %shift_left3A_1135 = arith.shli %shift_right_arithmetic3A_1133, %shift_left3A_1134 : i32
        %multiple_of3A_1136 = tpu.assume_multiple %shift_left3A_1135, 128 : i32
        %dma_start3A_1137 = arith.constant 2 : i32
        %dma_start3A_1138 = arith.constant 0 : i32
        %dma_start3A_1139 = arith.constant 0 : i32
        %dma_start3A_1140 = tpu.memref_slice %arg6[%dma_start3A_1137, %dma_start3A_1138, %dma_start3A_1139] : memref<8x32x128xf32, #tpu.memory_space<vmem>> -> memref<1x8x128xf32, #tpu.memory_space<vmem>>
        %dma_start3A_1141 = tpu.memref_squeeze %dma_start3A_1140 : memref<1x8x128xf32, #tpu.memory_space<vmem>> -> memref<8x128xf32, #tpu.memory_space<vmem>>
        %dma_start3A_1142 = arith.constant 0 : i32
        %dma_start3A_1143 = tpu.memref_slice %arg3[%dma_start3A_1142, %multiple_of3A_1136] : memref<32x1000000xf32, #tpu.memory_space<hbm>> -> memref<8x128xf32, #tpu.memory_space<hbm>>
        %dma_start3A_1144 = arith.constant 0 : i32
        %dma_start3A_1145 = arith.constant 0 : i32
        %dma_start3A_1146 = tpu.memref_slice %arg6[%dma_start3A_1137, %dma_start3A_1144, %dma_start3A_1145] : memref<8x32x128xf32, #tpu.memory_space<vmem>> -> memref<1x8x128xf32, #tpu.memory_space<vmem>>
        %dma_start3A_1147 = tpu.memref_squeeze %dma_start3A_1146 : memref<1x8x128xf32, #tpu.memory_space<vmem>> -> memref<8x128xf32, #tpu.memory_space<vmem>>
        %dma_start3A_1148 = arith.constant 0 : i32
        %dma_start3A_1149 = tpu.memref_slice %arg3[%dma_start3A_1148, %multiple_of3A_1136] : memref<32x1000000xf32, #tpu.memory_space<hbm>> -> memref<8x128xf32, #tpu.memory_space<hbm>>
        tpu.enqueue_dma source(%dma_start3A_1149 : memref<8x128xf32, #tpu.memory_space<hbm>>) target(%dma_start3A_1147 : memref<8x128xf32, #tpu.memory_space<vmem>>) target_semaphore(%arg10 : memref<!tpu.dma_semaphore, #tpu.memory_space<semaphore_mem>>)
        %dma_start3A_1150 = arith.constant 2 : i32
        %dma_start3A_1151 = arith.constant 8 : i32
        %dma_start3A_1152 = arith.constant 0 : i32
        %dma_start3A_1153 = tpu.memref_slice %arg6[%dma_start3A_1150, %dma_start3A_1151, %dma_start3A_1152] : memref<8x32x128xf32, #tpu.memory_space<vmem>> -> memref<1x8x128xf32, #tpu.memory_space<vmem>>
        %dma_start3A_1154 = tpu.memref_squeeze %dma_start3A_1153 : memref<1x8x128xf32, #tpu.memory_space<vmem>> -> memref<8x128xf32, #tpu.memory_space<vmem>>
        %dma_start3A_1155 = arith.constant 8 : i32
        %dma_start3A_1156 = tpu.memref_slice %arg3[%dma_start3A_1155, %multiple_of3A_1136] : memref<32x1000000xf32, #tpu.memory_space<hbm>> -> memref<8x128xf32, #tpu.memory_space<hbm>>
        %dma_start3A_1157 = arith.constant 8 : i32
        %dma_start3A_1158 = arith.constant 0 : i32
        %dma_start3A_1159 = tpu.memref_slice %arg6[%dma_start3A_1150, %dma_start3A_1157, %dma_start3A_1158] : memref<8x32x128xf32, #tpu.memory_space<vmem>> -> memref<1x8x128xf32, #tpu.memory_space<vmem>>
        %dma_start3A_1160 = tpu.memref_squeeze %dma_start3A_1159 : memref<1x8x128xf32, #tpu.memory_space<vmem>> -> memref<8x128xf32, #tpu.memory_space<vmem>>
        %dma_start3A_1161 = arith.constant 8 : i32
        %dma_start3A_1162 = tpu.memref_slice %arg3[%dma_start3A_1161, %multiple_of3A_1136] : memref<32x1000000xf32, #tpu.memory_space<hbm>> -> memref<8x128xf32, #tpu.memory_space<hbm>>
        tpu.enqueue_dma source(%dma_start3A_1162 : memref<8x128xf32, #tpu.memory_space<hbm>>) target(%dma_start3A_1160 : memref<8x128xf32, #tpu.memory_space<vmem>>) target_semaphore(%arg10 : memref<!tpu.dma_semaphore, #tpu.memory_space<semaphore_mem>>)
        %dma_start3A_1163 = arith.constant 2 : i32
        %dma_start3A_1164 = arith.constant 16 : i32
        %dma_start3A_1165 = arith.constant 0 : i32
        %dma_start3A_1166 = tpu.memref_slice %arg6[%dma_start3A_1163, %dma_start3A_1164, %dma_start3A_1165] : memref<8x32x128xf32, #tpu.memory_space<vmem>> -> memref<1x8x128xf32, #tpu.memory_space<vmem>>
        %dma_start3A_1167 = tpu.memref_squeeze %dma_start3A_1166 : memref<1x8x128xf32, #tpu.memory_space<vmem>> -> memref<8x128xf32, #tpu.memory_space<vmem>>
        %dma_start3A_1168 = arith.constant 16 : i32
        %dma_start3A_1169 = tpu.memref_slice %arg3[%dma_start3A_1168, %multiple_of3A_1136] : memref<32x1000000xf32, #tpu.memory_space<hbm>> -> memref<8x128xf32, #tpu.memory_space<hbm>>
        %dma_start3A_1170 = arith.constant 16 : i32
        %dma_start3A_1171 = arith.constant 0 : i32
        %dma_start3A_1172 = tpu.memref_slice %arg6[%dma_start3A_1163, %dma_start3A_1170, %dma_start3A_1171] : memref<8x32x128xf32, #tpu.memory_space<vmem>> -> memref<1x8x128xf32, #tpu.memory_space<vmem>>
        %dma_start3A_1173 = tpu.memref_squeeze %dma_start3A_1172 : memref<1x8x128xf32, #tpu.memory_space<vmem>> -> memref<8x128xf32, #tpu.memory_space<vmem>>
        %dma_start3A_1174 = arith.constant 16 : i32
        %dma_start3A_1175 = tpu.memref_slice %arg3[%dma_start3A_1174, %multiple_of3A_1136] : memref<32x1000000xf32, #tpu.memory_space<hbm>> -> memref<8x128xf32, #tpu.memory_space<hbm>>
        tpu.enqueue_dma source(%dma_start3A_1175 : memref<8x128xf32, #tpu.memory_space<hbm>>) target(%dma_start3A_1173 : memref<8x128xf32, #tpu.memory_space<vmem>>) target_semaphore(%arg10 : memref<!tpu.dma_semaphore, #tpu.memory_space<semaphore_mem>>)
        %dma_start3A_1176 = arith.constant 2 : i32
        %dma_start3A_1177 = arith.constant 24 : i32
        %dma_start3A_1178 = arith.constant 0 : i32
        %dma_start3A_1179 = tpu.memref_slice %arg6[%dma_start3A_1176, %dma_start3A_1177, %dma_start3A_1178] : memref<8x32x128xf32, #tpu.memory_space<vmem>> -> memref<1x8x128xf32, #tpu.memory_space<vmem>>
        %dma_start3A_1180 = tpu.memref_squeeze %dma_start3A_1179 : memref<1x8x128xf32, #tpu.memory_space<vmem>> -> memref<8x128xf32, #tpu.memory_space<vmem>>
        %dma_start3A_1181 = arith.constant 24 : i32
        %dma_start3A_1182 = tpu.memref_slice %arg3[%dma_start3A_1181, %multiple_of3A_1136] : memref<32x1000000xf32, #tpu.memory_space<hbm>> -> memref<8x128xf32, #tpu.memory_space<hbm>>
        %dma_start3A_1183 = arith.constant 24 : i32
        %dma_start3A_1184 = arith.constant 0 : i32
        %dma_start3A_1185 = tpu.memref_slice %arg6[%dma_start3A_1176, %dma_start3A_1183, %dma_start3A_1184] : memref<8x32x128xf32, #tpu.memory_space<vmem>> -> memref<1x8x128xf32, #tpu.memory_space<vmem>>
        %dma_start3A_1186 = tpu.memref_squeeze %dma_start3A_1185 : memref<1x8x128xf32, #tpu.memory_space<vmem>> -> memref<8x128xf32, #tpu.memory_space<vmem>>
        %dma_start3A_1187 = arith.constant 24 : i32
        %dma_start3A_1188 = tpu.memref_slice %arg3[%dma_start3A_1187, %multiple_of3A_1136] : memref<32x1000000xf32, #tpu.memory_space<hbm>> -> memref<8x128xf32, #tpu.memory_space<hbm>>
        tpu.enqueue_dma source(%dma_start3A_1188 : memref<8x128xf32, #tpu.memory_space<hbm>>) target(%dma_start3A_1186 : memref<8x128xf32, #tpu.memory_space<vmem>>) target_semaphore(%arg10 : memref<!tpu.dma_semaphore, #tpu.memory_space<semaphore_mem>>)
      } else {
      }
      %mul3A_788 = arith.constant 8 : i32
      %mul3A_789 = arith.muli %scan3A_601, %mul3A_788 : i32
      %add3A_790 = arith.constant 3 : i32
      %add3A_791 = arith.addi %mul3A_789, %add3A_790 : i32
      %dma_wait3A_792 = arith.constant 3 : i32
      %dma_wait3A_793 = arith.constant 0 : i32
      %dma_wait3A_794 = arith.constant 0 : i32
      %dma_wait3A_795 = tpu.memref_slice %arg6[%dma_wait3A_792, %dma_wait3A_793, %dma_wait3A_794] : memref<8x32x128xf32, #tpu.memory_space<vmem>> -> memref<1x32x128xf32, #tpu.memory_space<vmem>>
      %dma_wait3A_796 = tpu.memref_squeeze %dma_wait3A_795 : memref<1x32x128xf32, #tpu.memory_space<vmem>> -> memref<32x128xf32, #tpu.memory_space<vmem>>
      %dma_wait3A_797 = arith.constant 0 : i32
      %dma_wait3A_798 = arith.constant 0 : i32
      %dma_wait3A_799 = tpu.memref_slice %arg3[%dma_wait3A_797, %dma_wait3A_798] : memref<32x1000000xf32, #tpu.memory_space<hbm>> -> memref<32x128xf32, #tpu.memory_space<hbm>>
      %dma_wait3A_800 = arith.constant 0 : i32
      %dma_wait3A_801 = arith.constant 0 : i32
      %dma_wait3A_802 = tpu.memref_slice %arg6[%dma_wait3A_792, %dma_wait3A_800, %dma_wait3A_801] : memref<8x32x128xf32, #tpu.memory_space<vmem>> -> memref<1x32x128xf32, #tpu.memory_space<vmem>>
      %dma_wait3A_803 = tpu.memref_squeeze %dma_wait3A_802 : memref<1x32x128xf32, #tpu.memory_space<vmem>> -> memref<32x128xf32, #tpu.memory_space<vmem>>
      %dma_wait3A_804 = arith.constant 0 : i32
      %dma_wait3A_805 = arith.constant 0 : i32
      %dma_wait3A_806 = tpu.memref_slice %arg3[%dma_wait3A_804, %dma_wait3A_805] : memref<32x1000000xf32, #tpu.memory_space<hbm>> -> memref<32x128xf32, #tpu.memory_space<hbm>>
      tpu.wait_dma2 semaphore(%arg11 : memref<!tpu.dma_semaphore, #tpu.memory_space<semaphore_mem>>) src(%dma_wait3A_806 : memref<32x128xf32, #tpu.memory_space<hbm>>) dst(%dma_wait3A_803 : memref<32x128xf32, #tpu.memory_space<vmem>>)
      %shift_right_arithmetic3A_807 = arith.constant 4 : i32
      %shift_right_arithmetic3A_808 = arith.shrsi %add3A_791, %shift_right_arithmetic3A_807 : i32
      %shift_left3A_809 = arith.constant 4 : i32
      %shift_left3A_810 = arith.shli %shift_right_arithmetic3A_808, %shift_left3A_809 : i32
      %multiple_of3A_811 = tpu.assume_multiple %shift_left3A_810, 16 : i32
      %get3A_812 = arith.index_cast %multiple_of3A_811 : i32 to index
      %get3A_813 = tpu.vector_load %arg5[%get3A_812] {strides = array<i32>} : memref<512xi32, #tpu.memory_space<vmem>>, vector<16xi32>,
      %and3A_814 = arith.constant 15 : i32
      %and3A_815 = arith.andi %add3A_791, %and3A_814 : i32
      %eq3A_816 = vector.broadcast %and3A_815 : i32 to vector<16xi32>
      %eq3A_817 = arith.cmpi eq, %iota3A, %eq3A_816 : vector<16xi32>
      %jit3A_818 = arith.constant -1 : i32
      %broadcast_in_dim3A_819 = vector.broadcast %jit3A_818 : i32 to vector<16xi32>
      %select_n3A_820 = arith.select %eq3A_817, %get3A_813, %broadcast_in_dim3A_819 : vector<16xi1>, vector<16xi32>
      %reduce_max3A_821 = arith.constant true
      %reduce_max3A_822 = vector.broadcast %reduce_max3A_821 : i1 to vector<16xi1>
      %reduce_max3A_823 = arith.constant -2147483648 : i32
      %reduce_max3A_824 = vector.broadcast %reduce_max3A_823 : i32 to vector<16xi32>
      %reduce_max3A_825 = arith.xori %select_n3A_820, %reduce_max3A_824 : vector<16xi32>
      %reduce_max3A_826 = tpu.scan <max>, %reduce_max3A_825 masked %reduce_max3A_822 : vector<16xi32>, vector<16xi1> -> vector<16xi32>
      %reduce_max3A_827 = arith.xori %reduce_max3A_826, %reduce_max3A_824 : vector<16xi32>
      %reduce_max3A_828 = vector.extract %reduce_max3A_827[15] : i32 from vector<16xi32>
      %and3A_829 = arith.constant 127 : i32
      %and3A_830 = arith.andi %reduce_max3A_828, %and3A_829 : i32
      %broadcast_in_dim3A_831 = vector.broadcast %and3A_830 : i32 to vector<16xi32>
      %broadcast_in_dim3A_832 = vector.broadcast %add3A_791 : i32 to vector<16xi32>
      %gather3A_833 = arith.constant 3 : i32
      %gather3A_834 = arith.constant 0 : i32
      %gather3A_835 = arith.constant 0 : i32
      %gather3A_836 = tpu.memref_slice %arg6[%gather3A_833, %gather3A_834, %gather3A_835] : memref<8x32x128xf32, #tpu.memory_space<vmem>> -> memref<1x32x128xf32, #tpu.memory_space<vmem>>
      %gather3A_837 = tpu.memref_squeeze %gather3A_836 : memref<1x32x128xf32, #tpu.memory_space<vmem>> -> memref<32x128xf32, #tpu.memory_space<vmem>>
      %gather3A_838 = tpu.vector_load_idx %gather3A_837[%iota3A, %broadcast_in_dim3A_831] : memref<32x128xf32, #tpu.memory_space<vmem>>[vector<16xi32>, vector<16xi32>], vector<16xf32>,
      %gather3A_839 = arith.constant 3 : i32
      %gather3A_840 = arith.constant 0 : i32
      %gather3A_841 = arith.constant 0 : i32
      %gather3A_842 = tpu.memref_slice %arg6[%gather3A_839, %gather3A_840, %gather3A_841] : memref<8x32x128xf32, #tpu.memory_space<vmem>> -> memref<1x32x128xf32, #tpu.memory_space<vmem>>
      %gather3A_843 = tpu.memref_squeeze %gather3A_842 : memref<1x32x128xf32, #tpu.memory_space<vmem>> -> memref<32x128xf32, #tpu.memory_space<vmem>>
      %gather3A_844 = tpu.vector_load_idx %gather3A_843[%add3A_5, %broadcast_in_dim3A_831] : memref<32x128xf32, #tpu.memory_space<vmem>>[vector<16xi32>, vector<16xi32>], vector<16xf32>,
      tpu.vector_store_idx %arg7[%iota3A, %broadcast_in_dim3A_832], %gather3A_838 : memref<32x512xf32, #tpu.memory_space<vmem>>[vector<16xi32>, vector<16xi32>], vector<16xf32>,
      tpu.vector_store_idx %arg7[%add3A_5, %broadcast_in_dim3A_832], %gather3A_844 : memref<32x512xf32, #tpu.memory_space<vmem>>[vector<16xi32>, vector<16xi32>], vector<16xf32>,
      %add3A_845 = arith.constant 8 : i32
      %add3A_846 = arith.addi %add3A_791, %add3A_845 : i32
      %lt3A_847 = arith.constant 512 : i32
      %lt3A_848 = arith.cmpi slt, %add3A_846, %lt3A_847 : i32
      %convert_element_type3A_849 = arith.extui %lt3A_848 : i1 to i32
      %cond3A_850 = arith.constant 0 : i32
      %cond3A_851 = arith.cmpi ne, %convert_element_type3A_849, %cond3A_850 : i32
      scf.if %cond3A_851 {
        %add3A_1108 = arith.constant 8 : i32
        %add3A_1109 = arith.addi %add3A_791, %add3A_1108 : i32
        %shift_right_arithmetic3A_1110 = arith.constant 4 : i32
        %shift_right_arithmetic3A_1111 = arith.shrsi %add3A_1109, %shift_right_arithmetic3A_1110 : i32
        %shift_left3A_1112 = arith.constant 4 : i32
        %shift_left3A_1113 = arith.shli %shift_right_arithmetic3A_1111, %shift_left3A_1112 : i32
        %multiple_of3A_1114 = tpu.assume_multiple %shift_left3A_1113, 16 : i32
        %get3A_1115 = arith.index_cast %multiple_of3A_1114 : i32 to index
        %get3A_1116 = tpu.vector_load %arg5[%get3A_1115] {strides = array<i32>} : memref<512xi32, #tpu.memory_space<vmem>>, vector<16xi32>,
        %and3A_1117 = arith.constant 15 : i32
        %and3A_1118 = arith.andi %add3A_1109, %and3A_1117 : i32
        %eq3A_1119 = vector.broadcast %and3A_1118 : i32 to vector<16xi32>
        %eq3A_1120 = arith.cmpi eq, %iota3A, %eq3A_1119 : vector<16xi32>
        %jit3A_1121 = arith.constant -1 : i32
        %broadcast_in_dim3A_1122 = vector.broadcast %jit3A_1121 : i32 to vector<16xi32>
        %select_n3A_1123 = arith.select %eq3A_1120, %get3A_1116, %broadcast_in_dim3A_1122 : vector<16xi1>, vector<16xi32>
        %reduce_max3A_1124 = arith.constant true
        %reduce_max3A_1125 = vector.broadcast %reduce_max3A_1124 : i1 to vector<16xi1>
        %reduce_max3A_1126 = arith.constant -2147483648 : i32
        %reduce_max3A_1127 = vector.broadcast %reduce_max3A_1126 : i32 to vector<16xi32>
        %reduce_max3A_1128 = arith.xori %select_n3A_1123, %reduce_max3A_1127 : vector<16xi32>
        %reduce_max3A_1129 = tpu.scan <max>, %reduce_max3A_1128 masked %reduce_max3A_1125 : vector<16xi32>, vector<16xi1> -> vector<16xi32>
        %reduce_max3A_1130 = arith.xori %reduce_max3A_1129, %reduce_max3A_1127 : vector<16xi32>
        %reduce_max3A_1131 = vector.extract %reduce_max3A_1130[15] : i32 from vector<16xi32>
        %shift_right_arithmetic3A_1132 = arith.constant 7 : i32
        %shift_right_arithmetic3A_1133 = arith.shrsi %reduce_max3A_1131, %shift_right_arithmetic3A_1132 : i32
        %shift_left3A_1134 = arith.constant 7 : i32
        %shift_left3A_1135 = arith.shli %shift_right_arithmetic3A_1133, %shift_left3A_1134 : i32
        %multiple_of3A_1136 = tpu.assume_multiple %shift_left3A_1135, 128 : i32
        %dma_start3A_1137 = arith.constant 3 : i32
        %dma_start3A_1138 = arith.constant 0 : i32
        %dma_start3A_1139 = arith.constant 0 : i32
        %dma_start3A_1140 = tpu.memref_slice %arg6[%dma_start3A_1137, %dma_start3A_1138, %dma_start3A_1139] : memref<8x32x128xf32, #tpu.memory_space<vmem>> -> memref<1x8x128xf32, #tpu.memory_space<vmem>>
        %dma_start3A_1141 = tpu.memref_squeeze %dma_start3A_1140 : memref<1x8x128xf32, #tpu.memory_space<vmem>> -> memref<8x128xf32, #tpu.memory_space<vmem>>
        %dma_start3A_1142 = arith.constant 0 : i32
        %dma_start3A_1143 = tpu.memref_slice %arg3[%dma_start3A_1142, %multiple_of3A_1136] : memref<32x1000000xf32, #tpu.memory_space<hbm>> -> memref<8x128xf32, #tpu.memory_space<hbm>>
        %dma_start3A_1144 = arith.constant 0 : i32
        %dma_start3A_1145 = arith.constant 0 : i32
        %dma_start3A_1146 = tpu.memref_slice %arg6[%dma_start3A_1137, %dma_start3A_1144, %dma_start3A_1145] : memref<8x32x128xf32, #tpu.memory_space<vmem>> -> memref<1x8x128xf32, #tpu.memory_space<vmem>>
        %dma_start3A_1147 = tpu.memref_squeeze %dma_start3A_1146 : memref<1x8x128xf32, #tpu.memory_space<vmem>> -> memref<8x128xf32, #tpu.memory_space<vmem>>
        %dma_start3A_1148 = arith.constant 0 : i32
        %dma_start3A_1149 = tpu.memref_slice %arg3[%dma_start3A_1148, %multiple_of3A_1136] : memref<32x1000000xf32, #tpu.memory_space<hbm>> -> memref<8x128xf32, #tpu.memory_space<hbm>>
        tpu.enqueue_dma source(%dma_start3A_1149 : memref<8x128xf32, #tpu.memory_space<hbm>>) target(%dma_start3A_1147 : memref<8x128xf32, #tpu.memory_space<vmem>>) target_semaphore(%arg11 : memref<!tpu.dma_semaphore, #tpu.memory_space<semaphore_mem>>)
        %dma_start3A_1150 = arith.constant 3 : i32
        %dma_start3A_1151 = arith.constant 8 : i32
        %dma_start3A_1152 = arith.constant 0 : i32
        %dma_start3A_1153 = tpu.memref_slice %arg6[%dma_start3A_1150, %dma_start3A_1151, %dma_start3A_1152] : memref<8x32x128xf32, #tpu.memory_space<vmem>> -> memref<1x8x128xf32, #tpu.memory_space<vmem>>
        %dma_start3A_1154 = tpu.memref_squeeze %dma_start3A_1153 : memref<1x8x128xf32, #tpu.memory_space<vmem>> -> memref<8x128xf32, #tpu.memory_space<vmem>>
        %dma_start3A_1155 = arith.constant 8 : i32
        %dma_start3A_1156 = tpu.memref_slice %arg3[%dma_start3A_1155, %multiple_of3A_1136] : memref<32x1000000xf32, #tpu.memory_space<hbm>> -> memref<8x128xf32, #tpu.memory_space<hbm>>
        %dma_start3A_1157 = arith.constant 8 : i32
        %dma_start3A_1158 = arith.constant 0 : i32
        %dma_start3A_1159 = tpu.memref_slice %arg6[%dma_start3A_1150, %dma_start3A_1157, %dma_start3A_1158] : memref<8x32x128xf32, #tpu.memory_space<vmem>> -> memref<1x8x128xf32, #tpu.memory_space<vmem>>
        %dma_start3A_1160 = tpu.memref_squeeze %dma_start3A_1159 : memref<1x8x128xf32, #tpu.memory_space<vmem>> -> memref<8x128xf32, #tpu.memory_space<vmem>>
        %dma_start3A_1161 = arith.constant 8 : i32
        %dma_start3A_1162 = tpu.memref_slice %arg3[%dma_start3A_1161, %multiple_of3A_1136] : memref<32x1000000xf32, #tpu.memory_space<hbm>> -> memref<8x128xf32, #tpu.memory_space<hbm>>
        tpu.enqueue_dma source(%dma_start3A_1162 : memref<8x128xf32, #tpu.memory_space<hbm>>) target(%dma_start3A_1160 : memref<8x128xf32, #tpu.memory_space<vmem>>) target_semaphore(%arg11 : memref<!tpu.dma_semaphore, #tpu.memory_space<semaphore_mem>>)
        %dma_start3A_1163 = arith.constant 3 : i32
        %dma_start3A_1164 = arith.constant 16 : i32
        %dma_start3A_1165 = arith.constant 0 : i32
        %dma_start3A_1166 = tpu.memref_slice %arg6[%dma_start3A_1163, %dma_start3A_1164, %dma_start3A_1165] : memref<8x32x128xf32, #tpu.memory_space<vmem>> -> memref<1x8x128xf32, #tpu.memory_space<vmem>>
        %dma_start3A_1167 = tpu.memref_squeeze %dma_start3A_1166 : memref<1x8x128xf32, #tpu.memory_space<vmem>> -> memref<8x128xf32, #tpu.memory_space<vmem>>
        %dma_start3A_1168 = arith.constant 16 : i32
        %dma_start3A_1169 = tpu.memref_slice %arg3[%dma_start3A_1168, %multiple_of3A_1136] : memref<32x1000000xf32, #tpu.memory_space<hbm>> -> memref<8x128xf32, #tpu.memory_space<hbm>>
        %dma_start3A_1170 = arith.constant 16 : i32
        %dma_start3A_1171 = arith.constant 0 : i32
        %dma_start3A_1172 = tpu.memref_slice %arg6[%dma_start3A_1163, %dma_start3A_1170, %dma_start3A_1171] : memref<8x32x128xf32, #tpu.memory_space<vmem>> -> memref<1x8x128xf32, #tpu.memory_space<vmem>>
        %dma_start3A_1173 = tpu.memref_squeeze %dma_start3A_1172 : memref<1x8x128xf32, #tpu.memory_space<vmem>> -> memref<8x128xf32, #tpu.memory_space<vmem>>
        %dma_start3A_1174 = arith.constant 16 : i32
        %dma_start3A_1175 = tpu.memref_slice %arg3[%dma_start3A_1174, %multiple_of3A_1136] : memref<32x1000000xf32, #tpu.memory_space<hbm>> -> memref<8x128xf32, #tpu.memory_space<hbm>>
        tpu.enqueue_dma source(%dma_start3A_1175 : memref<8x128xf32, #tpu.memory_space<hbm>>) target(%dma_start3A_1173 : memref<8x128xf32, #tpu.memory_space<vmem>>) target_semaphore(%arg11 : memref<!tpu.dma_semaphore, #tpu.memory_space<semaphore_mem>>)
        %dma_start3A_1176 = arith.constant 3 : i32
        %dma_start3A_1177 = arith.constant 24 : i32
        %dma_start3A_1178 = arith.constant 0 : i32
        %dma_start3A_1179 = tpu.memref_slice %arg6[%dma_start3A_1176, %dma_start3A_1177, %dma_start3A_1178] : memref<8x32x128xf32, #tpu.memory_space<vmem>> -> memref<1x8x128xf32, #tpu.memory_space<vmem>>
        %dma_start3A_1180 = tpu.memref_squeeze %dma_start3A_1179 : memref<1x8x128xf32, #tpu.memory_space<vmem>> -> memref<8x128xf32, #tpu.memory_space<vmem>>
        %dma_start3A_1181 = arith.constant 24 : i32
        %dma_start3A_1182 = tpu.memref_slice %arg3[%dma_start3A_1181, %multiple_of3A_1136] : memref<32x1000000xf32, #tpu.memory_space<hbm>> -> memref<8x128xf32, #tpu.memory_space<hbm>>
        %dma_start3A_1183 = arith.constant 24 : i32
        %dma_start3A_1184 = arith.constant 0 : i32
        %dma_start3A_1185 = tpu.memref_slice %arg6[%dma_start3A_1176, %dma_start3A_1183, %dma_start3A_1184] : memref<8x32x128xf32, #tpu.memory_space<vmem>> -> memref<1x8x128xf32, #tpu.memory_space<vmem>>
        %dma_start3A_1186 = tpu.memref_squeeze %dma_start3A_1185 : memref<1x8x128xf32, #tpu.memory_space<vmem>> -> memref<8x128xf32, #tpu.memory_space<vmem>>
        %dma_start3A_1187 = arith.constant 24 : i32
        %dma_start3A_1188 = tpu.memref_slice %arg3[%dma_start3A_1187, %multiple_of3A_1136] : memref<32x1000000xf32, #tpu.memory_space<hbm>> -> memref<8x128xf32, #tpu.memory_space<hbm>>
        tpu.enqueue_dma source(%dma_start3A_1188 : memref<8x128xf32, #tpu.memory_space<hbm>>) target(%dma_start3A_1186 : memref<8x128xf32, #tpu.memory_space<vmem>>) target_semaphore(%arg11 : memref<!tpu.dma_semaphore, #tpu.memory_space<semaphore_mem>>)
      } else {
      }
      %mul3A_852 = arith.constant 8 : i32
      %mul3A_853 = arith.muli %scan3A_601, %mul3A_852 : i32
      %add3A_854 = arith.constant 4 : i32
      %add3A_855 = arith.addi %mul3A_853, %add3A_854 : i32
      %dma_wait3A_856 = arith.constant 4 : i32
      %dma_wait3A_857 = arith.constant 0 : i32
      %dma_wait3A_858 = arith.constant 0 : i32
      %dma_wait3A_859 = tpu.memref_slice %arg6[%dma_wait3A_856, %dma_wait3A_857, %dma_wait3A_858] : memref<8x32x128xf32, #tpu.memory_space<vmem>> -> memref<1x32x128xf32, #tpu.memory_space<vmem>>
      %dma_wait3A_860 = tpu.memref_squeeze %dma_wait3A_859 : memref<1x32x128xf32, #tpu.memory_space<vmem>> -> memref<32x128xf32, #tpu.memory_space<vmem>>
      %dma_wait3A_861 = arith.constant 0 : i32
      %dma_wait3A_862 = arith.constant 0 : i32
      %dma_wait3A_863 = tpu.memref_slice %arg3[%dma_wait3A_861, %dma_wait3A_862] : memref<32x1000000xf32, #tpu.memory_space<hbm>> -> memref<32x128xf32, #tpu.memory_space<hbm>>
      %dma_wait3A_864 = arith.constant 0 : i32
      %dma_wait3A_865 = arith.constant 0 : i32
      %dma_wait3A_866 = tpu.memref_slice %arg6[%dma_wait3A_856, %dma_wait3A_864, %dma_wait3A_865] : memref<8x32x128xf32, #tpu.memory_space<vmem>> -> memref<1x32x128xf32, #tpu.memory_space<vmem>>
      %dma_wait3A_867 = tpu.memref_squeeze %dma_wait3A_866 : memref<1x32x128xf32, #tpu.memory_space<vmem>> -> memref<32x128xf32, #tpu.memory_space<vmem>>
      %dma_wait3A_868 = arith.constant 0 : i32
      %dma_wait3A_869 = arith.constant 0 : i32
      %dma_wait3A_870 = tpu.memref_slice %arg3[%dma_wait3A_868, %dma_wait3A_869] : memref<32x1000000xf32, #tpu.memory_space<hbm>> -> memref<32x128xf32, #tpu.memory_space<hbm>>
      tpu.wait_dma2 semaphore(%arg12 : memref<!tpu.dma_semaphore, #tpu.memory_space<semaphore_mem>>) src(%dma_wait3A_870 : memref<32x128xf32, #tpu.memory_space<hbm>>) dst(%dma_wait3A_867 : memref<32x128xf32, #tpu.memory_space<vmem>>)
      %shift_right_arithmetic3A_871 = arith.constant 4 : i32
      %shift_right_arithmetic3A_872 = arith.shrsi %add3A_855, %shift_right_arithmetic3A_871 : i32
      %shift_left3A_873 = arith.constant 4 : i32
      %shift_left3A_874 = arith.shli %shift_right_arithmetic3A_872, %shift_left3A_873 : i32
      %multiple_of3A_875 = tpu.assume_multiple %shift_left3A_874, 16 : i32
      %get3A_876 = arith.index_cast %multiple_of3A_875 : i32 to index
      %get3A_877 = tpu.vector_load %arg5[%get3A_876] {strides = array<i32>} : memref<512xi32, #tpu.memory_space<vmem>>, vector<16xi32>,
      %and3A_878 = arith.constant 15 : i32
      %and3A_879 = arith.andi %add3A_855, %and3A_878 : i32
      %eq3A_880 = vector.broadcast %and3A_879 : i32 to vector<16xi32>
      %eq3A_881 = arith.cmpi eq, %iota3A, %eq3A_880 : vector<16xi32>
      %jit3A_882 = arith.constant -1 : i32
      %broadcast_in_dim3A_883 = vector.broadcast %jit3A_882 : i32 to vector<16xi32>
      %select_n3A_884 = arith.select %eq3A_881, %get3A_877, %broadcast_in_dim3A_883 : vector<16xi1>, vector<16xi32>
      %reduce_max3A_885 = arith.constant true
      %reduce_max3A_886 = vector.broadcast %reduce_max3A_885 : i1 to vector<16xi1>
      %reduce_max3A_887 = arith.constant -2147483648 : i32
      %reduce_max3A_888 = vector.broadcast %reduce_max3A_887 : i32 to vector<16xi32>
      %reduce_max3A_889 = arith.xori %select_n3A_884, %reduce_max3A_888 : vector<16xi32>
      %reduce_max3A_890 = tpu.scan <max>, %reduce_max3A_889 masked %reduce_max3A_886 : vector<16xi32>, vector<16xi1> -> vector<16xi32>
      %reduce_max3A_891 = arith.xori %reduce_max3A_890, %reduce_max3A_888 : vector<16xi32>
      %reduce_max3A_892 = vector.extract %reduce_max3A_891[15] : i32 from vector<16xi32>
      %and3A_893 = arith.constant 127 : i32
      %and3A_894 = arith.andi %reduce_max3A_892, %and3A_893 : i32
      %broadcast_in_dim3A_895 = vector.broadcast %and3A_894 : i32 to vector<16xi32>
      %broadcast_in_dim3A_896 = vector.broadcast %add3A_855 : i32 to vector<16xi32>
      %gather3A_897 = arith.constant 4 : i32
      %gather3A_898 = arith.constant 0 : i32
      %gather3A_899 = arith.constant 0 : i32
      %gather3A_900 = tpu.memref_slice %arg6[%gather3A_897, %gather3A_898, %gather3A_899] : memref<8x32x128xf32, #tpu.memory_space<vmem>> -> memref<1x32x128xf32, #tpu.memory_space<vmem>>
      %gather3A_901 = tpu.memref_squeeze %gather3A_900 : memref<1x32x128xf32, #tpu.memory_space<vmem>> -> memref<32x128xf32, #tpu.memory_space<vmem>>
      %gather3A_902 = tpu.vector_load_idx %gather3A_901[%iota3A, %broadcast_in_dim3A_895] : memref<32x128xf32, #tpu.memory_space<vmem>>[vector<16xi32>, vector<16xi32>], vector<16xf32>,
      %gather3A_903 = arith.constant 4 : i32
      %gather3A_904 = arith.constant 0 : i32
      %gather3A_905 = arith.constant 0 : i32
      %gather3A_906 = tpu.memref_slice %arg6[%gather3A_903, %gather3A_904, %gather3A_905] : memref<8x32x128xf32, #tpu.memory_space<vmem>> -> memref<1x32x128xf32, #tpu.memory_space<vmem>>
      %gather3A_907 = tpu.memref_squeeze %gather3A_906 : memref<1x32x128xf32, #tpu.memory_space<vmem>> -> memref<32x128xf32, #tpu.memory_space<vmem>>
      %gather3A_908 = tpu.vector_load_idx %gather3A_907[%add3A_5, %broadcast_in_dim3A_895] : memref<32x128xf32, #tpu.memory_space<vmem>>[vector<16xi32>, vector<16xi32>], vector<16xf32>,
      tpu.vector_store_idx %arg7[%iota3A, %broadcast_in_dim3A_896], %gather3A_902 : memref<32x512xf32, #tpu.memory_space<vmem>>[vector<16xi32>, vector<16xi32>], vector<16xf32>,
      tpu.vector_store_idx %arg7[%add3A_5, %broadcast_in_dim3A_896], %gather3A_908 : memref<32x512xf32, #tpu.memory_space<vmem>>[vector<16xi32>, vector<16xi32>], vector<16xf32>,
      %add3A_909 = arith.constant 8 : i32
      %add3A_910 = arith.addi %add3A_855, %add3A_909 : i32
      %lt3A_911 = arith.constant 512 : i32
      %lt3A_912 = arith.cmpi slt, %add3A_910, %lt3A_911 : i32
      %convert_element_type3A_913 = arith.extui %lt3A_912 : i1 to i32
      %cond3A_914 = arith.constant 0 : i32
      %cond3A_915 = arith.cmpi ne, %convert_element_type3A_913, %cond3A_914 : i32
      scf.if %cond3A_915 {
        %add3A_1108 = arith.constant 8 : i32
        %add3A_1109 = arith.addi %add3A_855, %add3A_1108 : i32
        %shift_right_arithmetic3A_1110 = arith.constant 4 : i32
        %shift_right_arithmetic3A_1111 = arith.shrsi %add3A_1109, %shift_right_arithmetic3A_1110 : i32
        %shift_left3A_1112 = arith.constant 4 : i32
        %shift_left3A_1113 = arith.shli %shift_right_arithmetic3A_1111, %shift_left3A_1112 : i32
        %multiple_of3A_1114 = tpu.assume_multiple %shift_left3A_1113, 16 : i32
        %get3A_1115 = arith.index_cast %multiple_of3A_1114 : i32 to index
        %get3A_1116 = tpu.vector_load %arg5[%get3A_1115] {strides = array<i32>} : memref<512xi32, #tpu.memory_space<vmem>>, vector<16xi32>,
        %and3A_1117 = arith.constant 15 : i32
        %and3A_1118 = arith.andi %add3A_1109, %and3A_1117 : i32
        %eq3A_1119 = vector.broadcast %and3A_1118 : i32 to vector<16xi32>
        %eq3A_1120 = arith.cmpi eq, %iota3A, %eq3A_1119 : vector<16xi32>
        %jit3A_1121 = arith.constant -1 : i32
        %broadcast_in_dim3A_1122 = vector.broadcast %jit3A_1121 : i32 to vector<16xi32>
        %select_n3A_1123 = arith.select %eq3A_1120, %get3A_1116, %broadcast_in_dim3A_1122 : vector<16xi1>, vector<16xi32>
        %reduce_max3A_1124 = arith.constant true
        %reduce_max3A_1125 = vector.broadcast %reduce_max3A_1124 : i1 to vector<16xi1>
        %reduce_max3A_1126 = arith.constant -2147483648 : i32
        %reduce_max3A_1127 = vector.broadcast %reduce_max3A_1126 : i32 to vector<16xi32>
        %reduce_max3A_1128 = arith.xori %select_n3A_1123, %reduce_max3A_1127 : vector<16xi32>
        %reduce_max3A_1129 = tpu.scan <max>, %reduce_max3A_1128 masked %reduce_max3A_1125 : vector<16xi32>, vector<16xi1> -> vector<16xi32>
        %reduce_max3A_1130 = arith.xori %reduce_max3A_1129, %reduce_max3A_1127 : vector<16xi32>
        %reduce_max3A_1131 = vector.extract %reduce_max3A_1130[15] : i32 from vector<16xi32>
        %shift_right_arithmetic3A_1132 = arith.constant 7 : i32
        %shift_right_arithmetic3A_1133 = arith.shrsi %reduce_max3A_1131, %shift_right_arithmetic3A_1132 : i32
        %shift_left3A_1134 = arith.constant 7 : i32
        %shift_left3A_1135 = arith.shli %shift_right_arithmetic3A_1133, %shift_left3A_1134 : i32
        %multiple_of3A_1136 = tpu.assume_multiple %shift_left3A_1135, 128 : i32
        %dma_start3A_1137 = arith.constant 4 : i32
        %dma_start3A_1138 = arith.constant 0 : i32
        %dma_start3A_1139 = arith.constant 0 : i32
        %dma_start3A_1140 = tpu.memref_slice %arg6[%dma_start3A_1137, %dma_start3A_1138, %dma_start3A_1139] : memref<8x32x128xf32, #tpu.memory_space<vmem>> -> memref<1x8x128xf32, #tpu.memory_space<vmem>>
        %dma_start3A_1141 = tpu.memref_squeeze %dma_start3A_1140 : memref<1x8x128xf32, #tpu.memory_space<vmem>> -> memref<8x128xf32, #tpu.memory_space<vmem>>
        %dma_start3A_1142 = arith.constant 0 : i32
        %dma_start3A_1143 = tpu.memref_slice %arg3[%dma_start3A_1142, %multiple_of3A_1136] : memref<32x1000000xf32, #tpu.memory_space<hbm>> -> memref<8x128xf32, #tpu.memory_space<hbm>>
        %dma_start3A_1144 = arith.constant 0 : i32
        %dma_start3A_1145 = arith.constant 0 : i32
        %dma_start3A_1146 = tpu.memref_slice %arg6[%dma_start3A_1137, %dma_start3A_1144, %dma_start3A_1145] : memref<8x32x128xf32, #tpu.memory_space<vmem>> -> memref<1x8x128xf32, #tpu.memory_space<vmem>>
        %dma_start3A_1147 = tpu.memref_squeeze %dma_start3A_1146 : memref<1x8x128xf32, #tpu.memory_space<vmem>> -> memref<8x128xf32, #tpu.memory_space<vmem>>
        %dma_start3A_1148 = arith.constant 0 : i32
        %dma_start3A_1149 = tpu.memref_slice %arg3[%dma_start3A_1148, %multiple_of3A_1136] : memref<32x1000000xf32, #tpu.memory_space<hbm>> -> memref<8x128xf32, #tpu.memory_space<hbm>>
        tpu.enqueue_dma source(%dma_start3A_1149 : memref<8x128xf32, #tpu.memory_space<hbm>>) target(%dma_start3A_1147 : memref<8x128xf32, #tpu.memory_space<vmem>>) target_semaphore(%arg12 : memref<!tpu.dma_semaphore, #tpu.memory_space<semaphore_mem>>)
        %dma_start3A_1150 = arith.constant 4 : i32
        %dma_start3A_1151 = arith.constant 8 : i32
        %dma_start3A_1152 = arith.constant 0 : i32
        %dma_start3A_1153 = tpu.memref_slice %arg6[%dma_start3A_1150, %dma_start3A_1151, %dma_start3A_1152] : memref<8x32x128xf32, #tpu.memory_space<vmem>> -> memref<1x8x128xf32, #tpu.memory_space<vmem>>
        %dma_start3A_1154 = tpu.memref_squeeze %dma_start3A_1153 : memref<1x8x128xf32, #tpu.memory_space<vmem>> -> memref<8x128xf32, #tpu.memory_space<vmem>>
        %dma_start3A_1155 = arith.constant 8 : i32
        %dma_start3A_1156 = tpu.memref_slice %arg3[%dma_start3A_1155, %multiple_of3A_1136] : memref<32x1000000xf32, #tpu.memory_space<hbm>> -> memref<8x128xf32, #tpu.memory_space<hbm>>
        %dma_start3A_1157 = arith.constant 8 : i32
        %dma_start3A_1158 = arith.constant 0 : i32
        %dma_start3A_1159 = tpu.memref_slice %arg6[%dma_start3A_1150, %dma_start3A_1157, %dma_start3A_1158] : memref<8x32x128xf32, #tpu.memory_space<vmem>> -> memref<1x8x128xf32, #tpu.memory_space<vmem>>
        %dma_start3A_1160 = tpu.memref_squeeze %dma_start3A_1159 : memref<1x8x128xf32, #tpu.memory_space<vmem>> -> memref<8x128xf32, #tpu.memory_space<vmem>>
        %dma_start3A_1161 = arith.constant 8 : i32
        %dma_start3A_1162 = tpu.memref_slice %arg3[%dma_start3A_1161, %multiple_of3A_1136] : memref<32x1000000xf32, #tpu.memory_space<hbm>> -> memref<8x128xf32, #tpu.memory_space<hbm>>
        tpu.enqueue_dma source(%dma_start3A_1162 : memref<8x128xf32, #tpu.memory_space<hbm>>) target(%dma_start3A_1160 : memref<8x128xf32, #tpu.memory_space<vmem>>) target_semaphore(%arg12 : memref<!tpu.dma_semaphore, #tpu.memory_space<semaphore_mem>>)
        %dma_start3A_1163 = arith.constant 4 : i32
        %dma_start3A_1164 = arith.constant 16 : i32
        %dma_start3A_1165 = arith.constant 0 : i32
        %dma_start3A_1166 = tpu.memref_slice %arg6[%dma_start3A_1163, %dma_start3A_1164, %dma_start3A_1165] : memref<8x32x128xf32, #tpu.memory_space<vmem>> -> memref<1x8x128xf32, #tpu.memory_space<vmem>>
        %dma_start3A_1167 = tpu.memref_squeeze %dma_start3A_1166 : memref<1x8x128xf32, #tpu.memory_space<vmem>> -> memref<8x128xf32, #tpu.memory_space<vmem>>
        %dma_start3A_1168 = arith.constant 16 : i32
        %dma_start3A_1169 = tpu.memref_slice %arg3[%dma_start3A_1168, %multiple_of3A_1136] : memref<32x1000000xf32, #tpu.memory_space<hbm>> -> memref<8x128xf32, #tpu.memory_space<hbm>>
        %dma_start3A_1170 = arith.constant 16 : i32
        %dma_start3A_1171 = arith.constant 0 : i32
        %dma_start3A_1172 = tpu.memref_slice %arg6[%dma_start3A_1163, %dma_start3A_1170, %dma_start3A_1171] : memref<8x32x128xf32, #tpu.memory_space<vmem>> -> memref<1x8x128xf32, #tpu.memory_space<vmem>>
        %dma_start3A_1173 = tpu.memref_squeeze %dma_start3A_1172 : memref<1x8x128xf32, #tpu.memory_space<vmem>> -> memref<8x128xf32, #tpu.memory_space<vmem>>
        %dma_start3A_1174 = arith.constant 16 : i32
        %dma_start3A_1175 = tpu.memref_slice %arg3[%dma_start3A_1174, %multiple_of3A_1136] : memref<32x1000000xf32, #tpu.memory_space<hbm>> -> memref<8x128xf32, #tpu.memory_space<hbm>>
        tpu.enqueue_dma source(%dma_start3A_1175 : memref<8x128xf32, #tpu.memory_space<hbm>>) target(%dma_start3A_1173 : memref<8x128xf32, #tpu.memory_space<vmem>>) target_semaphore(%arg12 : memref<!tpu.dma_semaphore, #tpu.memory_space<semaphore_mem>>)
        %dma_start3A_1176 = arith.constant 4 : i32
        %dma_start3A_1177 = arith.constant 24 : i32
        %dma_start3A_1178 = arith.constant 0 : i32
        %dma_start3A_1179 = tpu.memref_slice %arg6[%dma_start3A_1176, %dma_start3A_1177, %dma_start3A_1178] : memref<8x32x128xf32, #tpu.memory_space<vmem>> -> memref<1x8x128xf32, #tpu.memory_space<vmem>>
        %dma_start3A_1180 = tpu.memref_squeeze %dma_start3A_1179 : memref<1x8x128xf32, #tpu.memory_space<vmem>> -> memref<8x128xf32, #tpu.memory_space<vmem>>
        %dma_start3A_1181 = arith.constant 24 : i32
        %dma_start3A_1182 = tpu.memref_slice %arg3[%dma_start3A_1181, %multiple_of3A_1136] : memref<32x1000000xf32, #tpu.memory_space<hbm>> -> memref<8x128xf32, #tpu.memory_space<hbm>>
        %dma_start3A_1183 = arith.constant 24 : i32
        %dma_start3A_1184 = arith.constant 0 : i32
        %dma_start3A_1185 = tpu.memref_slice %arg6[%dma_start3A_1176, %dma_start3A_1183, %dma_start3A_1184] : memref<8x32x128xf32, #tpu.memory_space<vmem>> -> memref<1x8x128xf32, #tpu.memory_space<vmem>>
        %dma_start3A_1186 = tpu.memref_squeeze %dma_start3A_1185 : memref<1x8x128xf32, #tpu.memory_space<vmem>> -> memref<8x128xf32, #tpu.memory_space<vmem>>
        %dma_start3A_1187 = arith.constant 24 : i32
        %dma_start3A_1188 = tpu.memref_slice %arg3[%dma_start3A_1187, %multiple_of3A_1136] : memref<32x1000000xf32, #tpu.memory_space<hbm>> -> memref<8x128xf32, #tpu.memory_space<hbm>>
        tpu.enqueue_dma source(%dma_start3A_1188 : memref<8x128xf32, #tpu.memory_space<hbm>>) target(%dma_start3A_1186 : memref<8x128xf32, #tpu.memory_space<vmem>>) target_semaphore(%arg12 : memref<!tpu.dma_semaphore, #tpu.memory_space<semaphore_mem>>)
      } else {
      }
      %mul3A_916 = arith.constant 8 : i32
      %mul3A_917 = arith.muli %scan3A_601, %mul3A_916 : i32
      %add3A_918 = arith.constant 5 : i32
      %add3A_919 = arith.addi %mul3A_917, %add3A_918 : i32
      %dma_wait3A_920 = arith.constant 5 : i32
      %dma_wait3A_921 = arith.constant 0 : i32
      %dma_wait3A_922 = arith.constant 0 : i32
      %dma_wait3A_923 = tpu.memref_slice %arg6[%dma_wait3A_920, %dma_wait3A_921, %dma_wait3A_922] : memref<8x32x128xf32, #tpu.memory_space<vmem>> -> memref<1x32x128xf32, #tpu.memory_space<vmem>>
      %dma_wait3A_924 = tpu.memref_squeeze %dma_wait3A_923 : memref<1x32x128xf32, #tpu.memory_space<vmem>> -> memref<32x128xf32, #tpu.memory_space<vmem>>
      %dma_wait3A_925 = arith.constant 0 : i32
      %dma_wait3A_926 = arith.constant 0 : i32
      %dma_wait3A_927 = tpu.memref_slice %arg3[%dma_wait3A_925, %dma_wait3A_926] : memref<32x1000000xf32, #tpu.memory_space<hbm>> -> memref<32x128xf32, #tpu.memory_space<hbm>>
      %dma_wait3A_928 = arith.constant 0 : i32
      %dma_wait3A_929 = arith.constant 0 : i32
      %dma_wait3A_930 = tpu.memref_slice %arg6[%dma_wait3A_920, %dma_wait3A_928, %dma_wait3A_929] : memref<8x32x128xf32, #tpu.memory_space<vmem>> -> memref<1x32x128xf32, #tpu.memory_space<vmem>>
      %dma_wait3A_931 = tpu.memref_squeeze %dma_wait3A_930 : memref<1x32x128xf32, #tpu.memory_space<vmem>> -> memref<32x128xf32, #tpu.memory_space<vmem>>
      %dma_wait3A_932 = arith.constant 0 : i32
      %dma_wait3A_933 = arith.constant 0 : i32
      %dma_wait3A_934 = tpu.memref_slice %arg3[%dma_wait3A_932, %dma_wait3A_933] : memref<32x1000000xf32, #tpu.memory_space<hbm>> -> memref<32x128xf32, #tpu.memory_space<hbm>>
      tpu.wait_dma2 semaphore(%arg13 : memref<!tpu.dma_semaphore, #tpu.memory_space<semaphore_mem>>) src(%dma_wait3A_934 : memref<32x128xf32, #tpu.memory_space<hbm>>) dst(%dma_wait3A_931 : memref<32x128xf32, #tpu.memory_space<vmem>>)
      %shift_right_arithmetic3A_935 = arith.constant 4 : i32
      %shift_right_arithmetic3A_936 = arith.shrsi %add3A_919, %shift_right_arithmetic3A_935 : i32
      %shift_left3A_937 = arith.constant 4 : i32
      %shift_left3A_938 = arith.shli %shift_right_arithmetic3A_936, %shift_left3A_937 : i32
      %multiple_of3A_939 = tpu.assume_multiple %shift_left3A_938, 16 : i32
      %get3A_940 = arith.index_cast %multiple_of3A_939 : i32 to index
      %get3A_941 = tpu.vector_load %arg5[%get3A_940] {strides = array<i32>} : memref<512xi32, #tpu.memory_space<vmem>>, vector<16xi32>,
      %and3A_942 = arith.constant 15 : i32
      %and3A_943 = arith.andi %add3A_919, %and3A_942 : i32
      %eq3A_944 = vector.broadcast %and3A_943 : i32 to vector<16xi32>
      %eq3A_945 = arith.cmpi eq, %iota3A, %eq3A_944 : vector<16xi32>
      %jit3A_946 = arith.constant -1 : i32
      %broadcast_in_dim3A_947 = vector.broadcast %jit3A_946 : i32 to vector<16xi32>
      %select_n3A_948 = arith.select %eq3A_945, %get3A_941, %broadcast_in_dim3A_947 : vector<16xi1>, vector<16xi32>
      %reduce_max3A_949 = arith.constant true
      %reduce_max3A_950 = vector.broadcast %reduce_max3A_949 : i1 to vector<16xi1>
      %reduce_max3A_951 = arith.constant -2147483648 : i32
      %reduce_max3A_952 = vector.broadcast %reduce_max3A_951 : i32 to vector<16xi32>
      %reduce_max3A_953 = arith.xori %select_n3A_948, %reduce_max3A_952 : vector<16xi32>
      %reduce_max3A_954 = tpu.scan <max>, %reduce_max3A_953 masked %reduce_max3A_950 : vector<16xi32>, vector<16xi1> -> vector<16xi32>
      %reduce_max3A_955 = arith.xori %reduce_max3A_954, %reduce_max3A_952 : vector<16xi32>
      %reduce_max3A_956 = vector.extract %reduce_max3A_955[15] : i32 from vector<16xi32>
      %and3A_957 = arith.constant 127 : i32
      %and3A_958 = arith.andi %reduce_max3A_956, %and3A_957 : i32
      %broadcast_in_dim3A_959 = vector.broadcast %and3A_958 : i32 to vector<16xi32>
      %broadcast_in_dim3A_960 = vector.broadcast %add3A_919 : i32 to vector<16xi32>
      %gather3A_961 = arith.constant 5 : i32
      %gather3A_962 = arith.constant 0 : i32
      %gather3A_963 = arith.constant 0 : i32
      %gather3A_964 = tpu.memref_slice %arg6[%gather3A_961, %gather3A_962, %gather3A_963] : memref<8x32x128xf32, #tpu.memory_space<vmem>> -> memref<1x32x128xf32, #tpu.memory_space<vmem>>
      %gather3A_965 = tpu.memref_squeeze %gather3A_964 : memref<1x32x128xf32, #tpu.memory_space<vmem>> -> memref<32x128xf32, #tpu.memory_space<vmem>>
      %gather3A_966 = tpu.vector_load_idx %gather3A_965[%iota3A, %broadcast_in_dim3A_959] : memref<32x128xf32, #tpu.memory_space<vmem>>[vector<16xi32>, vector<16xi32>], vector<16xf32>,
      %gather3A_967 = arith.constant 5 : i32
      %gather3A_968 = arith.constant 0 : i32
      %gather3A_969 = arith.constant 0 : i32
      %gather3A_970 = tpu.memref_slice %arg6[%gather3A_967, %gather3A_968, %gather3A_969] : memref<8x32x128xf32, #tpu.memory_space<vmem>> -> memref<1x32x128xf32, #tpu.memory_space<vmem>>
      %gather3A_971 = tpu.memref_squeeze %gather3A_970 : memref<1x32x128xf32, #tpu.memory_space<vmem>> -> memref<32x128xf32, #tpu.memory_space<vmem>>
      %gather3A_972 = tpu.vector_load_idx %gather3A_971[%add3A_5, %broadcast_in_dim3A_959] : memref<32x128xf32, #tpu.memory_space<vmem>>[vector<16xi32>, vector<16xi32>], vector<16xf32>,
      tpu.vector_store_idx %arg7[%iota3A, %broadcast_in_dim3A_960], %gather3A_966 : memref<32x512xf32, #tpu.memory_space<vmem>>[vector<16xi32>, vector<16xi32>], vector<16xf32>,
      tpu.vector_store_idx %arg7[%add3A_5, %broadcast_in_dim3A_960], %gather3A_972 : memref<32x512xf32, #tpu.memory_space<vmem>>[vector<16xi32>, vector<16xi32>], vector<16xf32>,
      %add3A_973 = arith.constant 8 : i32
      %add3A_974 = arith.addi %add3A_919, %add3A_973 : i32
      %lt3A_975 = arith.constant 512 : i32
      %lt3A_976 = arith.cmpi slt, %add3A_974, %lt3A_975 : i32
      %convert_element_type3A_977 = arith.extui %lt3A_976 : i1 to i32
      %cond3A_978 = arith.constant 0 : i32
      %cond3A_979 = arith.cmpi ne, %convert_element_type3A_977, %cond3A_978 : i32
      scf.if %cond3A_979 {
        %add3A_1108 = arith.constant 8 : i32
        %add3A_1109 = arith.addi %add3A_919, %add3A_1108 : i32
        %shift_right_arithmetic3A_1110 = arith.constant 4 : i32
        %shift_right_arithmetic3A_1111 = arith.shrsi %add3A_1109, %shift_right_arithmetic3A_1110 : i32
        %shift_left3A_1112 = arith.constant 4 : i32
        %shift_left3A_1113 = arith.shli %shift_right_arithmetic3A_1111, %shift_left3A_1112 : i32
        %multiple_of3A_1114 = tpu.assume_multiple %shift_left3A_1113, 16 : i32
        %get3A_1115 = arith.index_cast %multiple_of3A_1114 : i32 to index
        %get3A_1116 = tpu.vector_load %arg5[%get3A_1115] {strides = array<i32>} : memref<512xi32, #tpu.memory_space<vmem>>, vector<16xi32>,
        %and3A_1117 = arith.constant 15 : i32
        %and3A_1118 = arith.andi %add3A_1109, %and3A_1117 : i32
        %eq3A_1119 = vector.broadcast %and3A_1118 : i32 to vector<16xi32>
        %eq3A_1120 = arith.cmpi eq, %iota3A, %eq3A_1119 : vector<16xi32>
        %jit3A_1121 = arith.constant -1 : i32
        %broadcast_in_dim3A_1122 = vector.broadcast %jit3A_1121 : i32 to vector<16xi32>
        %select_n3A_1123 = arith.select %eq3A_1120, %get3A_1116, %broadcast_in_dim3A_1122 : vector<16xi1>, vector<16xi32>
        %reduce_max3A_1124 = arith.constant true
        %reduce_max3A_1125 = vector.broadcast %reduce_max3A_1124 : i1 to vector<16xi1>
        %reduce_max3A_1126 = arith.constant -2147483648 : i32
        %reduce_max3A_1127 = vector.broadcast %reduce_max3A_1126 : i32 to vector<16xi32>
        %reduce_max3A_1128 = arith.xori %select_n3A_1123, %reduce_max3A_1127 : vector<16xi32>
        %reduce_max3A_1129 = tpu.scan <max>, %reduce_max3A_1128 masked %reduce_max3A_1125 : vector<16xi32>, vector<16xi1> -> vector<16xi32>
        %reduce_max3A_1130 = arith.xori %reduce_max3A_1129, %reduce_max3A_1127 : vector<16xi32>
        %reduce_max3A_1131 = vector.extract %reduce_max3A_1130[15] : i32 from vector<16xi32>
        %shift_right_arithmetic3A_1132 = arith.constant 7 : i32
        %shift_right_arithmetic3A_1133 = arith.shrsi %reduce_max3A_1131, %shift_right_arithmetic3A_1132 : i32
        %shift_left3A_1134 = arith.constant 7 : i32
        %shift_left3A_1135 = arith.shli %shift_right_arithmetic3A_1133, %shift_left3A_1134 : i32
        %multiple_of3A_1136 = tpu.assume_multiple %shift_left3A_1135, 128 : i32
        %dma_start3A_1137 = arith.constant 5 : i32
        %dma_start3A_1138 = arith.constant 0 : i32
        %dma_start3A_1139 = arith.constant 0 : i32
        %dma_start3A_1140 = tpu.memref_slice %arg6[%dma_start3A_1137, %dma_start3A_1138, %dma_start3A_1139] : memref<8x32x128xf32, #tpu.memory_space<vmem>> -> memref<1x8x128xf32, #tpu.memory_space<vmem>>
        %dma_start3A_1141 = tpu.memref_squeeze %dma_start3A_1140 : memref<1x8x128xf32, #tpu.memory_space<vmem>> -> memref<8x128xf32, #tpu.memory_space<vmem>>
        %dma_start3A_1142 = arith.constant 0 : i32
        %dma_start3A_1143 = tpu.memref_slice %arg3[%dma_start3A_1142, %multiple_of3A_1136] : memref<32x1000000xf32, #tpu.memory_space<hbm>> -> memref<8x128xf32, #tpu.memory_space<hbm>>
        %dma_start3A_1144 = arith.constant 0 : i32
        %dma_start3A_1145 = arith.constant 0 : i32
        %dma_start3A_1146 = tpu.memref_slice %arg6[%dma_start3A_1137, %dma_start3A_1144, %dma_start3A_1145] : memref<8x32x128xf32, #tpu.memory_space<vmem>> -> memref<1x8x128xf32, #tpu.memory_space<vmem>>
        %dma_start3A_1147 = tpu.memref_squeeze %dma_start3A_1146 : memref<1x8x128xf32, #tpu.memory_space<vmem>> -> memref<8x128xf32, #tpu.memory_space<vmem>>
        %dma_start3A_1148 = arith.constant 0 : i32
        %dma_start3A_1149 = tpu.memref_slice %arg3[%dma_start3A_1148, %multiple_of3A_1136] : memref<32x1000000xf32, #tpu.memory_space<hbm>> -> memref<8x128xf32, #tpu.memory_space<hbm>>
        tpu.enqueue_dma source(%dma_start3A_1149 : memref<8x128xf32, #tpu.memory_space<hbm>>) target(%dma_start3A_1147 : memref<8x128xf32, #tpu.memory_space<vmem>>) target_semaphore(%arg13 : memref<!tpu.dma_semaphore, #tpu.memory_space<semaphore_mem>>)
        %dma_start3A_1150 = arith.constant 5 : i32
        %dma_start3A_1151 = arith.constant 8 : i32
        %dma_start3A_1152 = arith.constant 0 : i32
        %dma_start3A_1153 = tpu.memref_slice %arg6[%dma_start3A_1150, %dma_start3A_1151, %dma_start3A_1152] : memref<8x32x128xf32, #tpu.memory_space<vmem>> -> memref<1x8x128xf32, #tpu.memory_space<vmem>>
        %dma_start3A_1154 = tpu.memref_squeeze %dma_start3A_1153 : memref<1x8x128xf32, #tpu.memory_space<vmem>> -> memref<8x128xf32, #tpu.memory_space<vmem>>
        %dma_start3A_1155 = arith.constant 8 : i32
        %dma_start3A_1156 = tpu.memref_slice %arg3[%dma_start3A_1155, %multiple_of3A_1136] : memref<32x1000000xf32, #tpu.memory_space<hbm>> -> memref<8x128xf32, #tpu.memory_space<hbm>>
        %dma_start3A_1157 = arith.constant 8 : i32
        %dma_start3A_1158 = arith.constant 0 : i32
        %dma_start3A_1159 = tpu.memref_slice %arg6[%dma_start3A_1150, %dma_start3A_1157, %dma_start3A_1158] : memref<8x32x128xf32, #tpu.memory_space<vmem>> -> memref<1x8x128xf32, #tpu.memory_space<vmem>>
        %dma_start3A_1160 = tpu.memref_squeeze %dma_start3A_1159 : memref<1x8x128xf32, #tpu.memory_space<vmem>> -> memref<8x128xf32, #tpu.memory_space<vmem>>
        %dma_start3A_1161 = arith.constant 8 : i32
        %dma_start3A_1162 = tpu.memref_slice %arg3[%dma_start3A_1161, %multiple_of3A_1136] : memref<32x1000000xf32, #tpu.memory_space<hbm>> -> memref<8x128xf32, #tpu.memory_space<hbm>>
        tpu.enqueue_dma source(%dma_start3A_1162 : memref<8x128xf32, #tpu.memory_space<hbm>>) target(%dma_start3A_1160 : memref<8x128xf32, #tpu.memory_space<vmem>>) target_semaphore(%arg13 : memref<!tpu.dma_semaphore, #tpu.memory_space<semaphore_mem>>)
        %dma_start3A_1163 = arith.constant 5 : i32
        %dma_start3A_1164 = arith.constant 16 : i32
        %dma_start3A_1165 = arith.constant 0 : i32
        %dma_start3A_1166 = tpu.memref_slice %arg6[%dma_start3A_1163, %dma_start3A_1164, %dma_start3A_1165] : memref<8x32x128xf32, #tpu.memory_space<vmem>> -> memref<1x8x128xf32, #tpu.memory_space<vmem>>
        %dma_start3A_1167 = tpu.memref_squeeze %dma_start3A_1166 : memref<1x8x128xf32, #tpu.memory_space<vmem>> -> memref<8x128xf32, #tpu.memory_space<vmem>>
        %dma_start3A_1168 = arith.constant 16 : i32
        %dma_start3A_1169 = tpu.memref_slice %arg3[%dma_start3A_1168, %multiple_of3A_1136] : memref<32x1000000xf32, #tpu.memory_space<hbm>> -> memref<8x128xf32, #tpu.memory_space<hbm>>
        %dma_start3A_1170 = arith.constant 16 : i32
        %dma_start3A_1171 = arith.constant 0 : i32
        %dma_start3A_1172 = tpu.memref_slice %arg6[%dma_start3A_1163, %dma_start3A_1170, %dma_start3A_1171] : memref<8x32x128xf32, #tpu.memory_space<vmem>> -> memref<1x8x128xf32, #tpu.memory_space<vmem>>
        %dma_start3A_1173 = tpu.memref_squeeze %dma_start3A_1172 : memref<1x8x128xf32, #tpu.memory_space<vmem>> -> memref<8x128xf32, #tpu.memory_space<vmem>>
        %dma_start3A_1174 = arith.constant 16 : i32
        %dma_start3A_1175 = tpu.memref_slice %arg3[%dma_start3A_1174, %multiple_of3A_1136] : memref<32x1000000xf32, #tpu.memory_space<hbm>> -> memref<8x128xf32, #tpu.memory_space<hbm>>
        tpu.enqueue_dma source(%dma_start3A_1175 : memref<8x128xf32, #tpu.memory_space<hbm>>) target(%dma_start3A_1173 : memref<8x128xf32, #tpu.memory_space<vmem>>) target_semaphore(%arg13 : memref<!tpu.dma_semaphore, #tpu.memory_space<semaphore_mem>>)
        %dma_start3A_1176 = arith.constant 5 : i32
        %dma_start3A_1177 = arith.constant 24 : i32
        %dma_start3A_1178 = arith.constant 0 : i32
        %dma_start3A_1179 = tpu.memref_slice %arg6[%dma_start3A_1176, %dma_start3A_1177, %dma_start3A_1178] : memref<8x32x128xf32, #tpu.memory_space<vmem>> -> memref<1x8x128xf32, #tpu.memory_space<vmem>>
        %dma_start3A_1180 = tpu.memref_squeeze %dma_start3A_1179 : memref<1x8x128xf32, #tpu.memory_space<vmem>> -> memref<8x128xf32, #tpu.memory_space<vmem>>
        %dma_start3A_1181 = arith.constant 24 : i32
        %dma_start3A_1182 = tpu.memref_slice %arg3[%dma_start3A_1181, %multiple_of3A_1136] : memref<32x1000000xf32, #tpu.memory_space<hbm>> -> memref<8x128xf32, #tpu.memory_space<hbm>>
        %dma_start3A_1183 = arith.constant 24 : i32
        %dma_start3A_1184 = arith.constant 0 : i32
        %dma_start3A_1185 = tpu.memref_slice %arg6[%dma_start3A_1176, %dma_start3A_1183, %dma_start3A_1184] : memref<8x32x128xf32, #tpu.memory_space<vmem>> -> memref<1x8x128xf32, #tpu.memory_space<vmem>>
        %dma_start3A_1186 = tpu.memref_squeeze %dma_start3A_1185 : memref<1x8x128xf32, #tpu.memory_space<vmem>> -> memref<8x128xf32, #tpu.memory_space<vmem>>
        %dma_start3A_1187 = arith.constant 24 : i32
        %dma_start3A_1188 = tpu.memref_slice %arg3[%dma_start3A_1187, %multiple_of3A_1136] : memref<32x1000000xf32, #tpu.memory_space<hbm>> -> memref<8x128xf32, #tpu.memory_space<hbm>>
        tpu.enqueue_dma source(%dma_start3A_1188 : memref<8x128xf32, #tpu.memory_space<hbm>>) target(%dma_start3A_1186 : memref<8x128xf32, #tpu.memory_space<vmem>>) target_semaphore(%arg13 : memref<!tpu.dma_semaphore, #tpu.memory_space<semaphore_mem>>)
      } else {
      }
      %mul3A_980 = arith.constant 8 : i32
      %mul3A_981 = arith.muli %scan3A_601, %mul3A_980 : i32
      %add3A_982 = arith.constant 6 : i32
      %add3A_983 = arith.addi %mul3A_981, %add3A_982 : i32
      %dma_wait3A_984 = arith.constant 6 : i32
      %dma_wait3A_985 = arith.constant 0 : i32
      %dma_wait3A_986 = arith.constant 0 : i32
      %dma_wait3A_987 = tpu.memref_slice %arg6[%dma_wait3A_984, %dma_wait3A_985, %dma_wait3A_986] : memref<8x32x128xf32, #tpu.memory_space<vmem>> -> memref<1x32x128xf32, #tpu.memory_space<vmem>>
      %dma_wait3A_988 = tpu.memref_squeeze %dma_wait3A_987 : memref<1x32x128xf32, #tpu.memory_space<vmem>> -> memref<32x128xf32, #tpu.memory_space<vmem>>
      %dma_wait3A_989 = arith.constant 0 : i32
      %dma_wait3A_990 = arith.constant 0 : i32
      %dma_wait3A_991 = tpu.memref_slice %arg3[%dma_wait3A_989, %dma_wait3A_990] : memref<32x1000000xf32, #tpu.memory_space<hbm>> -> memref<32x128xf32, #tpu.memory_space<hbm>>
      %dma_wait3A_992 = arith.constant 0 : i32
      %dma_wait3A_993 = arith.constant 0 : i32
      %dma_wait3A_994 = tpu.memref_slice %arg6[%dma_wait3A_984, %dma_wait3A_992, %dma_wait3A_993] : memref<8x32x128xf32, #tpu.memory_space<vmem>> -> memref<1x32x128xf32, #tpu.memory_space<vmem>>
      %dma_wait3A_995 = tpu.memref_squeeze %dma_wait3A_994 : memref<1x32x128xf32, #tpu.memory_space<vmem>> -> memref<32x128xf32, #tpu.memory_space<vmem>>
      %dma_wait3A_996 = arith.constant 0 : i32
      %dma_wait3A_997 = arith.constant 0 : i32
      %dma_wait3A_998 = tpu.memref_slice %arg3[%dma_wait3A_996, %dma_wait3A_997] : memref<32x1000000xf32, #tpu.memory_space<hbm>> -> memref<32x128xf32, #tpu.memory_space<hbm>>
      tpu.wait_dma2 semaphore(%arg14 : memref<!tpu.dma_semaphore, #tpu.memory_space<semaphore_mem>>) src(%dma_wait3A_998 : memref<32x128xf32, #tpu.memory_space<hbm>>) dst(%dma_wait3A_995 : memref<32x128xf32, #tpu.memory_space<vmem>>)
      %shift_right_arithmetic3A_999 = arith.constant 4 : i32
      %shift_right_arithmetic3A_1000 = arith.shrsi %add3A_983, %shift_right_arithmetic3A_999 : i32
      %shift_left3A_1001 = arith.constant 4 : i32
      %shift_left3A_1002 = arith.shli %shift_right_arithmetic3A_1000, %shift_left3A_1001 : i32
      %multiple_of3A_1003 = tpu.assume_multiple %shift_left3A_1002, 16 : i32
      %get3A_1004 = arith.index_cast %multiple_of3A_1003 : i32 to index
      %get3A_1005 = tpu.vector_load %arg5[%get3A_1004] {strides = array<i32>} : memref<512xi32, #tpu.memory_space<vmem>>, vector<16xi32>,
      %and3A_1006 = arith.constant 15 : i32
      %and3A_1007 = arith.andi %add3A_983, %and3A_1006 : i32
      %eq3A_1008 = vector.broadcast %and3A_1007 : i32 to vector<16xi32>
      %eq3A_1009 = arith.cmpi eq, %iota3A, %eq3A_1008 : vector<16xi32>
      %jit3A_1010 = arith.constant -1 : i32
      %broadcast_in_dim3A_1011 = vector.broadcast %jit3A_1010 : i32 to vector<16xi32>
      %select_n3A_1012 = arith.select %eq3A_1009, %get3A_1005, %broadcast_in_dim3A_1011 : vector<16xi1>, vector<16xi32>
      %reduce_max3A_1013 = arith.constant true
      %reduce_max3A_1014 = vector.broadcast %reduce_max3A_1013 : i1 to vector<16xi1>
      %reduce_max3A_1015 = arith.constant -2147483648 : i32
      %reduce_max3A_1016 = vector.broadcast %reduce_max3A_1015 : i32 to vector<16xi32>
      %reduce_max3A_1017 = arith.xori %select_n3A_1012, %reduce_max3A_1016 : vector<16xi32>
      %reduce_max3A_1018 = tpu.scan <max>, %reduce_max3A_1017 masked %reduce_max3A_1014 : vector<16xi32>, vector<16xi1> -> vector<16xi32>
      %reduce_max3A_1019 = arith.xori %reduce_max3A_1018, %reduce_max3A_1016 : vector<16xi32>
      %reduce_max3A_1020 = vector.extract %reduce_max3A_1019[15] : i32 from vector<16xi32>
      %and3A_1021 = arith.constant 127 : i32
      %and3A_1022 = arith.andi %reduce_max3A_1020, %and3A_1021 : i32
      %broadcast_in_dim3A_1023 = vector.broadcast %and3A_1022 : i32 to vector<16xi32>
      %broadcast_in_dim3A_1024 = vector.broadcast %add3A_983 : i32 to vector<16xi32>
      %gather3A_1025 = arith.constant 6 : i32
      %gather3A_1026 = arith.constant 0 : i32
      %gather3A_1027 = arith.constant 0 : i32
      %gather3A_1028 = tpu.memref_slice %arg6[%gather3A_1025, %gather3A_1026, %gather3A_1027] : memref<8x32x128xf32, #tpu.memory_space<vmem>> -> memref<1x32x128xf32, #tpu.memory_space<vmem>>
      %gather3A_1029 = tpu.memref_squeeze %gather3A_1028 : memref<1x32x128xf32, #tpu.memory_space<vmem>> -> memref<32x128xf32, #tpu.memory_space<vmem>>
      %gather3A_1030 = tpu.vector_load_idx %gather3A_1029[%iota3A, %broadcast_in_dim3A_1023] : memref<32x128xf32, #tpu.memory_space<vmem>>[vector<16xi32>, vector<16xi32>], vector<16xf32>,
      %gather3A_1031 = arith.constant 6 : i32
      %gather3A_1032 = arith.constant 0 : i32
      %gather3A_1033 = arith.constant 0 : i32
      %gather3A_1034 = tpu.memref_slice %arg6[%gather3A_1031, %gather3A_1032, %gather3A_1033] : memref<8x32x128xf32, #tpu.memory_space<vmem>> -> memref<1x32x128xf32, #tpu.memory_space<vmem>>
      %gather3A_1035 = tpu.memref_squeeze %gather3A_1034 : memref<1x32x128xf32, #tpu.memory_space<vmem>> -> memref<32x128xf32, #tpu.memory_space<vmem>>
      %gather3A_1036 = tpu.vector_load_idx %gather3A_1035[%add3A_5, %broadcast_in_dim3A_1023] : memref<32x128xf32, #tpu.memory_space<vmem>>[vector<16xi32>, vector<16xi32>], vector<16xf32>,
      tpu.vector_store_idx %arg7[%iota3A, %broadcast_in_dim3A_1024], %gather3A_1030 : memref<32x512xf32, #tpu.memory_space<vmem>>[vector<16xi32>, vector<16xi32>], vector<16xf32>,
      tpu.vector_store_idx %arg7[%add3A_5, %broadcast_in_dim3A_1024], %gather3A_1036 : memref<32x512xf32, #tpu.memory_space<vmem>>[vector<16xi32>, vector<16xi32>], vector<16xf32>,
      %add3A_1037 = arith.constant 8 : i32
      %add3A_1038 = arith.addi %add3A_983, %add3A_1037 : i32
      %lt3A_1039 = arith.constant 512 : i32
      %lt3A_1040 = arith.cmpi slt, %add3A_1038, %lt3A_1039 : i32
      %convert_element_type3A_1041 = arith.extui %lt3A_1040 : i1 to i32
      %cond3A_1042 = arith.constant 0 : i32
      %cond3A_1043 = arith.cmpi ne, %convert_element_type3A_1041, %cond3A_1042 : i32
      scf.if %cond3A_1043 {
        %add3A_1108 = arith.constant 8 : i32
        %add3A_1109 = arith.addi %add3A_983, %add3A_1108 : i32
        %shift_right_arithmetic3A_1110 = arith.constant 4 : i32
        %shift_right_arithmetic3A_1111 = arith.shrsi %add3A_1109, %shift_right_arithmetic3A_1110 : i32
        %shift_left3A_1112 = arith.constant 4 : i32
        %shift_left3A_1113 = arith.shli %shift_right_arithmetic3A_1111, %shift_left3A_1112 : i32
        %multiple_of3A_1114 = tpu.assume_multiple %shift_left3A_1113, 16 : i32
        %get3A_1115 = arith.index_cast %multiple_of3A_1114 : i32 to index
        %get3A_1116 = tpu.vector_load %arg5[%get3A_1115] {strides = array<i32>} : memref<512xi32, #tpu.memory_space<vmem>>, vector<16xi32>,
        %and3A_1117 = arith.constant 15 : i32
        %and3A_1118 = arith.andi %add3A_1109, %and3A_1117 : i32
        %eq3A_1119 = vector.broadcast %and3A_1118 : i32 to vector<16xi32>
        %eq3A_1120 = arith.cmpi eq, %iota3A, %eq3A_1119 : vector<16xi32>
        %jit3A_1121 = arith.constant -1 : i32
        %broadcast_in_dim3A_1122 = vector.broadcast %jit3A_1121 : i32 to vector<16xi32>
        %select_n3A_1123 = arith.select %eq3A_1120, %get3A_1116, %broadcast_in_dim3A_1122 : vector<16xi1>, vector<16xi32>
        %reduce_max3A_1124 = arith.constant true
        %reduce_max3A_1125 = vector.broadcast %reduce_max3A_1124 : i1 to vector<16xi1>
        %reduce_max3A_1126 = arith.constant -2147483648 : i32
        %reduce_max3A_1127 = vector.broadcast %reduce_max3A_1126 : i32 to vector<16xi32>
        %reduce_max3A_1128 = arith.xori %select_n3A_1123, %reduce_max3A_1127 : vector<16xi32>
        %reduce_max3A_1129 = tpu.scan <max>, %reduce_max3A_1128 masked %reduce_max3A_1125 : vector<16xi32>, vector<16xi1> -> vector<16xi32>
        %reduce_max3A_1130 = arith.xori %reduce_max3A_1129, %reduce_max3A_1127 : vector<16xi32>
        %reduce_max3A_1131 = vector.extract %reduce_max3A_1130[15] : i32 from vector<16xi32>
        %shift_right_arithmetic3A_1132 = arith.constant 7 : i32
        %shift_right_arithmetic3A_1133 = arith.shrsi %reduce_max3A_1131, %shift_right_arithmetic3A_1132 : i32
        %shift_left3A_1134 = arith.constant 7 : i32
        %shift_left3A_1135 = arith.shli %shift_right_arithmetic3A_1133, %shift_left3A_1134 : i32
        %multiple_of3A_1136 = tpu.assume_multiple %shift_left3A_1135, 128 : i32
        %dma_start3A_1137 = arith.constant 6 : i32
        %dma_start3A_1138 = arith.constant 0 : i32
        %dma_start3A_1139 = arith.constant 0 : i32
        %dma_start3A_1140 = tpu.memref_slice %arg6[%dma_start3A_1137, %dma_start3A_1138, %dma_start3A_1139] : memref<8x32x128xf32, #tpu.memory_space<vmem>> -> memref<1x8x128xf32, #tpu.memory_space<vmem>>
        %dma_start3A_1141 = tpu.memref_squeeze %dma_start3A_1140 : memref<1x8x128xf32, #tpu.memory_space<vmem>> -> memref<8x128xf32, #tpu.memory_space<vmem>>
        %dma_start3A_1142 = arith.constant 0 : i32
        %dma_start3A_1143 = tpu.memref_slice %arg3[%dma_start3A_1142, %multiple_of3A_1136] : memref<32x1000000xf32, #tpu.memory_space<hbm>> -> memref<8x128xf32, #tpu.memory_space<hbm>>
        %dma_start3A_1144 = arith.constant 0 : i32
        %dma_start3A_1145 = arith.constant 0 : i32
        %dma_start3A_1146 = tpu.memref_slice %arg6[%dma_start3A_1137, %dma_start3A_1144, %dma_start3A_1145] : memref<8x32x128xf32, #tpu.memory_space<vmem>> -> memref<1x8x128xf32, #tpu.memory_space<vmem>>
        %dma_start3A_1147 = tpu.memref_squeeze %dma_start3A_1146 : memref<1x8x128xf32, #tpu.memory_space<vmem>> -> memref<8x128xf32, #tpu.memory_space<vmem>>
        %dma_start3A_1148 = arith.constant 0 : i32
        %dma_start3A_1149 = tpu.memref_slice %arg3[%dma_start3A_1148, %multiple_of3A_1136] : memref<32x1000000xf32, #tpu.memory_space<hbm>> -> memref<8x128xf32, #tpu.memory_space<hbm>>
        tpu.enqueue_dma source(%dma_start3A_1149 : memref<8x128xf32, #tpu.memory_space<hbm>>) target(%dma_start3A_1147 : memref<8x128xf32, #tpu.memory_space<vmem>>) target_semaphore(%arg14 : memref<!tpu.dma_semaphore, #tpu.memory_space<semaphore_mem>>)
        %dma_start3A_1150 = arith.constant 6 : i32
        %dma_start3A_1151 = arith.constant 8 : i32
        %dma_start3A_1152 = arith.constant 0 : i32
        %dma_start3A_1153 = tpu.memref_slice %arg6[%dma_start3A_1150, %dma_start3A_1151, %dma_start3A_1152] : memref<8x32x128xf32, #tpu.memory_space<vmem>> -> memref<1x8x128xf32, #tpu.memory_space<vmem>>
        %dma_start3A_1154 = tpu.memref_squeeze %dma_start3A_1153 : memref<1x8x128xf32, #tpu.memory_space<vmem>> -> memref<8x128xf32, #tpu.memory_space<vmem>>
        %dma_start3A_1155 = arith.constant 8 : i32
        %dma_start3A_1156 = tpu.memref_slice %arg3[%dma_start3A_1155, %multiple_of3A_1136] : memref<32x1000000xf32, #tpu.memory_space<hbm>> -> memref<8x128xf32, #tpu.memory_space<hbm>>
        %dma_start3A_1157 = arith.constant 8 : i32
        %dma_start3A_1158 = arith.constant 0 : i32
        %dma_start3A_1159 = tpu.memref_slice %arg6[%dma_start3A_1150, %dma_start3A_1157, %dma_start3A_1158] : memref<8x32x128xf32, #tpu.memory_space<vmem>> -> memref<1x8x128xf32, #tpu.memory_space<vmem>>
        %dma_start3A_1160 = tpu.memref_squeeze %dma_start3A_1159 : memref<1x8x128xf32, #tpu.memory_space<vmem>> -> memref<8x128xf32, #tpu.memory_space<vmem>>
        %dma_start3A_1161 = arith.constant 8 : i32
        %dma_start3A_1162 = tpu.memref_slice %arg3[%dma_start3A_1161, %multiple_of3A_1136] : memref<32x1000000xf32, #tpu.memory_space<hbm>> -> memref<8x128xf32, #tpu.memory_space<hbm>>
        tpu.enqueue_dma source(%dma_start3A_1162 : memref<8x128xf32, #tpu.memory_space<hbm>>) target(%dma_start3A_1160 : memref<8x128xf32, #tpu.memory_space<vmem>>) target_semaphore(%arg14 : memref<!tpu.dma_semaphore, #tpu.memory_space<semaphore_mem>>)
        %dma_start3A_1163 = arith.constant 6 : i32
        %dma_start3A_1164 = arith.constant 16 : i32
        %dma_start3A_1165 = arith.constant 0 : i32
        %dma_start3A_1166 = tpu.memref_slice %arg6[%dma_start3A_1163, %dma_start3A_1164, %dma_start3A_1165] : memref<8x32x128xf32, #tpu.memory_space<vmem>> -> memref<1x8x128xf32, #tpu.memory_space<vmem>>
        %dma_start3A_1167 = tpu.memref_squeeze %dma_start3A_1166 : memref<1x8x128xf32, #tpu.memory_space<vmem>> -> memref<8x128xf32, #tpu.memory_space<vmem>>
        %dma_start3A_1168 = arith.constant 16 : i32
        %dma_start3A_1169 = tpu.memref_slice %arg3[%dma_start3A_1168, %multiple_of3A_1136] : memref<32x1000000xf32, #tpu.memory_space<hbm>> -> memref<8x128xf32, #tpu.memory_space<hbm>>
        %dma_start3A_1170 = arith.constant 16 : i32
        %dma_start3A_1171 = arith.constant 0 : i32
        %dma_start3A_1172 = tpu.memref_slice %arg6[%dma_start3A_1163, %dma_start3A_1170, %dma_start3A_1171] : memref<8x32x128xf32, #tpu.memory_space<vmem>> -> memref<1x8x128xf32, #tpu.memory_space<vmem>>
        %dma_start3A_1173 = tpu.memref_squeeze %dma_start3A_1172 : memref<1x8x128xf32, #tpu.memory_space<vmem>> -> memref<8x128xf32, #tpu.memory_space<vmem>>
        %dma_start3A_1174 = arith.constant 16 : i32
        %dma_start3A_1175 = tpu.memref_slice %arg3[%dma_start3A_1174, %multiple_of3A_1136] : memref<32x1000000xf32, #tpu.memory_space<hbm>> -> memref<8x128xf32, #tpu.memory_space<hbm>>
        tpu.enqueue_dma source(%dma_start3A_1175 : memref<8x128xf32, #tpu.memory_space<hbm>>) target(%dma_start3A_1173 : memref<8x128xf32, #tpu.memory_space<vmem>>) target_semaphore(%arg14 : memref<!tpu.dma_semaphore, #tpu.memory_space<semaphore_mem>>)
        %dma_start3A_1176 = arith.constant 6 : i32
        %dma_start3A_1177 = arith.constant 24 : i32
        %dma_start3A_1178 = arith.constant 0 : i32
        %dma_start3A_1179 = tpu.memref_slice %arg6[%dma_start3A_1176, %dma_start3A_1177, %dma_start3A_1178] : memref<8x32x128xf32, #tpu.memory_space<vmem>> -> memref<1x8x128xf32, #tpu.memory_space<vmem>>
        %dma_start3A_1180 = tpu.memref_squeeze %dma_start3A_1179 : memref<1x8x128xf32, #tpu.memory_space<vmem>> -> memref<8x128xf32, #tpu.memory_space<vmem>>
        %dma_start3A_1181 = arith.constant 24 : i32
        %dma_start3A_1182 = tpu.memref_slice %arg3[%dma_start3A_1181, %multiple_of3A_1136] : memref<32x1000000xf32, #tpu.memory_space<hbm>> -> memref<8x128xf32, #tpu.memory_space<hbm>>
        %dma_start3A_1183 = arith.constant 24 : i32
        %dma_start3A_1184 = arith.constant 0 : i32
        %dma_start3A_1185 = tpu.memref_slice %arg6[%dma_start3A_1176, %dma_start3A_1183, %dma_start3A_1184] : memref<8x32x128xf32, #tpu.memory_space<vmem>> -> memref<1x8x128xf32, #tpu.memory_space<vmem>>
        %dma_start3A_1186 = tpu.memref_squeeze %dma_start3A_1185 : memref<1x8x128xf32, #tpu.memory_space<vmem>> -> memref<8x128xf32, #tpu.memory_space<vmem>>
        %dma_start3A_1187 = arith.constant 24 : i32
        %dma_start3A_1188 = tpu.memref_slice %arg3[%dma_start3A_1187, %multiple_of3A_1136] : memref<32x1000000xf32, #tpu.memory_space<hbm>> -> memref<8x128xf32, #tpu.memory_space<hbm>>
        tpu.enqueue_dma source(%dma_start3A_1188 : memref<8x128xf32, #tpu.memory_space<hbm>>) target(%dma_start3A_1186 : memref<8x128xf32, #tpu.memory_space<vmem>>) target_semaphore(%arg14 : memref<!tpu.dma_semaphore, #tpu.memory_space<semaphore_mem>>)
      } else {
      }
      %mul3A_1044 = arith.constant 8 : i32
      %mul3A_1045 = arith.muli %scan3A_601, %mul3A_1044 : i32
      %add3A_1046 = arith.constant 7 : i32
      %add3A_1047 = arith.addi %mul3A_1045, %add3A_1046 : i32
      %dma_wait3A_1048 = arith.constant 7 : i32
      %dma_wait3A_1049 = arith.constant 0 : i32
      %dma_wait3A_1050 = arith.constant 0 : i32
      %dma_wait3A_1051 = tpu.memref_slice %arg6[%dma_wait3A_1048, %dma_wait3A_1049, %dma_wait3A_1050] : memref<8x32x128xf32, #tpu.memory_space<vmem>> -> memref<1x32x128xf32, #tpu.memory_space<vmem>>
      %dma_wait3A_1052 = tpu.memref_squeeze %dma_wait3A_1051 : memref<1x32x128xf32, #tpu.memory_space<vmem>> -> memref<32x128xf32, #tpu.memory_space<vmem>>
      %dma_wait3A_1053 = arith.constant 0 : i32
      %dma_wait3A_1054 = arith.constant 0 : i32
      %dma_wait3A_1055 = tpu.memref_slice %arg3[%dma_wait3A_1053, %dma_wait3A_1054] : memref<32x1000000xf32, #tpu.memory_space<hbm>> -> memref<32x128xf32, #tpu.memory_space<hbm>>
      %dma_wait3A_1056 = arith.constant 0 : i32
      %dma_wait3A_1057 = arith.constant 0 : i32
      %dma_wait3A_1058 = tpu.memref_slice %arg6[%dma_wait3A_1048, %dma_wait3A_1056, %dma_wait3A_1057] : memref<8x32x128xf32, #tpu.memory_space<vmem>> -> memref<1x32x128xf32, #tpu.memory_space<vmem>>
      %dma_wait3A_1059 = tpu.memref_squeeze %dma_wait3A_1058 : memref<1x32x128xf32, #tpu.memory_space<vmem>> -> memref<32x128xf32, #tpu.memory_space<vmem>>
      %dma_wait3A_1060 = arith.constant 0 : i32
      %dma_wait3A_1061 = arith.constant 0 : i32
      %dma_wait3A_1062 = tpu.memref_slice %arg3[%dma_wait3A_1060, %dma_wait3A_1061] : memref<32x1000000xf32, #tpu.memory_space<hbm>> -> memref<32x128xf32, #tpu.memory_space<hbm>>
      tpu.wait_dma2 semaphore(%arg15 : memref<!tpu.dma_semaphore, #tpu.memory_space<semaphore_mem>>) src(%dma_wait3A_1062 : memref<32x128xf32, #tpu.memory_space<hbm>>) dst(%dma_wait3A_1059 : memref<32x128xf32, #tpu.memory_space<vmem>>)
      %shift_right_arithmetic3A_1063 = arith.constant 4 : i32
      %shift_right_arithmetic3A_1064 = arith.shrsi %add3A_1047, %shift_right_arithmetic3A_1063 : i32
      %shift_left3A_1065 = arith.constant 4 : i32
      %shift_left3A_1066 = arith.shli %shift_right_arithmetic3A_1064, %shift_left3A_1065 : i32
      %multiple_of3A_1067 = tpu.assume_multiple %shift_left3A_1066, 16 : i32
      %get3A_1068 = arith.index_cast %multiple_of3A_1067 : i32 to index
      %get3A_1069 = tpu.vector_load %arg5[%get3A_1068] {strides = array<i32>} : memref<512xi32, #tpu.memory_space<vmem>>, vector<16xi32>,
      %and3A_1070 = arith.constant 15 : i32
      %and3A_1071 = arith.andi %add3A_1047, %and3A_1070 : i32
      %eq3A_1072 = vector.broadcast %and3A_1071 : i32 to vector<16xi32>
      %eq3A_1073 = arith.cmpi eq, %iota3A, %eq3A_1072 : vector<16xi32>
      %jit3A_1074 = arith.constant -1 : i32
      %broadcast_in_dim3A_1075 = vector.broadcast %jit3A_1074 : i32 to vector<16xi32>
      %select_n3A_1076 = arith.select %eq3A_1073, %get3A_1069, %broadcast_in_dim3A_1075 : vector<16xi1>, vector<16xi32>
      %reduce_max3A_1077 = arith.constant true
      %reduce_max3A_1078 = vector.broadcast %reduce_max3A_1077 : i1 to vector<16xi1>
      %reduce_max3A_1079 = arith.constant -2147483648 : i32
      %reduce_max3A_1080 = vector.broadcast %reduce_max3A_1079 : i32 to vector<16xi32>
      %reduce_max3A_1081 = arith.xori %select_n3A_1076, %reduce_max3A_1080 : vector<16xi32>
      %reduce_max3A_1082 = tpu.scan <max>, %reduce_max3A_1081 masked %reduce_max3A_1078 : vector<16xi32>, vector<16xi1> -> vector<16xi32>
      %reduce_max3A_1083 = arith.xori %reduce_max3A_1082, %reduce_max3A_1080 : vector<16xi32>
      %reduce_max3A_1084 = vector.extract %reduce_max3A_1083[15] : i32 from vector<16xi32>
      %and3A_1085 = arith.constant 127 : i32
      %and3A_1086 = arith.andi %reduce_max3A_1084, %and3A_1085 : i32
      %broadcast_in_dim3A_1087 = vector.broadcast %and3A_1086 : i32 to vector<16xi32>
      %broadcast_in_dim3A_1088 = vector.broadcast %add3A_1047 : i32 to vector<16xi32>
      %gather3A_1089 = arith.constant 7 : i32
      %gather3A_1090 = arith.constant 0 : i32
      %gather3A_1091 = arith.constant 0 : i32
      %gather3A_1092 = tpu.memref_slice %arg6[%gather3A_1089, %gather3A_1090, %gather3A_1091] : memref<8x32x128xf32, #tpu.memory_space<vmem>> -> memref<1x32x128xf32, #tpu.memory_space<vmem>>
      %gather3A_1093 = tpu.memref_squeeze %gather3A_1092 : memref<1x32x128xf32, #tpu.memory_space<vmem>> -> memref<32x128xf32, #tpu.memory_space<vmem>>
      %gather3A_1094 = tpu.vector_load_idx %gather3A_1093[%iota3A, %broadcast_in_dim3A_1087] : memref<32x128xf32, #tpu.memory_space<vmem>>[vector<16xi32>, vector<16xi32>], vector<16xf32>,
      %gather3A_1095 = arith.constant 7 : i32
      %gather3A_1096 = arith.constant 0 : i32
      %gather3A_1097 = arith.constant 0 : i32
      %gather3A_1098 = tpu.memref_slice %arg6[%gather3A_1095, %gather3A_1096, %gather3A_1097] : memref<8x32x128xf32, #tpu.memory_space<vmem>> -> memref<1x32x128xf32, #tpu.memory_space<vmem>>
      %gather3A_1099 = tpu.memref_squeeze %gather3A_1098 : memref<1x32x128xf32, #tpu.memory_space<vmem>> -> memref<32x128xf32, #tpu.memory_space<vmem>>
      %gather3A_1100 = tpu.vector_load_idx %gather3A_1099[%add3A_5, %broadcast_in_dim3A_1087] : memref<32x128xf32, #tpu.memory_space<vmem>>[vector<16xi32>, vector<16xi32>], vector<16xf32>,
      tpu.vector_store_idx %arg7[%iota3A, %broadcast_in_dim3A_1088], %gather3A_1094 : memref<32x512xf32, #tpu.memory_space<vmem>>[vector<16xi32>, vector<16xi32>], vector<16xf32>,
      tpu.vector_store_idx %arg7[%add3A_5, %broadcast_in_dim3A_1088], %gather3A_1100 : memref<32x512xf32, #tpu.memory_space<vmem>>[vector<16xi32>, vector<16xi32>], vector<16xf32>,
      %add3A_1101 = arith.constant 8 : i32
      %add3A_1102 = arith.addi %add3A_1047, %add3A_1101 : i32
      %lt3A_1103 = arith.constant 512 : i32
      %lt3A_1104 = arith.cmpi slt, %add3A_1102, %lt3A_1103 : i32
      %convert_element_type3A_1105 = arith.extui %lt3A_1104 : i1 to i32
      %cond3A_1106 = arith.constant 0 : i32
      %cond3A_1107 = arith.cmpi ne, %convert_element_type3A_1105, %cond3A_1106 : i32
      scf.if %cond3A_1107 {
        %add3A_1108 = arith.constant 8 : i32
        %add3A_1109 = arith.addi %add3A_1047, %add3A_1108 : i32
        %shift_right_arithmetic3A_1110 = arith.constant 4 : i32
        %shift_right_arithmetic3A_1111 = arith.shrsi %add3A_1109, %shift_right_arithmetic3A_1110 : i32
        %shift_left3A_1112 = arith.constant 4 : i32
        %shift_left3A_1113 = arith.shli %shift_right_arithmetic3A_1111, %shift_left3A_1112 : i32
        %multiple_of3A_1114 = tpu.assume_multiple %shift_left3A_1113, 16 : i32
        %get3A_1115 = arith.index_cast %multiple_of3A_1114 : i32 to index
        %get3A_1116 = tpu.vector_load %arg5[%get3A_1115] {strides = array<i32>} : memref<512xi32, #tpu.memory_space<vmem>>, vector<16xi32>,
        %and3A_1117 = arith.constant 15 : i32
        %and3A_1118 = arith.andi %add3A_1109, %and3A_1117 : i32
        %eq3A_1119 = vector.broadcast %and3A_1118 : i32 to vector<16xi32>
        %eq3A_1120 = arith.cmpi eq, %iota3A, %eq3A_1119 : vector<16xi32>
        %jit3A_1121 = arith.constant -1 : i32
        %broadcast_in_dim3A_1122 = vector.broadcast %jit3A_1121 : i32 to vector<16xi32>
        %select_n3A_1123 = arith.select %eq3A_1120, %get3A_1116, %broadcast_in_dim3A_1122 : vector<16xi1>, vector<16xi32>
        %reduce_max3A_1124 = arith.constant true
        %reduce_max3A_1125 = vector.broadcast %reduce_max3A_1124 : i1 to vector<16xi1>
        %reduce_max3A_1126 = arith.constant -2147483648 : i32
        %reduce_max3A_1127 = vector.broadcast %reduce_max3A_1126 : i32 to vector<16xi32>
        %reduce_max3A_1128 = arith.xori %select_n3A_1123, %reduce_max3A_1127 : vector<16xi32>
        %reduce_max3A_1129 = tpu.scan <max>, %reduce_max3A_1128 masked %reduce_max3A_1125 : vector<16xi32>, vector<16xi1> -> vector<16xi32>
        %reduce_max3A_1130 = arith.xori %reduce_max3A_1129, %reduce_max3A_1127 : vector<16xi32>
        %reduce_max3A_1131 = vector.extract %reduce_max3A_1130[15] : i32 from vector<16xi32>
        %shift_right_arithmetic3A_1132 = arith.constant 7 : i32
        %shift_right_arithmetic3A_1133 = arith.shrsi %reduce_max3A_1131, %shift_right_arithmetic3A_1132 : i32
        %shift_left3A_1134 = arith.constant 7 : i32
        %shift_left3A_1135 = arith.shli %shift_right_arithmetic3A_1133, %shift_left3A_1134 : i32
        %multiple_of3A_1136 = tpu.assume_multiple %shift_left3A_1135, 128 : i32
        %dma_start3A_1137 = arith.constant 7 : i32
        %dma_start3A_1138 = arith.constant 0 : i32
        %dma_start3A_1139 = arith.constant 0 : i32
        %dma_start3A_1140 = tpu.memref_slice %arg6[%dma_start3A_1137, %dma_start3A_1138, %dma_start3A_1139] : memref<8x32x128xf32, #tpu.memory_space<vmem>> -> memref<1x8x128xf32, #tpu.memory_space<vmem>>
        %dma_start3A_1141 = tpu.memref_squeeze %dma_start3A_1140 : memref<1x8x128xf32, #tpu.memory_space<vmem>> -> memref<8x128xf32, #tpu.memory_space<vmem>>
        %dma_start3A_1142 = arith.constant 0 : i32
        %dma_start3A_1143 = tpu.memref_slice %arg3[%dma_start3A_1142, %multiple_of3A_1136] : memref<32x1000000xf32, #tpu.memory_space<hbm>> -> memref<8x128xf32, #tpu.memory_space<hbm>>
        %dma_start3A_1144 = arith.constant 0 : i32
        %dma_start3A_1145 = arith.constant 0 : i32
        %dma_start3A_1146 = tpu.memref_slice %arg6[%dma_start3A_1137, %dma_start3A_1144, %dma_start3A_1145] : memref<8x32x128xf32, #tpu.memory_space<vmem>> -> memref<1x8x128xf32, #tpu.memory_space<vmem>>
        %dma_start3A_1147 = tpu.memref_squeeze %dma_start3A_1146 : memref<1x8x128xf32, #tpu.memory_space<vmem>> -> memref<8x128xf32, #tpu.memory_space<vmem>>
        %dma_start3A_1148 = arith.constant 0 : i32
        %dma_start3A_1149 = tpu.memref_slice %arg3[%dma_start3A_1148, %multiple_of3A_1136] : memref<32x1000000xf32, #tpu.memory_space<hbm>> -> memref<8x128xf32, #tpu.memory_space<hbm>>
        tpu.enqueue_dma source(%dma_start3A_1149 : memref<8x128xf32, #tpu.memory_space<hbm>>) target(%dma_start3A_1147 : memref<8x128xf32, #tpu.memory_space<vmem>>) target_semaphore(%arg15 : memref<!tpu.dma_semaphore, #tpu.memory_space<semaphore_mem>>)
        %dma_start3A_1150 = arith.constant 7 : i32
        %dma_start3A_1151 = arith.constant 8 : i32
        %dma_start3A_1152 = arith.constant 0 : i32
        %dma_start3A_1153 = tpu.memref_slice %arg6[%dma_start3A_1150, %dma_start3A_1151, %dma_start3A_1152] : memref<8x32x128xf32, #tpu.memory_space<vmem>> -> memref<1x8x128xf32, #tpu.memory_space<vmem>>
        %dma_start3A_1154 = tpu.memref_squeeze %dma_start3A_1153 : memref<1x8x128xf32, #tpu.memory_space<vmem>> -> memref<8x128xf32, #tpu.memory_space<vmem>>
        %dma_start3A_1155 = arith.constant 8 : i32
        %dma_start3A_1156 = tpu.memref_slice %arg3[%dma_start3A_1155, %multiple_of3A_1136] : memref<32x1000000xf32, #tpu.memory_space<hbm>> -> memref<8x128xf32, #tpu.memory_space<hbm>>
        %dma_start3A_1157 = arith.constant 8 : i32
        %dma_start3A_1158 = arith.constant 0 : i32
        %dma_start3A_1159 = tpu.memref_slice %arg6[%dma_start3A_1150, %dma_start3A_1157, %dma_start3A_1158] : memref<8x32x128xf32, #tpu.memory_space<vmem>> -> memref<1x8x128xf32, #tpu.memory_space<vmem>>
        %dma_start3A_1160 = tpu.memref_squeeze %dma_start3A_1159 : memref<1x8x128xf32, #tpu.memory_space<vmem>> -> memref<8x128xf32, #tpu.memory_space<vmem>>
        %dma_start3A_1161 = arith.constant 8 : i32
        %dma_start3A_1162 = tpu.memref_slice %arg3[%dma_start3A_1161, %multiple_of3A_1136] : memref<32x1000000xf32, #tpu.memory_space<hbm>> -> memref<8x128xf32, #tpu.memory_space<hbm>>
        tpu.enqueue_dma source(%dma_start3A_1162 : memref<8x128xf32, #tpu.memory_space<hbm>>) target(%dma_start3A_1160 : memref<8x128xf32, #tpu.memory_space<vmem>>) target_semaphore(%arg15 : memref<!tpu.dma_semaphore, #tpu.memory_space<semaphore_mem>>)
        %dma_start3A_1163 = arith.constant 7 : i32
        %dma_start3A_1164 = arith.constant 16 : i32
        %dma_start3A_1165 = arith.constant 0 : i32
        %dma_start3A_1166 = tpu.memref_slice %arg6[%dma_start3A_1163, %dma_start3A_1164, %dma_start3A_1165] : memref<8x32x128xf32, #tpu.memory_space<vmem>> -> memref<1x8x128xf32, #tpu.memory_space<vmem>>
        %dma_start3A_1167 = tpu.memref_squeeze %dma_start3A_1166 : memref<1x8x128xf32, #tpu.memory_space<vmem>> -> memref<8x128xf32, #tpu.memory_space<vmem>>
        %dma_start3A_1168 = arith.constant 16 : i32
        %dma_start3A_1169 = tpu.memref_slice %arg3[%dma_start3A_1168, %multiple_of3A_1136] : memref<32x1000000xf32, #tpu.memory_space<hbm>> -> memref<8x128xf32, #tpu.memory_space<hbm>>
        %dma_start3A_1170 = arith.constant 16 : i32
        %dma_start3A_1171 = arith.constant 0 : i32
        %dma_start3A_1172 = tpu.memref_slice %arg6[%dma_start3A_1163, %dma_start3A_1170, %dma_start3A_1171] : memref<8x32x128xf32, #tpu.memory_space<vmem>> -> memref<1x8x128xf32, #tpu.memory_space<vmem>>
        %dma_start3A_1173 = tpu.memref_squeeze %dma_start3A_1172 : memref<1x8x128xf32, #tpu.memory_space<vmem>> -> memref<8x128xf32, #tpu.memory_space<vmem>>
        %dma_start3A_1174 = arith.constant 16 : i32
        %dma_start3A_1175 = tpu.memref_slice %arg3[%dma_start3A_1174, %multiple_of3A_1136] : memref<32x1000000xf32, #tpu.memory_space<hbm>> -> memref<8x128xf32, #tpu.memory_space<hbm>>
        tpu.enqueue_dma source(%dma_start3A_1175 : memref<8x128xf32, #tpu.memory_space<hbm>>) target(%dma_start3A_1173 : memref<8x128xf32, #tpu.memory_space<vmem>>) target_semaphore(%arg15 : memref<!tpu.dma_semaphore, #tpu.memory_space<semaphore_mem>>)
        %dma_start3A_1176 = arith.constant 7 : i32
        %dma_start3A_1177 = arith.constant 24 : i32
        %dma_start3A_1178 = arith.constant 0 : i32
        %dma_start3A_1179 = tpu.memref_slice %arg6[%dma_start3A_1176, %dma_start3A_1177, %dma_start3A_1178] : memref<8x32x128xf32, #tpu.memory_space<vmem>> -> memref<1x8x128xf32, #tpu.memory_space<vmem>>
        %dma_start3A_1180 = tpu.memref_squeeze %dma_start3A_1179 : memref<1x8x128xf32, #tpu.memory_space<vmem>> -> memref<8x128xf32, #tpu.memory_space<vmem>>
        %dma_start3A_1181 = arith.constant 24 : i32
        %dma_start3A_1182 = tpu.memref_slice %arg3[%dma_start3A_1181, %multiple_of3A_1136] : memref<32x1000000xf32, #tpu.memory_space<hbm>> -> memref<8x128xf32, #tpu.memory_space<hbm>>
        %dma_start3A_1183 = arith.constant 24 : i32
        %dma_start3A_1184 = arith.constant 0 : i32
        %dma_start3A_1185 = tpu.memref_slice %arg6[%dma_start3A_1176, %dma_start3A_1183, %dma_start3A_1184] : memref<8x32x128xf32, #tpu.memory_space<vmem>> -> memref<1x8x128xf32, #tpu.memory_space<vmem>>
        %dma_start3A_1186 = tpu.memref_squeeze %dma_start3A_1185 : memref<1x8x128xf32, #tpu.memory_space<vmem>> -> memref<8x128xf32, #tpu.memory_space<vmem>>
        %dma_start3A_1187 = arith.constant 24 : i32
        %dma_start3A_1188 = tpu.memref_slice %arg3[%dma_start3A_1187, %multiple_of3A_1136] : memref<32x1000000xf32, #tpu.memory_space<hbm>> -> memref<8x128xf32, #tpu.memory_space<hbm>>
        tpu.enqueue_dma source(%dma_start3A_1188 : memref<8x128xf32, #tpu.memory_space<hbm>>) target(%dma_start3A_1186 : memref<8x128xf32, #tpu.memory_space<vmem>>) target_semaphore(%arg15 : memref<!tpu.dma_semaphore, #tpu.memory_space<semaphore_mem>>)
      } else {
      }
    }
    %scan3A_600 = arith.constant 64 : i32
    "tpu.region"() ({
      %run_scoped3A = tpu.sem_alloc : memref<!tpu.dma_semaphore, #tpu.memory_space<semaphore_mem>>
      %dma_start3A_601 = arith.constant 0 : i32
      %dma_start3A_602 = tpu.memref_slice %arg4[%dma_start3A_601, %mul3A_2] : memref<32x16384xf32, #tpu.memory_space<hbm>> -> memref<32x512xf32, #tpu.memory_space<hbm>>
      %dma_start3A_603 = arith.constant 0 : i32
      %dma_start3A_604 = tpu.memref_slice %arg4[%dma_start3A_603, %mul3A_2] : memref<32x16384xf32, #tpu.memory_space<hbm>> -> memref<32x512xf32, #tpu.memory_space<hbm>>
      tpu.enqueue_dma source(%arg7 : memref<32x512xf32, #tpu.memory_space<vmem>>) target(%dma_start3A_604 : memref<32x512xf32, #tpu.memory_space<hbm>>) target_semaphore(%run_scoped3A : memref<!tpu.dma_semaphore, #tpu.memory_space<semaphore_mem>>)
      %dma_wait3A = arith.constant 0 : i32
      %dma_wait3A_605 = tpu.memref_slice %arg4[%dma_wait3A, %mul3A_2] : memref<32x16384xf32, #tpu.memory_space<hbm>> -> memref<32x512xf32, #tpu.memory_space<hbm>>
      %dma_wait3A_606 = arith.constant 0 : i32
      %dma_wait3A_607 = tpu.memref_slice %arg4[%dma_wait3A_606, %mul3A_2] : memref<32x16384xf32, #tpu.memory_space<hbm>> -> memref<32x512xf32, #tpu.memory_space<hbm>>
      tpu.wait_dma2 semaphore(%run_scoped3A : memref<!tpu.dma_semaphore, #tpu.memory_space<semaphore_mem>>) src(%arg7 : memref<32x512xf32, #tpu.memory_space<vmem>>) dst(%dma_wait3A_607 : memref<32x512xf32, #tpu.memory_space<hbm>>)
      tpu.yield
    }) : () -> ()
    return
  }
}

</mosaic_0001>

<sc_bundles>
// kernel: kernel.3.cloned.1.call-start
scs
__scs_entry_jumppad:
0x0: {  	(pc) =	sbr.rel $0x88, $3  }
0x1: {  	(tag) =	ssettag $0x0;
	lr =	simm.s32 $0x1  }
0x2: {  	[smem:$0x3F9F] =	sst lr;
	_ =	strace $0xD0000000  }
0x3: {  	_ = 	snop  }
0x4: {  	_ = 	snop  }
0x5: {  	_ = 	snop  }
0x6: {  	_ = 	snop  }
0x7: {  	_ = 	snop  }
__scs_overlays_trampoline_lowered:
0x8: {  	[smem:$0x3FAE] =	sst s0  }
0x9: {  	[smem:$0x3FAF] =	sst s1  }
0xa: {  	[smem:$0x3FB0] =	sst s2  }
0xb: {  	[smem:$0x3FB1] =	sst s3  }
0xc: {  	[smem:$0x3FB2] =	sst s4  }
0xd: {  	[smem:$0x3FB3] =	sst s5  }
0xe: {  	[smem:$0x3FB4] =	sst s6  }
0xf: {  	[smem:$0x3FB5] =	sst s7  }
0x10: {  	[smem:$0x3FB6] =	sst s8  }
0x11: {  	[smem:$0x3FB7] =	sst s9;
	s0 =	simm.s32 @!p0 $0x0  }
0x12: {  	s1 =	sld [smem:$0x3F9D];
	s0 =	simm.s32 @p0 $0x1  }
0x13: {  	[smem:$0x3FB8] =	sst s0;
	s0 =	simm.s32 @!p1 $0x0  }
0x14: {  	s2 =	sld [smem:$0x3F9C];
	s0 =	simm.s32 @p1 $0x1  }
0x15: {  	[smem:$0x3FB9] =	sst s0;
	s0 =	simm.s32 @!p2 $0x0  }
0x16: {  	s3 =	sld [smem:$0x3FDB];
	s0 =	simm.s32 @p2 $0x1  }
0x17: {  	s4 =	simm.s32 $0x1BF5;
	[smem:$0x3FBB] =	sst s0  }
0x18: {  	s0 =	sld [smem:$0x3F9E];
	_ =	swait.ge [sflag:s4], $0x0  }
0x19: {  	s7 =	sld [smem:$0x3F9F]  }
0x1a: {  	s8 =	sadd.s32 $0xFFFFE003, lr  }
0x1b: {  	s9 =	sadd.s32 $0xFFFFFEF7, lr;
	s5 =	simm.s32 $0xFFFFFFFF;
	p2 =	slt.u32 s8, $0xFFFFF086  }
0x1c: {  	p1 =	slt.u32 s9, $0xF7A;
	s5 =	simm.s32 @!p2 $0x0  }
0x1d: {  	s5 =	simm.s32 @p1 $0x1;
	p0 =	seq.s32 s7, s2  }
0x1e: {  	s7 =	smul.u32 @!p0 $0xF7A, s2;
	p2 =	seq.s32 @!p0 s5, $0x0  }
0x1f: {  	s9 =	smul.u32 $0xF7A, s1;
	s8 =	simm.s32 @!p0 $0x1BF5;
	p2 =	por !p2, p0  }
0x20: {  	[sflag:s8] =	ssyncset.s32 @!p0 $0xFFFFF086;
	s6 =	sadd.s32 @!p0 s3, s7;
	s7 =	simm.s32 @!p0 $0x108  }
0x21: {  	s3 =	sadd.s32 s3, s9;
	s6 =	sadd.s32 @!p0 $0x88, s6;
	s7 =	simm.s32 @p2 $0x1082  }
0x22: {  	[simem:s7], [sflag:s8] =	dma.local @!p0 [hbm:s6], $0xF7A  }
0x23: {  	s9 =	sor.u32 $0xD0000000, s2;
	s6 =	simm.s32 $0x108;
	_ =	swait.ge @!p0 [sflag:s8], $0x0  }
0x24: {  	s3 =	sadd.s32 $0x88, s3;
	s6 =	simm.s32 @!p1 $0x1082;
	[sflag:s4] =	ssyncset.s32 $0xFFFFF086  }
0x25: {  	[simem:s6], [sflag:s4] =	dma.local [hbm:s3], $0xF7A  }
0x26: {  	[smem:$0x3F9F] =	sst s1;
	(tag) =	ssettag s2;
	_ =	strace s9  }
0x27: {  	s1 =	sld [smem:$0x3FAF]  }
0x28: {  	s2 =	sld [smem:$0x3FB0]  }
0x29: {  	s4 =	sld [smem:$0x3FB2]  }
0x2a: {  	p0 =	seq.s32 s5, $0x0;
	s5 =	sld [smem:$0x3FB3]  }
0x2b: {  	s6 =	sld [smem:$0x3FB4]  }
0x2c: {  	s7 =	sld [smem:$0x3FB5]  }
0x2d: {  	s3 =	simm.s32 $0x108;
	s8 =	sld [smem:$0x3FB6]  }
0x2e: {  	s3 =	simm.s32 @!p0 $0x1082;
	s9 =	sld [smem:$0x3FB7]  }
0x2f: {  	lr =	sadd.s32 s0, s3;
	s0 =	sld [smem:$0x3FAE]  }
0x30: {  	s3 =	sld [smem:$0x3FB1]  }
0x31: {  	[smem:$0x3FBA] =	sst s10  }
0x32: {  	s10 =	sld [smem:$0x3FB8];
	_ =	sdelay $0x3  }
0x33: {  	p0 =	seq.s32 s10, $0x1;
	s10 =	sld [smem:$0x3FBA];
	_ =	sdelay $0x3  }
0x34: {  	[smem:$0x3FBA] =	sst s10  }
0x35: {  	s10 =	sld [smem:$0x3FB9];
	_ =	sdelay $0x3  }
0x36: {  	p1 =	seq.s32 s10, $0x1;
	s10 =	sld [smem:$0x3FBA];
	_ =	sdelay $0x3  }
0x37: {  	[smem:$0x3FBA] =	sst s10  }
0x38: {  	s10 =	sld [smem:$0x3FBB]  }
0x39: {  	_ = 	snop;
	(pc) =	sbr.ind lr, $3  }
0x3a: {  	_ = 	snop  }
0x3b: {  	_ = 	snop  }
0x3c: {  	p2 =	seq.s32 s10, $0x1;
	s10 =	sld [smem:$0x3FBA]  }
0x3d: {  	_ =	shalt  }
0x3e: {  	_ =	shalt  }
0x3f: {  	_ =	shalt  }
0x40: {  	_ =	shalt  }
0x41: {  	_ =	shalt  }
0x42: {  	_ =	shalt  }
0x43: {  	_ =	shalt  }
0x44: {  	_ =	shalt  }
0x45: {  	_ =	shalt  }
0x46: {  	_ =	shalt  }
0x47: {  	_ =	shalt  }
0x48: {  	_ =	shalt  }
0x49: {  	_ =	shalt  }
0x4a: {  	_ =	shalt  }
0x4b: {  	_ =	shalt  }
0x4c: {  	_ =	shalt  }
0x4d: {  	_ =	shalt  }
0x4e: {  	_ =	shalt  }
0x4f: {  	_ =	shalt  }
0x50: {  	_ =	shalt  }
0x51: {  	_ =	shalt  }
0x52: {  	_ =	shalt  }
0x53: {  	_ =	shalt  }
0x54: {  	_ =	shalt  }
0x55: {  	_ =	shalt  }
0x56: {  	_ =	shalt  }
0x57: {  	_ =	shalt  }
0x58: {  	_ =	shalt  }
0x59: {  	_ =	shalt  }
0x5a: {  	_ =	shalt  }
0x5b: {  	_ =	shalt  }
0x5c: {  	_ =	shalt  }
0x5d: {  	_ =	shalt  }
0x5e: {  	_ =	shalt  }
0x5f: {  	_ =	shalt  }
0x60: {  	_ =	shalt  }
0x61: {  	_ =	shalt  }
0x62: {  	_ =	shalt  }
0x63: {  	_ =	shalt  }
0x64: {  	_ =	shalt  }
0x65: {  	_ =	shalt  }
0x66: {  	_ =	shalt  }
0x67: {  	_ =	shalt  }
0x68: {  	_ =	shalt  }
0x69: {  	_ =	shalt  }
0x6a: {  	_ =	shalt  }
0x6b: {  	_ =	shalt  }
0x6c: {  	_ =	shalt  }
0x6d: {  	_ =	shalt  }
0x6e: {  	_ =	shalt  }
0x6f: {  	_ =	shalt  }
0x70: {  	_ =	shalt  }
0x71: {  	_ =	shalt  }
0x72: {  	_ =	shalt  }
0x73: {  	_ =	shalt  }
0x74: {  	_ =	shalt  }
0x75: {  	_ =	shalt  }
0x76: {  	_ =	shalt  }
0x77: {  	_ =	shalt  }
0x78: {  	_ =	shalt  }
0x79: {  	_ =	shalt  }
0x7a: {  	_ =	shalt  }
0x7b: {  	_ =	shalt  }
0x7c: {  	_ =	shalt  }
0x7d: {  	_ =	shalt  }
0x7e: {  	_ =	shalt  }
0x7f: {  	_ =	shalt  }
0x80: {  	_ =	shalt  }
0x81: {  	_ =	shalt  }
0x82: {  	_ =	shalt  }
0x83: {  	_ =	shalt  }
0x84: {  	_ =	shalt  }
0x85: {  	_ =	shalt  }
0x86: {  	_ =	shalt  }
0x87: {  	_ =	shalt  }
.Lfunc_end0:
.L_simem_size_0:
called_computation_lowered:
.L_overlay_start_0:
0x88: {  	s2 =	sld [smem:$0x3FD9]  }
0x89: {  	s3 =	sld [smem:$0x3FFE];
	_ =	sdelay $0x1  }
0x8a: {  	s1 =	srdreg.scid  }
0x8b: {  	s0 =	sand.u32 $0x1, s1  }
0x8c: {  	s18 =	sshll.u32 s0, $0xA;
	s2 =	sadd.s32 s3, s2  }
0x8d: {  	s2 =	sadd.s32 s2, s18  }
0x8e: {  	[smem:$0x3FC6] =	sst s2  }
0x8f: {  	_ = 	snop  }
0x90: {  	s2 =	sld [smem:$0x3FC9]  }
0x91: {  	s19 =	sld [smem:$0x3FC8]  }
0x92: {  	s4 =	sld [smem:$0x3FD0];
	(tm) =	ssettm $0x1  }
0x93: {  	s5 =	sld [smem:$0x3FFB];
	_ =	sdelay $0x3  }
0x94: {  	_ =	strace s5  }
0x95: {  	s5 =	sld [smem:$0x3FFC];
	_ =	sdelay $0x3  }
0x96: {  	_ =	strace s5  }
0x97: {  	s5 =	sld [smem:$0x3FFD];
	_ =	sdelay $0x3  }
0x98: {  	_ =	strace s5  }
0x99: {  	_ =	strace $0x8FFFFFFF  }
0x9a: {  	s20 =	sld [smem:$0x3FDB];
	_ =	sdelay $0x1  }
0x9b: {  	s6 =	simm.s32 $_scs_section_size  }
0x9c: {  	s7 =	simm.s32 $_size__tile_overlayer_lowered;
	s8 =	simm.s32 $_tile_overlayer_lowered  }
0x9d: {  	s23 =	simm.s32 $0x1BFF;
	s22 =	sshll.u32 s8, $0x1;
	s5 =	sadd.s32 s6, s20  }
0x9e: {  	s9 =	simm.s32 $0x0;
	s21 =	sshll.u32 s7, $0x1;
	s7 =	sadd.s32 s22, s5  }
0x9f: {  	[timem:s9], [sflag:s23] =	dma.local [hbm:s7], s21  }
0xa0: {  	_ =	swait.ge [sflag:s23], s21  }
0xa1: {  	s6 =	ssub.s32 $0x0, s21;
	[sflag:s23] =	ssyncset.done $0x0  }
0xa2: {  	[sflag:s23] =	ssyncadd.s32 s6;
	_ =	sdelay $0x1  }
0xa3: {  	s24 =	simm.s32 $0x1B8B  }
0xa4: {  	_ =	swait.ge [sflag:s24], $0x1  }
0xa5: {  	[sflag:s24] =	ssyncset.done $0x0  }
0xa6: {  	s25 =	simm.s32 $0x1B8E;
	[sflag:s24] =	ssyncadd.s32 $0xFFFFFFFF  }
0xa7: {  	s26 =	simm.s32 $execute0_lowered;
	[smem:$0x3FD2] =	sst s25  }
0xa8: {  	s6 =	sshll.u32 s26, $0x1;
	_ =	strace $0x80000046;
	[dreg:$0x1] =	wrdreg $0xFFFFFFFF  }
0xa9: {  	s28 =	simm.s32 $_size_execute0_lowered;
	s5 =	sadd.s32 s5, s6;
	[dreg:$0x0] =	wrdreg $0x0  }
0xaa: {  	s6 =	sshll.u32 s28, $0x1;
	[dreg:$0x2] =	wrdreg s5  }
0xab: {  	[dreg:$0x3] =	wrdreg s6  }
0xac: {  	[dreg:$0x4] =	wrdreg $0xC0  }
0xad: {  	_ =	task [dreg:s9], $0x5FFFF  }
0xae: {  	[dreg:$0x1] =	wrdreg $0xFFFFFFFF  }
0xaf: {  	[dreg:$0x0] =	wrdreg $0x60  }
0xb0: {  	[dreg:$0x2] =	wrdreg s2  }
0xb1: {  	[dreg:$0x3] =	wrdreg s19  }
0xb2: {  	[dreg:$0x4] =	wrdreg s4  }
0xb3: {  	[dreg:$0x5] =	wrdreg $0x9  }
0xb4: {  	_ =	task.clear_ibuf [dreg:s9], $0x6FFFF;
	_ =	strace $0x90000046  }
0xb5: {  	s29 =	simm.s32 $0x9;
	_ =	strace $0x80000048  }
0xb6: {  	_ =	swait.ge [sflag:s29], $0x1  }
0xb7: {  	[sflag:s29] =	ssyncadd.s32 $0xFFFFFFFF  }
0xb8: {  	_ =	strace $0x90000048  }
0xb9: {  	_ =	sfence  }
0xba: {  	s30 =	sld [smem:$0x0];
	_ =	sdelay $0x2  }
0xbb: {  	s31 =	sshll.u32 s1, $0xD;
	s1 =	sshrl.u32 s1, $0x2  }
0xbc: {  	s3 =	sand.u32 $0x4000, s31;
	s1 =	sadd.s32 s1, s30  }
0xbd: {  	s0 =	sor.u32 s3, s0;
	s1 =	sshll.u32 s1, $0x11  }
0xbe: {  	s0 =	sor.u32 s1, s0  }
0xbf: {  	s0 =	sadd.s32 $0x8F2B, s0  }
0xc0: {  	[sflag:s0] =	ssyncadd.remote.s32 $0x1  }
0xc1: {  	_ =	sfence.sel $0xFFFF  }
0xc2: {  	[dreg:$0x0] =	wrdreg $0xFFFFFFFF;
	(pc) =	sbr.abs _section_cstart, $3  }
0xc3: {  	[dreg:$0x1] =	wrdreg $0xFFFFFFFF  }
0xc4: {  	_ =	task.clear_ibuf [dreg:s9], $0x2FFFF;
	_ =	strace $0x9FFFFFFF  }
0xc5: {  	(tm) =	ssettm $0x7FFFFFFF  }
tec
execute0_lowered:
.L_overlay_start_1:
0x0: {  	(tag) =	ssettag $0x1  }
0x1: {  	vm0 =	vmmov $0x1  }
0x2: {  	vm1 =	vcmask $0x308;
	vm2 =	vcmask $0x70C;
	vm3 =	vcmask $0xB10  }
0x3: {  	vm4 =	vcmask $0xF14;
	vm5 =	vcmask $0x1318;
	v0 =	vlaneseq.u32  }
0x4: {  	v2 =	vimm.s32 $0x1380;
	vm6 =	vcmask $0x300;
	vm7 =	vcmask $0x704  }
0x5: {  	s0 =	rddreg [dreg:$0x0];
	v3 =	vimm.s32 $0x3380;
	vm8 =	vcmask $0x3B38;
	v1 =	vmul.u32 $0x80, v0  }
0x6: {  	s1 =	rddreg [dreg:$0x1];
	v2 =	vsel vm6, $0x0, v2;
	v3 =	vsel vm6, $0x2000, v3;
	vm6 =	vcmask $0xB08  }
0x7: {  	s2 =	rddreg [dreg:$0x2];
	s4 =	srdreg.scid;
	s3 =	simm.s32 $0x0;
	v2 =	vsel vm7, $0x80, v2;
	v3 =	vsel vm7, $0x2080, v3;
	vm7 =	vcmask $0xF0C  }
0x8: {  	s6 =	stileid.u32;
	s8 =	simm.s32 $0x200;
	s12 =	simm.s32 $0x1200;
	v2 =	vsel vm6, $0x100, v2;
	v3 =	vsel vm6, $0x2100, v3;
	vm6 =	vcmask $0x1310  }
0x9: {  	s16 =	simm.s32 $0x2200;
	s20 =	simm.s32 $0x3200;
	s24 =	simm.s32 $0x4200;
	v4 =	vor.u32 $0x800, v1;
	v2 =	vsel vm7, $0x180, v2;
	v3 =	vsel vm7, $0x2180, v3  }
0xa: {  	s29 =	simm.s32 $0x5200;
	s13 =	simm.s32 $0x7200;
	s14 =	simm.s32 $0x7600;
	vm7 =	vcmask $0x1714;
	v2 =	vsel vm6, $0x200, v2;
	v3 =	vsel vm6, $0x2200, v3  }
0xb: {  	s15 =	simm.s32 $0x7A00;
	s17 =	simm.s32 $0x7E00;
	s18 =	simm.s32 $0x1;
	vm6 =	vcmask $0x1B18;
	v2 =	vsel vm7, $0x280, v2;
	v3 =	vsel vm7, $0x2280, v3  }
0xc: {  	s19 =	simm.s32 $0x8200;
	s21 =	simm.s32 $0x2;
	s22 =	simm.s32 $0x3;
	vm7 =	vcmask $0x1F1C;
	v2 =	vsel vm6, $0x300, v2;
	v3 =	vsel vm6, $0x2300, v3  }
0xd: {  	s23 =	simm.s32 $0x4;
	s25 =	simm.s32 $0x5;
	s26 =	simm.s32 $0x6;
	vm6 =	vcmask $0x2320;
	v2 =	vsel vm7, $0x380, v2;
	v3 =	vsel vm7, $0x2380, v3  }
0xe: {  	s28 =	simm.s32 $0x7;
	s30 =	simm.s32 $0x8;
	s9 =	simm.s32 $0x0;
	vm7 =	vcmask $0x2724;
	v2 =	vsel vm6, $0x1000, v2;
	v3 =	vsel vm6, $0x3000, v3  }
0xf: {  	s4 =	sand.u32 $0x1, s4;
	s6 =	sshll.u32 s6, $0xA;
	[smem:$0x7FF] =	sst s3;
	vm6 =	vcmask $0x2B28;
	v2 =	vsel vm7, $0x1080, v2;
	v3 =	vsel vm7, $0x3080, v3  }
.Ltmp0:
0x10: {  	s5 =	ssub.s32 $0x2, s4;
	s4 =	sshll.u32 s4, $0x9;
	vm7 =	vcmask $0x2F2C;
	v2 =	vsel vm6, $0x1100, v2;
	v3 =	vsel vm6, $0x3100, v3;
	(pc) =	sbr.rel .LBB2_1-.Ltmp0, $4  }
0x11: {  	_ =	strace $0x80000047;
	s7 =	sshrl.u32 s5, $0x1;
	s6 =	sor.u32 s4, s6;
	vm6 =	vcmask $0x3330;
	v2 =	vsel vm7, $0x1180, v2;
	v3 =	vsel vm7, $0x3180, v3  }
0x12: {  	s7 =	ssub.s32 s5, s7;
	s4 =	sshrl.u32 s6, $0x3;
	s31 =	sadd.s32 s2, s6;
	vm7 =	vcmask $0x3734;
	v2 =	vsel vm6, $0x1200, v2;
	v3 =	vsel vm6, $0x3200, v3  }
0x13: {  	s2 =	simm.s32 $0x6200;
	s0 =	sadd.s32 s0, s4;
	[dreg:$0x5] =	wrdreg s31;
	vm6 =	vcmask $0x171C;
	v2 =	vsel vm7, $0x1280, v2;
	v3 =	vsel vm7, $0x3280, v3  }
0x14: {  	s6 =	smax.u32 s7, $0x1;
	s7 =	simm.s32 $0x9;
	[dreg:$0x4] =	wrdreg s0;
	vm7 =	vcmask $0x1B20;
	v2 =	vsel vm8, $0x1300, v2;
	v3 =	vsel vm8, $0x3300, v3  }
.LBB2_4:
0x15: {  	s9 =	sadd.s32 $0x1, s9  }
0x16: {  	s0 =	rddreg [dreg:$0x5];
	p0 =	sne.s32 s9, s6  }
.Ltmp1:
0x17: {  	s4 =	simm.s32 $0x1000;
	s5 =	simm.s32 $0x20000;
	(pc) =	sbr.rel @!p0 .LBB2_5-.Ltmp1, $4  }
0x18: {  	[hbm4b:s0+s4] =	stream.strided.scatter [tilespmem:s19], [sflag:$0x9], $0x4000, s5, s4, $0x38;
	[tilespmem:$0xC200] =	vst v63  }
0x19: {  	_ =	swait.ge [sflag:s7], $0x4000  }
0x1a: {  	[sflag:s7] =	ssyncset.done $0x0  }
0x1b: {  	[sflag:s7] =	ssyncadd.s32 $0xFFFFC000  }
.LBB2_1:
0x1c: {  	s0 =	rddreg [dreg:$0x4]  }
0x1d: {  	[tilespmem:s3], [sflag:$0x9] =	stream.linear.gather [hbm4b:s0+s3], $0x200, $0x38;
	[tilespmem:$0xC200] =	vst v63  }
0x1e: {  	_ =	swait.ge [sflag:s7], $0x200  }
0x1f: {  	[sflag:s7] =	ssyncset.done $0x0  }
0x20: {  	[sflag:s7] =	ssyncadd.s32 $0xFFFFFE00  }
0x21: {  	v5 =	vld [tilespmem:$0x0];
	_ =	sdelay $0x4  }
0x22: {  	v5 =	vnsel vm0, $0xFFFFFFFF, v5  }
0x23: {  	v5 =	vxor.u32 $0x80000000, v5  }
0x24: {  	(xrf0) =	vmax.scan.msk.u32 $0xffff, v5;
	_ =	sdelay $0x5  }
0x25: {  	v5, _, _ =	vpop (xrf0)  }
0x26: {  	(v2sf) =	vpush v5, $0xF;
	_ =	sdelay $0xe  }
0x27: {  	s10 =	spop (v2sf)  }
0x28: {  	s10 =	sshll.u32 s10, $0x3  }
0x29: {  	s10 =	sand.u32 $0xFFFFFC00, s10  }
0x2a: {  	s11 =	sshrl.u32 s10, $0x3  }
0x2b: {  	s5 =	sadd.s32 $0x7A1400, s10;
	s11 =	sadd.s32 s1, s11  }
0x2c: {  	[tilespmem:s8], [sflag:$0x1] =	stream.linear.gather [hbm4b:s11+s3], $0x400, $0x38;
	[tilespmem:$0xC200] =	vst v63  }
0x2d: {  	s11 =	sshrl.u32 s5, $0x3  }
0x2e: {  	s31 =	simm.s32 $0x600;
	s4 =	sadd.s32 $0xF42800, s10;
	s11 =	sadd.s32 s1, s11  }
0x2f: {  	[tilespmem:s31], [sflag:$0x1] =	stream.linear.gather [hbm4b:s11+s3], $0x400, $0x38;
	[tilespmem:$0xC200] =	vst v63  }
0x30: {  	s10 =	sadd.s32 $0x16E3C00, s10;
	s11 =	sshrl.u32 s4, $0x3  }
0x31: {  	s10 =	sshrl.u32 s10, $0x3;
	s5 =	simm.s32 $0xA00;
	s11 =	sadd.s32 s1, s11  }
0x32: {  	[tilespmem:s5], [sflag:$0x1] =	stream.linear.gather [hbm4b:s11+s3], $0x400, $0x38;
	[tilespmem:$0xC200] =	vst v63  }
0x33: {  	s10 =	sadd.s32 s1, s10;
	s31 =	simm.s32 $0xE00  }
0x34: {  	[tilespmem:s31], [sflag:$0x1] =	stream.linear.gather [hbm4b:s10+s3], $0x400, $0x38;
	[tilespmem:$0xC200] =	vst v63  }
0x35: {  	v5 =	vld [tilespmem:$0x0];
	_ =	sdelay $0x4  }
0x36: {  	v5 =	vsel vm1, $0xFFFFFFFF, v5  }
0x37: {  	v5 =	vxor.u32 $0x80000000, v5  }
0x38: {  	(xrf0) =	vmax.scan.msk.u32 $0xffff, v5;
	_ =	sdelay $0x5  }
0x39: {  	v5, _, _ =	vpop (xrf0)  }
0x3a: {  	(v2sf) =	vpush v5, $0xF;
	_ =	sdelay $0xe  }
0x3b: {  	s0 =	spop (v2sf)  }
0x3c: {  	s10 =	sshll.u32 s0, $0x3  }
0x3d: {  	s10 =	sand.u32 $0xFFFFFC00, s10  }
0x3e: {  	s4 =	sshrl.u32 s10, $0x3  }
0x3f: {  	s5 =	sadd.s32 $0x7A1400, s10;
	s11 =	sadd.s32 s1, s4  }
0x40: {  	[tilespmem:s12], [sflag:$0x2] =	stream.linear.gather [hbm4b:s11+s3], $0x400, $0x38;
	[tilespmem:$0xC200] =	vst v63  }
0x41: {  	s11 =	sshrl.u32 s5, $0x3  }
0x42: {  	s31 =	simm.s32 $0x1600;
	s4 =	sadd.s32 $0xF42800, s10;
	s11 =	sadd.s32 s1, s11  }
0x43: {  	[tilespmem:s31], [sflag:$0x2] =	stream.linear.gather [hbm4b:s11+s3], $0x400, $0x38;
	[tilespmem:$0xC200] =	vst v63  }
0x44: {  	s10 =	sadd.s32 $0x16E3C00, s10;
	s11 =	sshrl.u32 s4, $0x3  }
0x45: {  	s5 =	simm.s32 $0x1A00;
	s10 =	sshrl.u32 s10, $0x3;
	s11 =	sadd.s32 s1, s11  }
0x46: {  	[tilespmem:s5], [sflag:$0x2] =	stream.linear.gather [hbm4b:s11+s3], $0x400, $0x38;
	[tilespmem:$0xC200] =	vst v63  }
0x47: {  	s10 =	sadd.s32 s1, s10;
	s31 =	simm.s32 $0x1E00  }
0x48: {  	[tilespmem:s31], [sflag:$0x2] =	stream.linear.gather [hbm4b:s10+s3], $0x400, $0x38;
	[tilespmem:$0xC200] =	vst v63  }
0x49: {  	v5 =	vld [tilespmem:$0x0];
	_ =	sdelay $0x4  }
0x4a: {  	v5 =	vsel vm2, $0xFFFFFFFF, v5  }
0x4b: {  	v5 =	vxor.u32 $0x80000000, v5  }
0x4c: {  	(xrf0) =	vmax.scan.msk.u32 $0xffff, v5;
	_ =	sdelay $0x5  }
0x4d: {  	v5, _, _ =	vpop (xrf0)  }
0x4e: {  	(v2sf) =	vpush v5, $0xF;
	_ =	sdelay $0xe  }
0x4f: {  	s0 =	spop (v2sf)  }
0x50: {  	s10 =	sshll.u32 s0, $0x3  }
0x51: {  	s10 =	sand.u32 $0xFFFFFC00, s10  }
0x52: {  	s4 =	sshrl.u32 s10, $0x3  }
0x53: {  	s5 =	sadd.s32 $0x7A1400, s10;
	s11 =	sadd.s32 s1, s4  }
0x54: {  	[tilespmem:s16], [sflag:$0x3] =	stream.linear.gather [hbm4b:s11+s3], $0x400, $0x38;
	[tilespmem:$0xC200] =	vst v63  }
0x55: {  	s11 =	sshrl.u32 s5, $0x3  }
0x56: {  	s31 =	simm.s32 $0x2600;
	s4 =	sadd.s32 $0xF42800, s10;
	s11 =	sadd.s32 s1, s11  }
0x57: {  	[tilespmem:s31], [sflag:$0x3] =	stream.linear.gather [hbm4b:s11+s3], $0x400, $0x38;
	[tilespmem:$0xC200] =	vst v63  }
0x58: {  	s10 =	sadd.s32 $0x16E3C00, s10;
	s11 =	sshrl.u32 s4, $0x3  }
0x59: {  	s5 =	simm.s32 $0x2A00;
	s10 =	sshrl.u32 s10, $0x3;
	s11 =	sadd.s32 s1, s11  }
0x5a: {  	[tilespmem:s5], [sflag:$0x3] =	stream.linear.gather [hbm4b:s11+s3], $0x400, $0x38;
	[tilespmem:$0xC200] =	vst v63  }
0x5b: {  	s10 =	sadd.s32 s1, s10;
	s31 =	simm.s32 $0x2E00  }
0x5c: {  	[tilespmem:s31], [sflag:$0x3] =	stream.linear.gather [hbm4b:s10+s3], $0x400, $0x38;
	[tilespmem:$0xC200] =	vst v63  }
0x5d: {  	v5 =	vld [tilespmem:$0x0];
	_ =	sdelay $0x4  }
0x5e: {  	v5 =	vsel vm3, $0xFFFFFFFF, v5  }
0x5f: {  	v5 =	vxor.u32 $0x80000000, v5  }
0x60: {  	(xrf0) =	vmax.scan.msk.u32 $0xffff, v5;
	_ =	sdelay $0x5  }
0x61: {  	v5, _, _ =	vpop (xrf0)  }
0x62: {  	(v2sf) =	vpush v5, $0xF;
	_ =	sdelay $0xe  }
0x63: {  	s0 =	spop (v2sf)  }
0x64: {  	s10 =	sshll.u32 s0, $0x3  }
0x65: {  	s10 =	sand.u32 $0xFFFFFC00, s10  }
0x66: {  	s4 =	sshrl.u32 s10, $0x3  }
0x67: {  	s5 =	sadd.s32 $0x7A1400, s10;
	s11 =	sadd.s32 s1, s4  }
0x68: {  	[tilespmem:s20], [sflag:$0x4] =	stream.linear.gather [hbm4b:s11+s3], $0x400, $0x38;
	[tilespmem:$0xC200] =	vst v63  }
0x69: {  	s11 =	sshrl.u32 s5, $0x3  }
0x6a: {  	s31 =	simm.s32 $0x3600;
	s4 =	sadd.s32 $0xF42800, s10;
	s11 =	sadd.s32 s1, s11  }
0x6b: {  	[tilespmem:s31], [sflag:$0x4] =	stream.linear.gather [hbm4b:s11+s3], $0x400, $0x38;
	[tilespmem:$0xC200] =	vst v63  }
0x6c: {  	s10 =	sadd.s32 $0x16E3C00, s10;
	s11 =	sshrl.u32 s4, $0x3  }
0x6d: {  	s5 =	simm.s32 $0x3A00;
	s10 =	sshrl.u32 s10, $0x3;
	s11 =	sadd.s32 s1, s11  }
0x6e: {  	[tilespmem:s5], [sflag:$0x4] =	stream.linear.gather [hbm4b:s11+s3], $0x400, $0x38;
	[tilespmem:$0xC200] =	vst v63  }
0x6f: {  	s10 =	sadd.s32 s1, s10;
	s31 =	simm.s32 $0x3E00  }
0x70: {  	[tilespmem:s31], [sflag:$0x4] =	stream.linear.gather [hbm4b:s10+s3], $0x400, $0x38;
	[tilespmem:$0xC200] =	vst v63  }
0x71: {  	v5 =	vld [tilespmem:$0x0];
	_ =	sdelay $0x4  }
0x72: {  	v5 =	vsel vm4, $0xFFFFFFFF, v5  }
0x73: {  	v5 =	vxor.u32 $0x80000000, v5  }
0x74: {  	(xrf0) =	vmax.scan.msk.u32 $0xffff, v5;
	_ =	sdelay $0x5  }
0x75: {  	v5, _, _ =	vpop (xrf0)  }
0x76: {  	(v2sf) =	vpush v5, $0xF;
	_ =	sdelay $0xe  }
0x77: {  	s0 =	spop (v2sf)  }
0x78: {  	s10 =	sshll.u32 s0, $0x3  }
0x79: {  	s10 =	sand.u32 $0xFFFFFC00, s10  }
0x7a: {  	s4 =	sshrl.u32 s10, $0x3  }
0x7b: {  	s5 =	sadd.s32 $0x7A1400, s10;
	s11 =	sadd.s32 s1, s4  }
0x7c: {  	[tilespmem:s24], [sflag:$0x5] =	stream.linear.gather [hbm4b:s11+s3], $0x400, $0x38;
	[tilespmem:$0xC200] =	vst v63  }
0x7d: {  	s11 =	sshrl.u32 s5, $0x3  }
0x7e: {  	s31 =	simm.s32 $0x4600;
	s4 =	sadd.s32 $0xF42800, s10;
	s11 =	sadd.s32 s1, s11  }
0x7f: {  	[tilespmem:s31], [sflag:$0x5] =	stream.linear.gather [hbm4b:s11+s3], $0x400, $0x38;
	[tilespmem:$0xC200] =	vst v63  }
0x80: {  	s10 =	sadd.s32 $0x16E3C00, s10;
	s11 =	sshrl.u32 s4, $0x3  }
0x81: {  	s5 =	simm.s32 $0x4A00;
	s10 =	sshrl.u32 s10, $0x3;
	s11 =	sadd.s32 s1, s11  }
0x82: {  	[tilespmem:s5], [sflag:$0x5] =	stream.linear.gather [hbm4b:s11+s3], $0x400, $0x38;
	[tilespmem:$0xC200] =	vst v63  }
0x83: {  	s10 =	sadd.s32 s1, s10;
	s31 =	simm.s32 $0x4E00  }
0x84: {  	[tilespmem:s31], [sflag:$0x5] =	stream.linear.gather [hbm4b:s10+s3], $0x400, $0x38;
	[tilespmem:$0xC200] =	vst v63  }
0x85: {  	v5 =	vld [tilespmem:$0x0];
	_ =	sdelay $0x4  }
0x86: {  	v5 =	vsel vm5, $0xFFFFFFFF, v5  }
0x87: {  	v5 =	vxor.u32 $0x80000000, v5  }
0x88: {  	(xrf0) =	vmax.scan.msk.u32 $0xffff, v5;
	_ =	sdelay $0x5  }
0x89: {  	v5, _, _ =	vpop (xrf0)  }
0x8a: {  	(v2sf) =	vpush v5, $0xF;
	_ =	sdelay $0xe  }
0x8b: {  	s0 =	spop (v2sf)  }
0x8c: {  	s10 =	sshll.u32 s0, $0x3  }
0x8d: {  	s10 =	sand.u32 $0xFFFFFC00, s10  }
0x8e: {  	s4 =	sshrl.u32 s10, $0x3  }
0x8f: {  	s5 =	sadd.s32 $0x7A1400, s10;
	s11 =	sadd.s32 s1, s4  }
0x90: {  	[tilespmem:s29], [sflag:$0x6] =	stream.linear.gather [hbm4b:s11+s3], $0x400, $0x38;
	[tilespmem:$0xC200] =	vst v63  }
0x91: {  	s11 =	sshrl.u32 s5, $0x3  }
0x92: {  	s31 =	simm.s32 $0x5600;
	s4 =	sadd.s32 $0xF42800, s10;
	s11 =	sadd.s32 s1, s11  }
0x93: {  	[tilespmem:s31], [sflag:$0x6] =	stream.linear.gather [hbm4b:s11+s3], $0x400, $0x38;
	[tilespmem:$0xC200] =	vst v63  }
0x94: {  	s10 =	sadd.s32 $0x16E3C00, s10;
	s11 =	sshrl.u32 s4, $0x3  }
0x95: {  	s5 =	simm.s32 $0x5A00;
	s10 =	sshrl.u32 s10, $0x3;
	s11 =	sadd.s32 s1, s11  }
0x96: {  	[tilespmem:s5], [sflag:$0x6] =	stream.linear.gather [hbm4b:s11+s3], $0x400, $0x38;
	[tilespmem:$0xC200] =	vst v63  }
0x97: {  	s10 =	sadd.s32 s1, s10;
	s31 =	simm.s32 $0x5E00  }
0x98: {  	[tilespmem:s31], [sflag:$0x6] =	stream.linear.gather [hbm4b:s10+s3], $0x400, $0x38;
	[tilespmem:$0xC200] =	vst v63  }
0x99: {  	v5 =	vld [tilespmem:$0x0];
	_ =	sdelay $0x4  }
0x9a: {  	v5 =	vsel vm6, $0xFFFFFFFF, v5  }
0x9b: {  	v5 =	vxor.u32 $0x80000000, v5  }
0x9c: {  	(xrf0) =	vmax.scan.msk.u32 $0xffff, v5;
	_ =	sdelay $0x5  }
0x9d: {  	v5, _, _ =	vpop (xrf0)  }
0x9e: {  	(v2sf) =	vpush v5, $0xF;
	_ =	sdelay $0xe  }
0x9f: {  	s0 =	spop (v2sf)  }
0xa0: {  	s10 =	sshll.u32 s0, $0x3  }
0xa1: {  	s10 =	sand.u32 $0xFFFFFC00, s10  }
0xa2: {  	s4 =	sshrl.u32 s10, $0x3  }
0xa3: {  	s5 =	sadd.s32 $0x7A1400, s10;
	s11 =	sadd.s32 s1, s4  }
0xa4: {  	[tilespmem:s2], [sflag:$0x7] =	stream.linear.gather [hbm4b:s11+s3], $0x400, $0x38;
	[tilespmem:$0xC200] =	vst v63  }
0xa5: {  	s11 =	sshrl.u32 s5, $0x3  }
0xa6: {  	s31 =	simm.s32 $0x6600;
	s4 =	sadd.s32 $0xF42800, s10;
	s11 =	sadd.s32 s1, s11  }
0xa7: {  	[tilespmem:s31], [sflag:$0x7] =	stream.linear.gather [hbm4b:s11+s3], $0x400, $0x38;
	[tilespmem:$0xC200] =	vst v63  }
0xa8: {  	s10 =	sadd.s32 $0x16E3C00, s10;
	s11 =	sshrl.u32 s4, $0x3  }
0xa9: {  	s5 =	simm.s32 $0x6A00;
	s10 =	sshrl.u32 s10, $0x3;
	s11 =	sadd.s32 s1, s11  }
0xaa: {  	[tilespmem:s5], [sflag:$0x7] =	stream.linear.gather [hbm4b:s11+s3], $0x400, $0x38;
	[tilespmem:$0xC200] =	vst v63  }
0xab: {  	s10 =	sadd.s32 s1, s10;
	s31 =	simm.s32 $0x6E00  }
0xac: {  	[tilespmem:s31], [sflag:$0x7] =	stream.linear.gather [hbm4b:s10+s3], $0x400, $0x38;
	[tilespmem:$0xC200] =	vst v63  }
0xad: {  	v5 =	vld [tilespmem:$0x0];
	_ =	sdelay $0x4  }
0xae: {  	v5 =	vsel vm7, $0xFFFFFFFF, v5  }
0xaf: {  	v5 =	vxor.u32 $0x80000000, v5  }
0xb0: {  	(xrf0) =	vmax.scan.msk.u32 $0xffff, v5;
	_ =	sdelay $0x5  }
0xb1: {  	v5, _, _ =	vpop (xrf0)  }
0xb2: {  	(v2sf) =	vpush v5, $0xF;
	_ =	sdelay $0xe  }
0xb3: {  	s0 =	spop (v2sf)  }
0xb4: {  	s10 =	sshll.u32 s0, $0x3  }
0xb5: {  	s10 =	sand.u32 $0xFFFFFC00, s10  }
0xb6: {  	s4 =	sshrl.u32 s10, $0x3  }
0xb7: {  	s5 =	sadd.s32 $0x7A1400, s10;
	s11 =	sadd.s32 s1, s4  }
0xb8: {  	[tilespmem:s13], [sflag:$0x8] =	stream.linear.gather [hbm4b:s11+s3], $0x400, $0x38;
	[tilespmem:$0xC200] =	vst v63  }
0xb9: {  	s11 =	sshrl.u32 s5, $0x3  }
0xba: {  	s31 =	sadd.s32 $0xF42800, s10;
	s11 =	sadd.s32 s1, s11  }
0xbb: {  	[tilespmem:s14], [sflag:$0x8] =	stream.linear.gather [hbm4b:s11+s3], $0x400, $0x38;
	[tilespmem:$0xC200] =	vst v63  }
0xbc: {  	s10 =	sadd.s32 $0x16E3C00, s10;
	s11 =	sshrl.u32 s31, $0x3  }
0xbd: {  	s10 =	sshrl.u32 s10, $0x3;
	s11 =	sadd.s32 s1, s11  }
0xbe: {  	[tilespmem:s15], [sflag:$0x8] =	stream.linear.gather [hbm4b:s11+s3], $0x400, $0x38;
	[tilespmem:$0xC200] =	vst v63  }
0xbf: {  	s10 =	sadd.s32 s1, s10  }
0xc0: {  	[tilespmem:s17], [sflag:$0x8] =	stream.linear.gather [hbm4b:s10+s3], $0x400, $0x38;
	[tilespmem:$0xC200] =	vst v63  }
0xc1: {  	s10 =	simm.s32 $0x0  }
.LBB2_2:
0xc2: {  	_ =	swait.ge [sflag:s18], $0x1000  }
0xc3: {  	[sflag:s18] =	ssyncset.done $0x0  }
0xc4: {  	s11 =	sand.u32 $0x1F0, s10;
	[sflag:s18] =	ssyncadd.s32 $0xFFFFF000  }
0xc5: {  	v5 =	vld [tilespmem:s11+$0x0];
	_ =	sdelay $0x2  }
0xc6: {  	s31 =	sand.u32 $0x8, s10  }
0xc7: {  	v6 =	vmov s31  }
0xc8: {  	vm8 =	veq.s32 v6, v0;
	v5 =	vxor.u32 $0x80000000, v5  }
0xc9: {  	v5 =	vnsel vm8, $0x7FFFFFFF, v5  }
0xca: {  	(xrf0) =	vmax.scan.msk.u32 $0xffff, v5;
	_ =	sdelay $0x5  }
0xcb: {  	v5, _, _ =	vpop (xrf0)  }
0xcc: {  	(v2sf) =	vpush v5, $0xF;
	_ =	sdelay $0xe  }
0xcd: {  	s4 =	spop (v2sf)  }
0xce: {  	s31 =	sand.u32 $0x7F, s4  }
0xcf: {  	v5 =	vor.u32 s31, v1  }
0xd0: {  	v6 =	vmov s10;
	v7 =	vor.u32 s31, v4  }
0xd1: {  	v8 =	vshll.u32 v6, $0x3  }
0xd2: {  	v6 =	vand.u32 $0x78, v6;
	v8 =	vand.u32 $0xC00, v8  }
0xd3: {  	v6 =	vor.u32 v6, v8  }
0xd4: {  	v8 =	vor.u32 v2, v6;
	v5 =	vld.idx.msk [tilespmem:v5+s8+$0x0], $0xffff  }
0xd5: {  	v6 =	vor.u32 v3, v6;
	v7 =	vld.idx.msk [tilespmem:v7+s8+$0x0], $0xffff;
	_ =	sdelay $0x2  }
0xd6: {  	p0 =	seq.s32 s10, $0x1F8  }
0xd7: {  	s31 =	sadd.s32 @!p0 $0x8, s10;
	[tilespmem:v8+s19+$0x0] =	vst.idx.msk $0xffff, v5  }
0xd8: {  	s0 =	sand.u32 @!p0 $0x3F0, s31;
	[tilespmem:v6+s19+$0x0] =	vst.idx.msk $0xffff, v7  }
0xd9: {  	v6 =	vld @!p0 [tilespmem:s0+$0x0];
	_ =	sdelay $0x2  }
0xda: {  	s0 =	sand.u32 @!p0 $0x8, s31  }
0xdb: {  	v5 =	vlaneseq.u32 @!p0;
	v7 =	vmov @!p0 s0  }
0xdc: {  	vm8 =	veq.s32 @!p0 v7, v5;
	v6 =	vxor.u32 @!p0 $0x80000000, v6  }
0xdd: {  	v6 =	vnsel @!p0 vm8, $0x7FFFFFFF, v6  }
0xde: {  	(xrf0) =	vmax.scan.msk.u32 @!p0 $0xffff, v6;
	_ =	sdelay $0x5  }
0xdf: {  	v6, _, _ =	vpop @!p0 (xrf0)  }
0xe0: {  	(v2sf) =	vpush @!p0 v6, $0xF;
	_ =	sdelay $0xe  }
0xe1: {  	s0 =	spop @!p0 (v2sf)  }
0xe2: {  	s0 =	sshll.u32 @!p0 s0, $0x3  }
0xe3: {  	s0 =	sand.u32 @!p0 $0xFFFFFC00, s0  }
0xe4: {  	s31 =	sshrl.u32 @!p0 s0, $0x3  }
0xe5: {  	s5 =	simm.s32 @!p0 $0x200;
	s4 =	sadd.s32 @!p0 s1, s31;
	s31 =	simm.s32 @!p0 $0x0  }
0xe6: {  	[tilespmem:s5], [sflag:$0x1] =	stream.linear.gather @!p0 [hbm4b:s4+s31], $0x400, $0x38;
	[tilespmem:$0xC200] =	vst v63  }
0xe7: {  	s4 =	sadd.s32 @!p0 $0x7A1400, s0  }
0xe8: {  	s4 =	sshrl.u32 @!p0 s4, $0x3  }
0xe9: {  	s5 =	simm.s32 @!p0 $0x600;
	s4 =	sadd.s32 @!p0 s1, s4  }
0xea: {  	[tilespmem:s5], [sflag:$0x1] =	stream.linear.gather @!p0 [hbm4b:s4+s31], $0x400, $0x38;
	[tilespmem:$0xC200] =	vst v63  }
0xeb: {  	s4 =	sadd.s32 @!p0 $0xF42800, s0  }
0xec: {  	s0 =	sadd.s32 @!p0 $0x16E3C00, s0;
	s4 =	sshrl.u32 @!p0 s4, $0x3  }
0xed: {  	s5 =	simm.s32 @!p0 $0xA00;
	s0 =	sshrl.u32 @!p0 s0, $0x3;
	s4 =	sadd.s32 @!p0 s1, s4  }
0xee: {  	[tilespmem:s5], [sflag:$0x1] =	stream.linear.gather @!p0 [hbm4b:s4+s31], $0x400, $0x38;
	[tilespmem:$0xC200] =	vst v63  }
0xef: {  	s0 =	sadd.s32 @!p0 s1, s0;
	s4 =	simm.s32 @!p0 $0xE00  }
0xf0: {  	[tilespmem:s4], [sflag:$0x1] =	stream.linear.gather @!p0 [hbm4b:s0+s31], $0x400, $0x38;
	[tilespmem:$0xC200] =	vst v63  }
0xf1: {  	_ =	swait.ge [sflag:s21], $0x1000  }
0xf2: {  	[sflag:s21] =	ssyncset.done $0x0  }
0xf3: {  	[sflag:s21] =	ssyncadd.s32 $0xFFFFF000  }
0xf4: {  	v6 =	vld [tilespmem:s11+$0x0];
	_ =	sdelay $0x1  }
0xf5: {  	s0 =	sadd.s32 $0x1, s10  }
0xf6: {  	s5 =	sand.u32 $0x9, s0  }
0xf7: {  	v7 =	vmov s5  }
0xf8: {  	vm8 =	veq.s32 v7, v0;
	v6 =	vxor.u32 $0x80000000, v6  }
0xf9: {  	v6 =	vnsel vm8, $0x7FFFFFFF, v6  }
0xfa: {  	(xrf0) =	vmax.scan.msk.u32 $0xffff, v6;
	_ =	sdelay $0x5  }
0xfb: {  	v6, _, _ =	vpop (xrf0)  }
0xfc: {  	(v2sf) =	vpush v6, $0xF;
	_ =	sdelay $0xe  }
0xfd: {  	s5 =	spop (v2sf)  }
0xfe: {  	s4 =	sand.u32 $0x7F, s5  }
0xff: {  	v6 =	vor.u32 s4, v1  }
0x100: {  	v7 =	vmov s0;
	v52 =	vor.u32 s4, v4  }
0x101: {  	v9 =	vshll.u32 v7, $0x3  }
0x102: {  	v7 =	vand.u32 $0x79, v7;
	v9 =	vand.u32 $0xC00, v9  }
0x103: {  	v7 =	vor.u32 v7, v9  }
0x104: {  	v9 =	vor.u32 v2, v7;
	v6 =	vld.idx.msk [tilespmem:v6+s12+$0x0], $0xffff  }
0x105: {  	v7 =	vor.u32 v3, v7;
	v8 =	vld.idx.msk [tilespmem:v52+s12+$0x0], $0xffff;
	_ =	sdelay $0x3  }
0x106: {  	s0 =	sadd.s32 @!p0 $0x9, s10;
	[tilespmem:v9+s19+$0x0] =	vst.idx.msk $0xffff, v6  }
0x107: {  	s4 =	sand.u32 @!p0 $0x3F0, s0;
	[tilespmem:v7+s19+$0x0] =	vst.idx.msk $0xffff, v8  }
0x108: {  	v6 =	vld @!p0 [tilespmem:s4+$0x0];
	_ =	sdelay $0x2  }
0x109: {  	s0 =	sand.u32 @!p0 $0x9, s0  }
0x10a: {  	v7 =	vmov @!p0 s0  }
0x10b: {  	vm8 =	veq.s32 @!p0 v7, v5;
	v6 =	vxor.u32 @!p0 $0x80000000, v6  }
0x10c: {  	v6 =	vnsel @!p0 vm8, $0x7FFFFFFF, v6  }
0x10d: {  	(xrf0) =	vmax.scan.msk.u32 @!p0 $0xffff, v6;
	_ =	sdelay $0x5  }
0x10e: {  	v6, _, _ =	vpop @!p0 (xrf0)  }
0x10f: {  	(v2sf) =	vpush @!p0 v6, $0xF;
	_ =	sdelay $0xe  }
0x110: {  	s0 =	spop @!p0 (v2sf)  }
0x111: {  	s0 =	sshll.u32 @!p0 s0, $0x3  }
0x112: {  	s0 =	sand.u32 @!p0 $0xFFFFFC00, s0  }
0x113: {  	s4 =	sshrl.u32 @!p0 s0, $0x3  }
0x114: {  	s5 =	simm.s32 @!p0 $0x1200;
	s4 =	sadd.s32 @!p0 s1, s4  }
0x115: {  	[tilespmem:s5], [sflag:$0x2] =	stream.linear.gather @!p0 [hbm4b:s4+s31], $0x400, $0x38;
	[tilespmem:$0xC200] =	vst v63  }
0x116: {  	s4 =	sadd.s32 @!p0 $0x7A1400, s0  }
0x117: {  	s4 =	sshrl.u32 @!p0 s4, $0x3  }
0x118: {  	s5 =	simm.s32 @!p0 $0x1600;
	s4 =	sadd.s32 @!p0 s1, s4  }
0x119: {  	[tilespmem:s5], [sflag:$0x2] =	stream.linear.gather @!p0 [hbm4b:s4+s31], $0x400, $0x38;
	[tilespmem:$0xC200] =	vst v63  }
0x11a: {  	s4 =	sadd.s32 @!p0 $0xF42800, s0  }
0x11b: {  	s0 =	sadd.s32 @!p0 $0x16E3C00, s0;
	s4 =	sshrl.u32 @!p0 s4, $0x3  }
0x11c: {  	s5 =	simm.s32 @!p0 $0x1A00;
	s0 =	sshrl.u32 @!p0 s0, $0x3;
	s4 =	sadd.s32 @!p0 s1, s4  }
0x11d: {  	[tilespmem:s5], [sflag:$0x2] =	stream.linear.gather @!p0 [hbm4b:s4+s31], $0x400, $0x38;
	[tilespmem:$0xC200] =	vst v63  }
0x11e: {  	s0 =	sadd.s32 @!p0 s1, s0;
	s4 =	simm.s32 @!p0 $0x1E00  }
0x11f: {  	[tilespmem:s4], [sflag:$0x2] =	stream.linear.gather @!p0 [hbm4b:s0+s31], $0x400, $0x38;
	[tilespmem:$0xC200] =	vst v63  }
0x120: {  	_ =	swait.ge [sflag:s22], $0x1000  }
0x121: {  	[sflag:s22] =	ssyncset.done $0x0  }
0x122: {  	[sflag:s22] =	ssyncadd.s32 $0xFFFFF000  }
0x123: {  	v6 =	vld [tilespmem:s11+$0x0];
	_ =	sdelay $0x1  }
0x124: {  	s0 =	sadd.s32 $0x2, s10  }
0x125: {  	s5 =	sand.u32 $0xA, s0  }
0x126: {  	v7 =	vmov s5  }
0x127: {  	vm8 =	veq.s32 v7, v0;
	v6 =	vxor.u32 $0x80000000, v6  }
0x128: {  	v6 =	vnsel vm8, $0x7FFFFFFF, v6  }
0x129: {  	(xrf0) =	vmax.scan.msk.u32 $0xffff, v6;
	_ =	sdelay $0x5  }
0x12a: {  	v6, _, _ =	vpop (xrf0)  }
0x12b: {  	(v2sf) =	vpush v6, $0xF;
	_ =	sdelay $0xe  }
0x12c: {  	s5 =	spop (v2sf)  }
0x12d: {  	s4 =	sand.u32 $0x7F, s5  }
0x12e: {  	v6 =	vor.u32 s4, v1  }
0x12f: {  	v7 =	vmov s0;
	v53 =	vor.u32 s4, v4  }
0x130: {  	v54 =	vshll.u32 v7, $0x3  }
0x131: {  	v7 =	vand.u32 $0x7A, v7;
	v9 =	vand.u32 $0xC00, v54  }
0x132: {  	v7 =	vor.u32 v7, v9  }
0x133: {  	v9 =	vor.u32 v2, v7;
	v6 =	vld.idx.msk [tilespmem:v6+s16+$0x0], $0xffff  }
0x134: {  	v7 =	vor.u32 v3, v7;
	v8 =	vld.idx.msk [tilespmem:v53+s16+$0x0], $0xffff;
	_ =	sdelay $0x3  }
0x135: {  	s0 =	sadd.s32 @!p0 $0xA, s10;
	[tilespmem:v9+s19+$0x0] =	vst.idx.msk $0xffff, v6  }
0x136: {  	s4 =	sand.u32 @!p0 $0x3F0, s0;
	[tilespmem:v7+s19+$0x0] =	vst.idx.msk $0xffff, v8  }
0x137: {  	v6 =	vld @!p0 [tilespmem:s4+$0x0];
	_ =	sdelay $0x2  }
0x138: {  	s0 =	sand.u32 @!p0 $0xA, s0  }
0x139: {  	v7 =	vmov @!p0 s0  }
0x13a: {  	vm8 =	veq.s32 @!p0 v7, v5;
	v6 =	vxor.u32 @!p0 $0x80000000, v6  }
0x13b: {  	v6 =	vnsel @!p0 vm8, $0x7FFFFFFF, v6  }
0x13c: {  	(xrf0) =	vmax.scan.msk.u32 @!p0 $0xffff, v6;
	_ =	sdelay $0x5  }
0x13d: {  	v6, _, _ =	vpop @!p0 (xrf0)  }
0x13e: {  	(v2sf) =	vpush @!p0 v6, $0xF;
	_ =	sdelay $0xe  }
0x13f: {  	s0 =	spop @!p0 (v2sf)  }
0x140: {  	s0 =	sshll.u32 @!p0 s0, $0x3  }
0x141: {  	s0 =	sand.u32 @!p0 $0xFFFFFC00, s0  }
0x142: {  	s4 =	sshrl.u32 @!p0 s0, $0x3  }
0x143: {  	s5 =	simm.s32 @!p0 $0x2200;
	s4 =	sadd.s32 @!p0 s1, s4  }
0x144: {  	[tilespmem:s5], [sflag:$0x3] =	stream.linear.gather @!p0 [hbm4b:s4+s31], $0x400, $0x38;
	[tilespmem:$0xC200] =	vst v63  }
0x145: {  	s4 =	sadd.s32 @!p0 $0x7A1400, s0  }
0x146: {  	s4 =	sshrl.u32 @!p0 s4, $0x3  }
0x147: {  	s5 =	simm.s32 @!p0 $0x2600;
	s4 =	sadd.s32 @!p0 s1, s4  }
0x148: {  	[tilespmem:s5], [sflag:$0x3] =	stream.linear.gather @!p0 [hbm4b:s4+s31], $0x400, $0x38;
	[tilespmem:$0xC200] =	vst v63  }
0x149: {  	s4 =	sadd.s32 @!p0 $0xF42800, s0  }
0x14a: {  	s0 =	sadd.s32 @!p0 $0x16E3C00, s0;
	s4 =	sshrl.u32 @!p0 s4, $0x3  }
0x14b: {  	s5 =	simm.s32 @!p0 $0x2A00;
	s0 =	sshrl.u32 @!p0 s0, $0x3;
	s4 =	sadd.s32 @!p0 s1, s4  }
0x14c: {  	[tilespmem:s5], [sflag:$0x3] =	stream.linear.gather @!p0 [hbm4b:s4+s31], $0x400, $0x38;
	[tilespmem:$0xC200] =	vst v63  }
0x14d: {  	s0 =	sadd.s32 @!p0 s1, s0;
	s4 =	simm.s32 @!p0 $0x2E00  }
0x14e: {  	[tilespmem:s4], [sflag:$0x3] =	stream.linear.gather @!p0 [hbm4b:s0+s31], $0x400, $0x38;
	[tilespmem:$0xC200] =	vst v63  }
0x14f: {  	_ =	swait.ge [sflag:s23], $0x1000  }
0x150: {  	[sflag:s23] =	ssyncset.done $0x0  }
0x151: {  	[sflag:s23] =	ssyncadd.s32 $0xFFFFF000  }
0x152: {  	v6 =	vld [tilespmem:s11+$0x0];
	_ =	sdelay $0x1  }
0x153: {  	s0 =	sadd.s32 $0x3, s10  }
0x154: {  	s5 =	sand.u32 $0xB, s0  }
0x155: {  	v7 =	vmov s5  }
0x156: {  	vm8 =	veq.s32 v7, v0;
	v6 =	vxor.u32 $0x80000000, v6  }
0x157: {  	v6 =	vnsel vm8, $0x7FFFFFFF, v6  }
0x158: {  	(xrf0) =	vmax.scan.msk.u32 $0xffff, v6;
	_ =	sdelay $0x5  }
0x159: {  	v6, _, _ =	vpop (xrf0)  }
0x15a: {  	(v2sf) =	vpush v6, $0xF;
	_ =	sdelay $0xe  }
0x15b: {  	s5 =	spop (v2sf)  }
0x15c: {  	s4 =	sand.u32 $0x7F, s5  }
0x15d: {  	v6 =	vor.u32 s4, v1  }
0x15e: {  	v7 =	vmov s0;
	v55 =	vor.u32 s4, v4  }
0x15f: {  	v56 =	vshll.u32 v7, $0x3  }
0x160: {  	v7 =	vand.u32 $0x7B, v7;
	v9 =	vand.u32 $0xC00, v56  }
0x161: {  	v7 =	vor.u32 v7, v9  }
0x162: {  	v9 =	vor.u32 v2, v7;
	v6 =	vld.idx.msk [tilespmem:v6+s20+$0x0], $0xffff  }
0x163: {  	v7 =	vor.u32 v3, v7;
	v8 =	vld.idx.msk [tilespmem:v55+s20+$0x0], $0xffff;
	_ =	sdelay $0x3  }
0x164: {  	s0 =	sadd.s32 @!p0 $0xB, s10;
	[tilespmem:v9+s19+$0x0] =	vst.idx.msk $0xffff, v6  }
0x165: {  	s4 =	sand.u32 @!p0 $0x3F0, s0;
	[tilespmem:v7+s19+$0x0] =	vst.idx.msk $0xffff, v8  }
0x166: {  	v6 =	vld @!p0 [tilespmem:s4+$0x0];
	_ =	sdelay $0x2  }
0x167: {  	s0 =	sand.u32 @!p0 $0xB, s0  }
0x168: {  	v7 =	vmov @!p0 s0  }
0x169: {  	vm8 =	veq.s32 @!p0 v7, v5;
	v6 =	vxor.u32 @!p0 $0x80000000, v6  }
0x16a: {  	v6 =	vnsel @!p0 vm8, $0x7FFFFFFF, v6  }
0x16b: {  	(xrf0) =	vmax.scan.msk.u32 @!p0 $0xffff, v6;
	_ =	sdelay $0x5  }
0x16c: {  	v6, _, _ =	vpop @!p0 (xrf0)  }
0x16d: {  	(v2sf) =	vpush @!p0 v6, $0xF;
	_ =	sdelay $0xe  }
0x16e: {  	s0 =	spop @!p0 (v2sf)  }
0x16f: {  	s0 =	sshll.u32 @!p0 s0, $0x3  }
0x170: {  	s0 =	sand.u32 @!p0 $0xFFFFFC00, s0  }
0x171: {  	s4 =	sshrl.u32 @!p0 s0, $0x3  }
0x172: {  	s5 =	simm.s32 @!p0 $0x3200;
	s4 =	sadd.s32 @!p0 s1, s4  }
0x173: {  	[tilespmem:s5], [sflag:$0x4] =	stream.linear.gather @!p0 [hbm4b:s4+s31], $0x400, $0x38;
	[tilespmem:$0xC200] =	vst v63  }
0x174: {  	s4 =	sadd.s32 @!p0 $0x7A1400, s0  }
0x175: {  	s4 =	sshrl.u32 @!p0 s4, $0x3  }
0x176: {  	s5 =	simm.s32 @!p0 $0x3600;
	s4 =	sadd.s32 @!p0 s1, s4  }
0x177: {  	[tilespmem:s5], [sflag:$0x4] =	stream.linear.gather @!p0 [hbm4b:s4+s31], $0x400, $0x38;
	[tilespmem:$0xC200] =	vst v63  }
0x178: {  	s4 =	sadd.s32 @!p0 $0xF42800, s0  }
0x179: {  	s0 =	sadd.s32 @!p0 $0x16E3C00, s0;
	s4 =	sshrl.u32 @!p0 s4, $0x3  }
0x17a: {  	s5 =	simm.s32 @!p0 $0x3A00;
	s0 =	sshrl.u32 @!p0 s0, $0x3;
	s4 =	sadd.s32 @!p0 s1, s4  }
0x17b: {  	[tilespmem:s5], [sflag:$0x4] =	stream.linear.gather @!p0 [hbm4b:s4+s31], $0x400, $0x38;
	[tilespmem:$0xC200] =	vst v63  }
0x17c: {  	s0 =	sadd.s32 @!p0 s1, s0;
	s4 =	simm.s32 @!p0 $0x3E00  }
0x17d: {  	[tilespmem:s4], [sflag:$0x4] =	stream.linear.gather @!p0 [hbm4b:s0+s31], $0x400, $0x38;
	[tilespmem:$0xC200] =	vst v63  }
0x17e: {  	_ =	swait.ge [sflag:s25], $0x1000  }
0x17f: {  	[sflag:s25] =	ssyncset.done $0x0  }
0x180: {  	[sflag:s25] =	ssyncadd.s32 $0xFFFFF000  }
0x181: {  	v6 =	vld [tilespmem:s11+$0x0];
	_ =	sdelay $0x1  }
0x182: {  	s0 =	sadd.s32 $0x4, s10  }
0x183: {  	s5 =	sand.u32 $0xC, s0  }
0x184: {  	v7 =	vmov s5  }
0x185: {  	vm8 =	veq.s32 v7, v0;
	v6 =	vxor.u32 $0x80000000, v6  }
0x186: {  	v6 =	vnsel vm8, $0x7FFFFFFF, v6  }
0x187: {  	(xrf0) =	vmax.scan.msk.u32 $0xffff, v6;
	_ =	sdelay $0x5  }
0x188: {  	v6, _, _ =	vpop (xrf0)  }
0x189: {  	(v2sf) =	vpush v6, $0xF;
	_ =	sdelay $0xe  }
0x18a: {  	s5 =	spop (v2sf)  }
0x18b: {  	s4 =	sand.u32 $0x7F, s5  }
0x18c: {  	v6 =	vor.u32 s4, v1  }
0x18d: {  	v7 =	vmov s0;
	v57 =	vor.u32 s4, v4  }
0x18e: {  	v58 =	vshll.u32 v7, $0x3  }
0x18f: {  	v7 =	vand.u32 $0x7C, v7;
	v9 =	vand.u32 $0xC00, v58  }
0x190: {  	v7 =	vor.u32 v7, v9  }
0x191: {  	v9 =	vor.u32 v2, v7;
	v6 =	vld.idx.msk [tilespmem:v6+s24+$0x0], $0xffff  }
0x192: {  	v7 =	vor.u32 v3, v7;
	v8 =	vld.idx.msk [tilespmem:v57+s24+$0x0], $0xffff;
	_ =	sdelay $0x3  }
0x193: {  	s0 =	sadd.s32 @!p0 $0xC, s10;
	[tilespmem:v9+s19+$0x0] =	vst.idx.msk $0xffff, v6  }
0x194: {  	s4 =	sand.u32 @!p0 $0x3F0, s0;
	[tilespmem:v7+s19+$0x0] =	vst.idx.msk $0xffff, v8  }
0x195: {  	v6 =	vld @!p0 [tilespmem:s4+$0x0];
	_ =	sdelay $0x2  }
0x196: {  	s0 =	sand.u32 @!p0 $0xC, s0  }
0x197: {  	v7 =	vmov @!p0 s0  }
0x198: {  	vm8 =	veq.s32 @!p0 v7, v5;
	v6 =	vxor.u32 @!p0 $0x80000000, v6  }
0x199: {  	v6 =	vnsel @!p0 vm8, $0x7FFFFFFF, v6  }
0x19a: {  	(xrf0) =	vmax.scan.msk.u32 @!p0 $0xffff, v6;
	_ =	sdelay $0x5  }
0x19b: {  	v6, _, _ =	vpop @!p0 (xrf0)  }
0x19c: {  	(v2sf) =	vpush @!p0 v6, $0xF;
	_ =	sdelay $0xe  }
0x19d: {  	s0 =	spop @!p0 (v2sf)  }
0x19e: {  	s0 =	sshll.u32 @!p0 s0, $0x3  }
0x19f: {  	s0 =	sand.u32 @!p0 $0xFFFFFC00, s0  }
0x1a0: {  	s4 =	sshrl.u32 @!p0 s0, $0x3  }
0x1a1: {  	s5 =	simm.s32 @!p0 $0x4200;
	s4 =	sadd.s32 @!p0 s1, s4  }
0x1a2: {  	[tilespmem:s5], [sflag:$0x5] =	stream.linear.gather @!p0 [hbm4b:s4+s31], $0x400, $0x38;
	[tilespmem:$0xC200] =	vst v63  }
0x1a3: {  	s4 =	sadd.s32 @!p0 $0x7A1400, s0  }
0x1a4: {  	s4 =	sshrl.u32 @!p0 s4, $0x3  }
0x1a5: {  	s5 =	simm.s32 @!p0 $0x4600;
	s4 =	sadd.s32 @!p0 s1, s4  }
0x1a6: {  	[tilespmem:s5], [sflag:$0x5] =	stream.linear.gather @!p0 [hbm4b:s4+s31], $0x400, $0x38;
	[tilespmem:$0xC200] =	vst v63  }
0x1a7: {  	s4 =	sadd.s32 @!p0 $0xF42800, s0  }
0x1a8: {  	s0 =	sadd.s32 @!p0 $0x16E3C00, s0;
	s4 =	sshrl.u32 @!p0 s4, $0x3  }
0x1a9: {  	s5 =	simm.s32 @!p0 $0x4A00;
	s0 =	sshrl.u32 @!p0 s0, $0x3;
	s4 =	sadd.s32 @!p0 s1, s4  }
0x1aa: {  	[tilespmem:s5], [sflag:$0x5] =	stream.linear.gather @!p0 [hbm4b:s4+s31], $0x400, $0x38;
	[tilespmem:$0xC200] =	vst v63  }
0x1ab: {  	s0 =	sadd.s32 @!p0 s1, s0;
	s4 =	simm.s32 @!p0 $0x4E00  }
0x1ac: {  	[tilespmem:s4], [sflag:$0x5] =	stream.linear.gather @!p0 [hbm4b:s0+s31], $0x400, $0x38;
	[tilespmem:$0xC200] =	vst v63  }
0x1ad: {  	_ =	swait.ge [sflag:s26], $0x1000  }
0x1ae: {  	[sflag:s26] =	ssyncset.done $0x0  }
0x1af: {  	[sflag:s26] =	ssyncadd.s32 $0xFFFFF000  }
0x1b0: {  	v6 =	vld [tilespmem:s11+$0x0];
	_ =	sdelay $0x1  }
0x1b1: {  	s0 =	sadd.s32 $0x5, s10  }
0x1b2: {  	s5 =	sand.u32 $0xD, s0  }
0x1b3: {  	v7 =	vmov s5  }
0x1b4: {  	vm8 =	veq.s32 v7, v0;
	v6 =	vxor.u32 $0x80000000, v6  }
0x1b5: {  	v6 =	vnsel vm8, $0x7FFFFFFF, v6  }
0x1b6: {  	(xrf0) =	vmax.scan.msk.u32 $0xffff, v6;
	_ =	sdelay $0x5  }
0x1b7: {  	v6, _, _ =	vpop (xrf0)  }
0x1b8: {  	(v2sf) =	vpush v6, $0xF;
	_ =	sdelay $0xe  }
0x1b9: {  	s5 =	spop (v2sf)  }
0x1ba: {  	s4 =	sand.u32 $0x7F, s5  }
0x1bb: {  	v6 =	vor.u32 s4, v1  }
0x1bc: {  	v7 =	vmov s0;
	v59 =	vor.u32 s4, v4  }
0x1bd: {  	v60 =	vshll.u32 v7, $0x3  }
0x1be: {  	v7 =	vand.u32 $0x7D, v7;
	v9 =	vand.u32 $0xC00, v60  }
0x1bf: {  	v7 =	vor.u32 v7, v9  }
0x1c0: {  	v9 =	vor.u32 v2, v7;
	v6 =	vld.idx.msk [tilespmem:v6+s29+$0x0], $0xffff  }
0x1c1: {  	v7 =	vor.u32 v3, v7;
	v8 =	vld.idx.msk [tilespmem:v59+s29+$0x0], $0xffff;
	_ =	sdelay $0x3  }
0x1c2: {  	s0 =	sadd.s32 @!p0 $0xD, s10;
	[tilespmem:v9+s19+$0x0] =	vst.idx.msk $0xffff, v6  }
0x1c3: {  	s4 =	sand.u32 @!p0 $0x3F0, s0;
	[tilespmem:v7+s19+$0x0] =	vst.idx.msk $0xffff, v8  }
0x1c4: {  	v6 =	vld @!p0 [tilespmem:s4+$0x0];
	_ =	sdelay $0x2  }
0x1c5: {  	s0 =	sand.u32 @!p0 $0xD, s0  }
0x1c6: {  	v7 =	vmov @!p0 s0  }
0x1c7: {  	vm8 =	veq.s32 @!p0 v7, v5;
	v6 =	vxor.u32 @!p0 $0x80000000, v6  }
0x1c8: {  	v6 =	vnsel @!p0 vm8, $0x7FFFFFFF, v6  }
0x1c9: {  	(xrf0) =	vmax.scan.msk.u32 @!p0 $0xffff, v6;
	_ =	sdelay $0x5  }
0x1ca: {  	v6, _, _ =	vpop @!p0 (xrf0)  }
0x1cb: {  	(v2sf) =	vpush @!p0 v6, $0xF;
	_ =	sdelay $0xe  }
0x1cc: {  	s0 =	spop @!p0 (v2sf)  }
0x1cd: {  	s0 =	sshll.u32 @!p0 s0, $0x3  }
0x1ce: {  	s0 =	sand.u32 @!p0 $0xFFFFFC00, s0  }
0x1cf: {  	s4 =	sshrl.u32 @!p0 s0, $0x3  }
0x1d0: {  	s5 =	simm.s32 @!p0 $0x5200;
	s4 =	sadd.s32 @!p0 s1, s4  }
0x1d1: {  	[tilespmem:s5], [sflag:$0x6] =	stream.linear.gather @!p0 [hbm4b:s4+s31], $0x400, $0x38;
	[tilespmem:$0xC200] =	vst v63  }
0x1d2: {  	s4 =	sadd.s32 @!p0 $0x7A1400, s0  }
0x1d3: {  	s4 =	sshrl.u32 @!p0 s4, $0x3  }
0x1d4: {  	s5 =	simm.s32 @!p0 $0x5600;
	s4 =	sadd.s32 @!p0 s1, s4  }
0x1d5: {  	[tilespmem:s5], [sflag:$0x6] =	stream.linear.gather @!p0 [hbm4b:s4+s31], $0x400, $0x38;
	[tilespmem:$0xC200] =	vst v63  }
0x1d6: {  	s4 =	sadd.s32 @!p0 $0xF42800, s0  }
0x1d7: {  	s0 =	sadd.s32 @!p0 $0x16E3C00, s0;
	s4 =	sshrl.u32 @!p0 s4, $0x3  }
0x1d8: {  	s5 =	simm.s32 @!p0 $0x5A00;
	s0 =	sshrl.u32 @!p0 s0, $0x3;
	s4 =	sadd.s32 @!p0 s1, s4  }
0x1d9: {  	[tilespmem:s5], [sflag:$0x6] =	stream.linear.gather @!p0 [hbm4b:s4+s31], $0x400, $0x38;
	[tilespmem:$0xC200] =	vst v63  }
0x1da: {  	s0 =	sadd.s32 @!p0 s1, s0;
	s4 =	simm.s32 @!p0 $0x5E00  }
0x1db: {  	[tilespmem:s4], [sflag:$0x6] =	stream.linear.gather @!p0 [hbm4b:s0+s31], $0x400, $0x38;
	[tilespmem:$0xC200] =	vst v63  }
0x1dc: {  	_ =	swait.ge [sflag:s28], $0x1000  }
0x1dd: {  	[sflag:s28] =	ssyncset.done $0x0  }
0x1de: {  	[sflag:s28] =	ssyncadd.s32 $0xFFFFF000  }
0x1df: {  	v6 =	vld [tilespmem:s11+$0x0];
	_ =	sdelay $0x1  }
0x1e0: {  	s0 =	sadd.s32 $0x6, s10  }
0x1e1: {  	s5 =	sand.u32 $0xE, s0  }
0x1e2: {  	v7 =	vmov s5  }
0x1e3: {  	vm8 =	veq.s32 v7, v0;
	v6 =	vxor.u32 $0x80000000, v6  }
0x1e4: {  	v6 =	vnsel vm8, $0x7FFFFFFF, v6  }
0x1e5: {  	(xrf0) =	vmax.scan.msk.u32 $0xffff, v6;
	_ =	sdelay $0x5  }
0x1e6: {  	v6, _, _ =	vpop (xrf0)  }
0x1e7: {  	(v2sf) =	vpush v6, $0xF;
	_ =	sdelay $0xe  }
0x1e8: {  	s5 =	spop (v2sf)  }
0x1e9: {  	s4 =	sand.u32 $0x7F, s5  }
0x1ea: {  	v6 =	vor.u32 s4, v1  }
0x1eb: {  	v7 =	vmov s0;
	v61 =	vor.u32 s4, v4  }
0x1ec: {  	v62 =	vshll.u32 v7, $0x3  }
0x1ed: {  	v7 =	vand.u32 $0x7E, v7;
	v9 =	vand.u32 $0xC00, v62  }
0x1ee: {  	v7 =	vor.u32 v7, v9  }
0x1ef: {  	v9 =	vor.u32 v2, v7;
	v6 =	vld.idx.msk [tilespmem:v6+s2+$0x0], $0xffff  }
0x1f0: {  	v7 =	vor.u32 v3, v7;
	v8 =	vld.idx.msk [tilespmem:v61+s2+$0x0], $0xffff;
	_ =	sdelay $0x3  }
0x1f1: {  	s0 =	sadd.s32 @!p0 $0xE, s10;
	[tilespmem:v9+s19+$0x0] =	vst.idx.msk $0xffff, v6  }
0x1f2: {  	s4 =	sand.u32 @!p0 $0x3F0, s0;
	[tilespmem:v7+s19+$0x0] =	vst.idx.msk $0xffff, v8  }
0x1f3: {  	v6 =	vld @!p0 [tilespmem:s4+$0x0];
	_ =	sdelay $0x2  }
0x1f4: {  	s0 =	sand.u32 @!p0 $0xE, s0  }
0x1f5: {  	v7 =	vmov @!p0 s0  }
0x1f6: {  	vm8 =	veq.s32 @!p0 v7, v5;
	v5 =	vxor.u32 @!p0 $0x80000000, v6  }
0x1f7: {  	v5 =	vnsel @!p0 vm8, $0x7FFFFFFF, v5  }
0x1f8: {  	(xrf0) =	vmax.scan.msk.u32 @!p0 $0xffff, v5;
	_ =	sdelay $0x5  }
0x1f9: {  	v5, _, _ =	vpop @!p0 (xrf0)  }
0x1fa: {  	(v2sf) =	vpush @!p0 v5, $0xF;
	_ =	sdelay $0xe  }
0x1fb: {  	s0 =	spop @!p0 (v2sf)  }
0x1fc: {  	s0 =	sshll.u32 @!p0 s0, $0x3  }
0x1fd: {  	s0 =	sand.u32 @!p0 $0xFFFFFC00, s0  }
0x1fe: {  	s4 =	sshrl.u32 @!p0 s0, $0x3  }
0x1ff: {  	s5 =	simm.s32 @!p0 $0x6200;
	s4 =	sadd.s32 @!p0 s1, s4  }
0x200: {  	[tilespmem:s5], [sflag:$0x7] =	stream.linear.gather @!p0 [hbm4b:s4+s31], $0x400, $0x38;
	[tilespmem:$0xC200] =	vst v63  }
0x201: {  	s4 =	sadd.s32 @!p0 $0x7A1400, s0  }
0x202: {  	s4 =	sshrl.u32 @!p0 s4, $0x3  }
0x203: {  	s5 =	simm.s32 @!p0 $0x6600;
	s4 =	sadd.s32 @!p0 s1, s4  }
0x204: {  	[tilespmem:s5], [sflag:$0x7] =	stream.linear.gather @!p0 [hbm4b:s4+s31], $0x400, $0x38;
	[tilespmem:$0xC200] =	vst v63  }
0x205: {  	s4 =	sadd.s32 @!p0 $0xF42800, s0  }
0x206: {  	s0 =	sadd.s32 @!p0 $0x16E3C00, s0;
	s4 =	sshrl.u32 @!p0 s4, $0x3  }
0x207: {  	s5 =	simm.s32 @!p0 $0x6A00;
	s0 =	sshrl.u32 @!p0 s0, $0x3;
	s4 =	sadd.s32 @!p0 s1, s4  }
0x208: {  	[tilespmem:s5], [sflag:$0x7] =	stream.linear.gather @!p0 [hbm4b:s4+s31], $0x400, $0x38;
	[tilespmem:$0xC200] =	vst v63  }
0x209: {  	s0 =	sadd.s32 @!p0 s1, s0;
	s4 =	simm.s32 @!p0 $0x6E00  }
0x20a: {  	[tilespmem:s4], [sflag:$0x7] =	stream.linear.gather @!p0 [hbm4b:s0+s31], $0x400, $0x38;
	[tilespmem:$0xC200] =	vst v63  }
0x20b: {  	_ =	swait.ge [sflag:s30], $0x1000  }
0x20c: {  	[sflag:s30] =	ssyncset.done $0x0  }
0x20d: {  	[sflag:s30] =	ssyncadd.s32 $0xFFFFF000  }
0x20e: {  	v5 =	vld [tilespmem:s11+$0x0];
	_ =	sdelay $0x1  }
0x20f: {  	s5 =	sadd.s32 $0x7, s10  }
0x210: {  	s11 =	sand.u32 $0xF, s5  }
0x211: {  	v6 =	vmov s11  }
0x212: {  	vm8 =	veq.s32 v6, v0;
	v5 =	vxor.u32 $0x80000000, v5  }
0x213: {  	v5 =	vnsel vm8, $0x7FFFFFFF, v5  }
0x214: {  	(xrf0) =	vmax.scan.msk.u32 $0xffff, v5;
	_ =	sdelay $0x5  }
0x215: {  	v5, _, _ =	vpop (xrf0)  }
0x216: {  	(v2sf) =	vpush v5, $0xF;
	_ =	sdelay $0xe  }
0x217: {  	s31 =	spop (v2sf)  }
0x218: {  	s4 =	sand.u32 $0x7F, s31  }
0x219: {  	v5 =	vor.u32 s4, v1  }
0x21a: {  	v6 =	vmov s5;
	v7 =	vor.u32 s4, v4  }
0x21b: {  	v63 =	vshll.u32 v6, $0x3  }
0x21c: {  	v6 =	vand.u32 $0x7F, v6;
	v8 =	vand.u32 $0xC00, v63  }
0x21d: {  	v6 =	vor.u32 v6, v8  }
0x21e: {  	v8 =	vor.u32 v2, v6;
	v5 =	vld.idx.msk [tilespmem:v5+s13+$0x0], $0xffff  }
0x21f: {  	v6 =	vor.u32 v3, v6;
	v7 =	vld.idx.msk [tilespmem:v7+s13+$0x0], $0xffff  }
.Ltmp2:
0x220: {  	_ = 	snop;
	(pc) =	sbr.rel @p0 .LBB2_4-.Ltmp2, $3  }
0x221: {  	_ =	sdelay $0x1  }
0x222: {  	[tilespmem:v8+s19+$0x0] =	vst.idx.msk $0xffff, v5  }
0x223: {  	[tilespmem:v6+s19+$0x0] =	vst.idx.msk $0xffff, v7  }
0x224: {  	s0 =	sadd.s32 $0xF, s10  }
0x225: {  	s4 =	sand.u32 $0x3F0, s0  }
0x226: {  	v5 =	vld [tilespmem:s4+$0x0];
	_ =	sdelay $0x2  }
0x227: {  	s0 =	sand.u32 $0xF, s0  }
0x228: {  	v6 =	vmov s0  }
0x229: {  	vm8 =	veq.s32 v6, v0;
	v5 =	vxor.u32 $0x80000000, v5  }
0x22a: {  	v5 =	vnsel vm8, $0x7FFFFFFF, v5  }
0x22b: {  	(xrf0) =	vmax.scan.msk.u32 $0xffff, v5;
	_ =	sdelay $0x5  }
0x22c: {  	v5, _, _ =	vpop (xrf0)  }
0x22d: {  	(v2sf) =	vpush v5, $0xF;
	_ =	sdelay $0xe  }
0x22e: {  	s4 =	spop (v2sf)  }
0x22f: {  	s0 =	sshll.u32 s4, $0x3  }
0x230: {  	s0 =	sand.u32 $0xFFFFFC00, s0  }
0x231: {  	s5 =	sshrl.u32 s0, $0x3  }
0x232: {  	s11 =	sadd.s32 $0x7A1400, s0;
	s4 =	sadd.s32 s1, s5  }
0x233: {  	[tilespmem:s13], [sflag:$0x8] =	stream.linear.gather [hbm4b:s4+s3], $0x400, $0x38;
	[tilespmem:$0xC200] =	vst v63  }
0x234: {  	s4 =	sshrl.u32 s11, $0x3  }
0x235: {  	s31 =	sadd.s32 $0xF42800, s0;
	s4 =	sadd.s32 s1, s4  }
0x236: {  	[tilespmem:s14], [sflag:$0x8] =	stream.linear.gather [hbm4b:s4+s3], $0x400, $0x38;
	[tilespmem:$0xC200] =	vst v63  }
.Ltmp3:
0x237: {  	s0 =	sadd.s32 $0x16E3C00, s0;
	s4 =	sshrl.u32 s31, $0x3;
	(pc) =	sbr.rel .LBB2_2-.Ltmp3, $4  }
0x238: {  	s0 =	sshrl.u32 s0, $0x3;
	s4 =	sadd.s32 s1, s4  }
0x239: {  	[tilespmem:s15], [sflag:$0x8] =	stream.linear.gather [hbm4b:s4+s3], $0x400, $0x38;
	[tilespmem:$0xC200] =	vst v63  }
0x23a: {  	s10 =	sadd.s32 $0x8, s10;
	s0 =	sadd.s32 s1, s0  }
0x23b: {  	[tilespmem:s17], [sflag:$0x8] =	stream.linear.gather [hbm4b:s0+s3], $0x400, $0x38;
	[tilespmem:$0xC200] =	vst v63  }
.LBB2_5:
0x23c: {  	_ =	sfence.sel $0x180000  }
0x23d: {  	[bflag:$0x0] =	sbarrier.arrive $0xFFFF  }
0x23e: {  	_ =	strace $0x90000047  }
0x23f: {  	s0 =	stileid.u32;
	[bflag:$0x2] =	sbarrier.arrive $0xFFFF  }
0x240: {  	p0 =	sne.s32 s0, $0x0;
	s0 =	rddreg [dreg:$0x3]  }
0x241: {  	s0 =	sadd.s32 @!p0 $0x100000, s0  }
0x242: {  	[sflag:s0] =	ssyncadd.tile.s32 @!p0 $0x1;
	_ =	shalt  }
.Lfunc_end2:
_tile_overlayer_lowered:
.L_overlay_start_2:
0x243: {  	(tag) =	ssettag $0x2  }
0x244: {  	s0 =	rddreg [dreg:$0x0];
	s2 =	stileid.u32  }
0x245: {  	s1 =	rddreg [dreg:$0x1];
	p0 =	sne.s32 s2, $0x0  }
0x246: {  	s3 =	rddreg [dreg:$0x2];
	[bflag:$0x3] =	sbarrier.arrive $0xFFFF;
	s2 =	simm.s32 @!p0 $0x1C09  }
0x247: {  	[timem:s3], [sflag:s2] =	dma.local @!p0 [hbm:s0], s1  }
0x248: {  	s0 =	simm.s32 @!p0 $0x9  }
0x249: {  	_ =	swait.ge @!p0 [sflag:s0], s1  }
0x24a: {  	s1 =	ssub.s32 @!p0 $0x0, s1;
	[sflag:s0] =	ssyncset.done @!p0 $0x0  }
0x24b: {  	[sflag:s0] =	ssyncadd.s32 @!p0 s1  }
0x24c: {  	[bflag:$0x3] =	sbarrier.arrive $0xFFFF  }
0x24d: {  	_ =	shalt  }

</sc_bundles>
